<compile_context>
chip_gen: v7x
topology: tpu7x:2x2x1
jax: 0.10.2.dev20260603
libtpu: 0.0.44.dev20260713+nightly
codegen_flags: <defaults>
</compile_context>

<pallas_src>
import functools

import jax
import jax.numpy as jnp
from jax import lax
from jax.experimental import pallas as pl
from jax.experimental.pallas import tpu as pltpu
from jax.experimental.pallas import tpu_sc as plsc

N = 10000
E = 160000
NP = 10240
EP = 163840
NPT = NP // 16

_MESH = dict(core_axis_name="c", subcore_axis_name="s")


def _sc_degrees(e16):

    @functools.partial(
        pl.kernel,
        mesh=plsc.VectorSubcoreMesh(**_MESH),
        out_type=jax.ShapeDtypeStruct((2, NP), jnp.float32),
        scratch_types=[
            pltpu.VMEM((80, 128), jnp.int32),
            pltpu.VMEM((128,), jnp.float32),
            pltpu.VMEM((NPT,), jnp.float32),
            pltpu.VMEM_SHARED((NP,), jnp.float32),
        ],
    )
    def k(e_hbm, out_hbm, idxv, onesv, zv, acc):
        cid = lax.axis_index("c")
        sid = lax.axis_index("s")
        pltpu.sync_copy(e_hbm.at[cid, sid], idxv)
        for i in range(8):
            onesv[pl.ds(i * 16, 16)] = jnp.ones((16,), jnp.float32)

        def zrow(r, c):
            zv[pl.ds(r * 16, 16)] = jnp.zeros((16,), jnp.float32)
            return c

        lax.fori_loop(0, NPT // 16, zrow, 0)
        pltpu.sync_copy(zv, acc.at[pl.ds(sid * NPT, NPT)])
        plsc.subcore_barrier()

        def chunk(j, c):
            pltpu.sync_copy(onesv, acc.at[idxv.at[j]], add=True)
            return c

        lax.fori_loop(0, 80, chunk, 0)
        plsc.subcore_barrier()
        pltpu.sync_copy(acc.at[pl.ds(sid * NPT, NPT)],
                        out_hbm.at[cid, pl.ds(sid * NPT, NPT)])

    return k(e16)


RH = 5120
ACC_R = 5632
ZPT = ACC_R // 16
CPT = RH // 16


def _sc_agg(table, edges, nchunks, per_core_edges, offset_by_core):

    @functools.partial(
        pl.kernel,
        mesh=plsc.VectorSubcoreMesh(**_MESH),
        out_type=jax.ShapeDtypeStruct((2, NP, 128), jnp.float32),
        scratch_types=[
            pltpu.VMEM((nchunks, 128), jnp.int32),
            pltpu.VMEM((nchunks, 128), jnp.int32),
            pltpu.VMEM((nchunks, 128), jnp.int32),
            pltpu.VMEM((128, 128), jnp.float32),
            pltpu.VMEM((128, 128), jnp.float32),
            pltpu.VMEM((32, 128), jnp.float32),
            pltpu.VMEM_SHARED((ACC_R, 128), jnp.float32),
            pltpu.SemaphoreType.DMA,
            pltpu.SemaphoreType.DMA,
        ],
    )
    def k(tab_hbm, e_hbm, out_hbm, srcv, dstAv, dstBv, rows0, rows1,
          zbuf, acc, gsem0, gsem1):
        cid = lax.axis_index("c")
        sid = lax.axis_index("s")
        tid = cid * 16 + sid if per_core_edges else sid
        pltpu.sync_copy(e_hbm.at[0, tid], srcv)
        pltpu.sync_copy(e_hbm.at[1, tid], dstAv)
        pltpu.sync_copy(e_hbm.at[2, tid], dstBv)

        if offset_by_core:
            off = cid * NP

            def addoff(j, c):
                for i in range(8):
                    srcv[j, pl.ds(i * 16, 16)] = srcv[j, pl.ds(i * 16, 16)] + off
                return c

            lax.fori_loop(0, nchunks, addoff, 0)

        def zrow(r, c):
            for i in range(8):
                zbuf[r, pl.ds(i * 16, 16)] = jnp.zeros((16,), jnp.float32)
            return c

        lax.fori_loop(0, 32, zrow, 0)

        for p in range(2):
            dstv = dstAv if p == 0 else dstBv
            for b in range(ZPT // 32):
                pltpu.sync_copy(zbuf,
                                acc.at[pl.ds(sid * ZPT + b * 32, 32)])
            plsc.subcore_barrier()

            pltpu.async_copy(tab_hbm.at[srcv.at[0]], rows0, gsem0)

            def chunk2(jj, c):
                j0 = 2 * jj
                pltpu.async_copy(tab_hbm.at[srcv.at[j0 + 1]], rows1, gsem1)
                pltpu.make_async_copy(tab_hbm.at[srcv.at[j0]], rows0,
                                      gsem0).wait()
                pltpu.sync_copy(rows0, acc.at[dstv.at[j0]], add=True)

                @pl.when(jj < nchunks // 2 - 1)
                def _():
                    pltpu.async_copy(tab_hbm.at[srcv.at[j0 + 2]], rows0, gsem0)

                pltpu.make_async_copy(tab_hbm.at[srcv.at[j0 + 1]], rows1,
                                      gsem1).wait()
                pltpu.sync_copy(rows1, acc.at[dstv.at[j0 + 1]], add=True)
                return c

            lax.fori_loop(0, nchunks // 2, chunk2, 0)
            plsc.subcore_barrier()
            pltpu.sync_copy(acc.at[pl.ds(sid * CPT, CPT)],
                            out_hbm.at[cid, pl.ds(p * RH + sid * CPT, CPT)])
            plsc.subcore_barrier()

    return k(table, edges)


def _tc_prep(degT, Xp):
    bm = 2048

    def body(d_ref, x_ref, xn_ref, n_ref):
        d = d_ref[...]
        nrm = jnp.where(d > 0, lax.rsqrt(jnp.maximum(d, 1.0)), 0.0)
        n_ref[...] = nrm
        ns = nrm[:, 0:1]
        x = x_ref[...]
        xn_ref[0] = x[:, :128] * ns
        xn_ref[1] = x[:, 128:] * ns

    return pl.pallas_call(
        body,
        grid=(NP // bm,),
        in_specs=[
            pl.BlockSpec((bm, 2), lambda i: (i, 0)),
            pl.BlockSpec((bm, 256), lambda i: (i, 0)),
        ],
        out_specs=[
            pl.BlockSpec((2, bm, 128), lambda i: (0, i, 0)),
            pl.BlockSpec((bm, 2), lambda i: (i, 0)),
        ],
        out_shape=[
            jax.ShapeDtypeStruct((2, NP, 128), jnp.float32),
            jax.ShapeDtypeStruct((NP, 2), jnp.float32),
        ],
    )(degT, Xp)


def _tc_mid(agg1, norms, W1a, W1b, b1, W2):
    bm = 2048

    def body(a_ref, n_ref, w1a_ref, w1b_ref, b1_ref, w2_ref, t_ref):
        nrm = n_ref[...]
        ns = nrm[:, 0:1]
        nd = nrm[:, 1:2]
        pre = (jnp.dot(a_ref[0] * nd, w1a_ref[...],
                       preferred_element_type=jnp.float32)
               + jnp.dot(a_ref[1] * nd, w1b_ref[...],
                         preferred_element_type=jnp.float32)
               + b1_ref[...])
        h = jnp.maximum(pre, 0.0)
        t_ref[...] = jnp.dot(h * ns, w2_ref[...],
                             preferred_element_type=jnp.float32)

    return pl.pallas_call(
        body,
        grid=(NP // bm,),
        in_specs=[
            pl.BlockSpec((2, bm, 128), lambda i: (0, i, 0)),
            pl.BlockSpec((bm, 2), lambda i: (i, 0)),
            pl.BlockSpec((128, 256), lambda i: (0, 0)),
            pl.BlockSpec((128, 256), lambda i: (0, 0)),
            pl.BlockSpec((1, 256), lambda i: (0, 0)),
            pl.BlockSpec((256, 128), lambda i: (0, 0)),
        ],
        out_specs=pl.BlockSpec((bm, 128), lambda i: (i, 0)),
        out_shape=jax.ShapeDtypeStruct((NP, 128), jnp.float32),
    )(agg1, norms, W1a, W1b, b1, W2)


def _tc_z(agg2, norms, b2):
    bm = 2048

    def body(a_ref, n_ref, b2_ref, z_ref):
        nd = n_ref[...][:, 1:2]
        z_ref[...] = (a_ref[0] + a_ref[1]) * nd + b2_ref[...]

    return pl.pallas_call(
        body,
        grid=(NP // bm,),
        in_specs=[
            pl.BlockSpec((2, bm, 128), lambda i: (0, i, 0)),
            pl.BlockSpec((bm, 2), lambda i: (i, 0)),
            pl.BlockSpec((1, 128), lambda i: (0, 0)),
        ],
        out_specs=pl.BlockSpec((bm, 128), lambda i: (i, 0)),
        out_shape=jax.ShapeDtypeStruct((NP, 128), jnp.float32),
    )(agg2, norms, b2)


def _tc_decoder(z):
    bm, bn = 2048, 2048

    def body(a_ref, b_ref, o_ref):
        o_ref[...] = lax.dot_general(
            a_ref[...], b_ref[...], (((1,), (1,)), ((), ())),
            preferred_element_type=jnp.float32)

    return pl.pallas_call(
        body,
        grid=(pl.cdiv(N, bm), pl.cdiv(N, bn)),
        in_specs=[
            pl.BlockSpec((bm, 128), lambda i, j: (i, 0)),
            pl.BlockSpec((bn, 128), lambda i, j: (j, 0)),
        ],
        out_specs=pl.BlockSpec((bm, bn), lambda i, j: (i, j)),
        out_shape=jax.ShapeDtypeStruct((N, N), jnp.float32),
    )(z, z)


def kernel(g, features, W1, b1, W2, b2):
    src = g[0].astype(jnp.int32)
    dst = g[1].astype(jnp.int32)
    pad = EP - E
    spread = N + (jnp.arange(pad, dtype=jnp.int32) % (NP - N))
    srcp = jnp.concatenate([src, spread])
    dstp = jnp.concatenate([dst, spread])

    e16 = jnp.stack([srcp, dstp]).reshape(2, 16, 80, 128)
    deg = _sc_degrees(e16)
    degT = deg.T

    Xp = jnp.pad(features, ((0, NP - N), (0, 0)))
    xn, norms = _tc_prep(degT, Xp)

    dum = RH + (jnp.arange(EP, dtype=jnp.int32) & 511)
    dstA = jnp.where(dstp < RH, dstp, dum)
    dstB = jnp.where(dstp >= RH, dstp - RH, dum)
    e3 = jnp.stack([srcp, dstA, dstB])

    table1 = xn.reshape(2 * NP, 128)
    agg1 = _sc_agg(table1, e3.reshape(3, 16, 80, 128), 80,
                   per_core_edges=False, offset_by_core=True)

    t = _tc_mid(agg1, norms, W1[:128], W1[128:], b1.reshape(1, 256), W2)

    agg2 = _sc_agg(t, e3.reshape(3, 32, 40, 128), 40,
                   per_core_edges=True, offset_by_core=False)

    z = _tc_z(agg2, norms, b2.reshape(1, 128))
    return _tc_decoder(z)

# --- scband reference (transcript-rebuilt; emitter-appended) ---
"""Pipeline reference for scband-gae-56006373539914 (READ-ONLY COPY).

The authoritative reference and input builder live on the scoring server;
editing this copy changes nothing except your own understanding.
"""

import jax, jax.numpy as jnp
import numpy as np

N_NODES = 10000
N_EDGES = 160000
IN_DIM = 256
HIDDEN_DIMS = [256, 128]


def _glorot(key, shape):
    fan_in, fan_out = shape[0], shape[1]
    limit = np.sqrt(6.0 / (fan_in + fan_out))
    return jax.random.uniform(key, shape, dtype=jnp.float32, minval=-limit, maxval=limit)


def setup_inputs(seed: int = 0) -> dict:
    key = jax.random.key(seed)
    k1, k2, k3, k4 = jax.random.split(key, 4)
    g = jax.random.randint(k1, (2, N_EDGES), 0, N_NODES, dtype=jnp.int64)
    features = jax.random.normal(k2, (N_NODES, IN_DIM), dtype=jnp.float32)
    W1 = _glorot(k3, (IN_DIM, HIDDEN_DIMS[0]))
    b1 = jnp.zeros((HIDDEN_DIMS[0],), dtype=jnp.float32)
    W2 = _glorot(k4, (HIDDEN_DIMS[0], HIDDEN_DIMS[1]))
    b2 = jnp.zeros((HIDDEN_DIMS[1],), dtype=jnp.float32)
    return {"g": g, "features": features, "W1": W1, "b1": b1, "W2": W2, "b2": b2}


def _graph_conv(h, src, dst, W, b, n_nodes, activation=None):
    # DGL GraphConv with norm='both': D_out^{-1/2} on src side, aggregate, D_in^{-1/2} on dst side
    ones = jnp.ones((src.shape[0],), dtype=h.dtype)
    out_deg = jax.ops.segment_sum(ones, src, num_segments=n_nodes)
    in_deg = jax.ops.segment_sum(ones, dst, num_segments=n_nodes)
    norm_src = jnp.where(out_deg > 0, jax.lax.rsqrt(jnp.maximum(out_deg, 1.0)), 0.0)
    norm_dst = jnp.where(in_deg > 0, jax.lax.rsqrt(jnp.maximum(in_deg, 1.0)), 0.0)
    h = h * norm_src[:, None]
    msgs = jnp.take(h, src, axis=0)
    agg = jax.ops.segment_sum(msgs, dst, num_segments=n_nodes)
    agg = agg * norm_dst[:, None]
    out = agg @ W + b
    if activation is not None:
        out = activation(out)
    return out


def reference(g, features, W1, b1, W2, b2):
    # Dropout layers act as identity in deterministic/eval reference.
    src = g[0]
    dst = g[1]
    h = _graph_conv(features, src, dst, W1, b1, N_NODES, activation=jax.nn.relu)
    h = _graph_conv(h, src, dst, W2, b2, N_NODES, activation=None)
    # InnerProductDecoder with identity activation
    adj_rec = h @ h.T
    return adj_rec

if __name__ == "__main__":
    import jax
    _d = setup_inputs()
    print(jax.jit(kernel)(*tuple(_d.values())))

</pallas_src>

<mosaic_0001>
#map = affine_map<(d0, d1) -> (0, 0, 0, 0)>
#map1 = affine_map<(d0, d1) -> (0, 0)>
module attributes {stable_mosaic.version = 14 : i64} {
  func.func @k(%arg0: i32, %arg1: i32, %arg2: memref<2x16x80x128xi32, #tpu.memory_space<hbm>>, %arg3: memref<2x10240xf32, #tpu.memory_space<hbm>>, %arg4: memref<80x128xi32, #tpu.memory_space<vmem>>, %arg5: memref<128xf32, #tpu.memory_space<vmem>>, %arg6: memref<640xf32, #tpu.memory_space<vmem>>, %arg7: memref<10240xf32, #tpu.memory_space<vmem_shared>>) attributes {dimension_semantics = [#tpu.dimension_semantics<core_parallel>, #tpu.dimension_semantics<subcore_parallel>], iteration_bounds = array<i64: 2, 16>, scalar_prefetch = 0 : i64, scratch_operands = 4 : i64, tpu.core_type = #tpu.core_type<sc_vector_subcore>, window_params = [{transform_indices = #map}, {transform_indices = #map1}]} {
    "tpu.region"() ({
      %run_scoped3A = tpu.sem_alloc : memref<!tpu.dma_semaphore, #tpu.memory_space<semaphore_mem>>
      %dma_start3A = arith.constant 0 : i32
      %dma_start3A_63 = arith.constant 0 : i32
      %dma_start3A_64 = tpu.memref_slice %arg2[%arg0, %arg1, %dma_start3A, %dma_start3A_63] : memref<2x16x80x128xi32, #tpu.memory_space<hbm>> -> memref<1x1x80x128xi32, #tpu.memory_space<hbm>>
      %dma_start3A_65 = tpu.memref_squeeze %dma_start3A_64 : memref<1x1x80x128xi32, #tpu.memory_space<hbm>> -> memref<80x128xi32, #tpu.memory_space<hbm>>
      %dma_start3A_66 = arith.constant 0 : i32
      %dma_start3A_67 = arith.constant 0 : i32
      %dma_start3A_68 = tpu.memref_slice %arg2[%arg0, %arg1, %dma_start3A_66, %dma_start3A_67] : memref<2x16x80x128xi32, #tpu.memory_space<hbm>> -> memref<1x1x80x128xi32, #tpu.memory_space<hbm>>
      %dma_start3A_69 = tpu.memref_squeeze %dma_start3A_68 : memref<1x1x80x128xi32, #tpu.memory_space<hbm>> -> memref<80x128xi32, #tpu.memory_space<hbm>>
      tpu.enqueue_dma source(%dma_start3A_69 : memref<80x128xi32, #tpu.memory_space<hbm>>) target(%arg4 : memref<80x128xi32, #tpu.memory_space<vmem>>) target_semaphore(%run_scoped3A : memref<!tpu.dma_semaphore, #tpu.memory_space<semaphore_mem>>)
      %dma_wait3A = arith.constant 0 : i32
      %dma_wait3A_70 = arith.constant 0 : i32
      %dma_wait3A_71 = tpu.memref_slice %arg2[%arg0, %arg1, %dma_wait3A, %dma_wait3A_70] : memref<2x16x80x128xi32, #tpu.memory_space<hbm>> -> memref<1x1x80x128xi32, #tpu.memory_space<hbm>>
      %dma_wait3A_72 = tpu.memref_squeeze %dma_wait3A_71 : memref<1x1x80x128xi32, #tpu.memory_space<hbm>> -> memref<80x128xi32, #tpu.memory_space<hbm>>
      %dma_wait3A_73 = arith.constant 0 : i32
      %dma_wait3A_74 = arith.constant 0 : i32
      %dma_wait3A_75 = tpu.memref_slice %arg2[%arg0, %arg1, %dma_wait3A_73, %dma_wait3A_74] : memref<2x16x80x128xi32, #tpu.memory_space<hbm>> -> memref<1x1x80x128xi32, #tpu.memory_space<hbm>>
      %dma_wait3A_76 = tpu.memref_squeeze %dma_wait3A_75 : memref<1x1x80x128xi32, #tpu.memory_space<hbm>> -> memref<80x128xi32, #tpu.memory_space<hbm>>
      tpu.wait_dma2 semaphore(%run_scoped3A : memref<!tpu.dma_semaphore, #tpu.memory_space<semaphore_mem>>) src(%dma_wait3A_76 : memref<80x128xi32, #tpu.memory_space<hbm>>) dst(%arg4 : memref<80x128xi32, #tpu.memory_space<vmem>>)
      tpu.yield
    }) : () -> ()
    %broadcast_in_dim3A = arith.constant 1.000000e+00 : f32
    %broadcast_in_dim3A_0 = vector.broadcast %broadcast_in_dim3A : f32 to vector<16xf32>
    %swap3A = arith.constant 0 : index
    %swap3A_1 = tpu.vector_load %arg5[%swap3A] {strides = array<i32>} : memref<128xf32, #tpu.memory_space<vmem>>, vector<16xf32>,
    %swap3A_2 = vector.shape_cast %swap3A_1 : vector<16xf32> to vector<16xf32>
    %swap3A_3 = vector.shape_cast %broadcast_in_dim3A_0 : vector<16xf32> to vector<16xf32>
    tpu.vector_store %arg5[%swap3A], %swap3A_3 {strides = array<i32>} : memref<128xf32, #tpu.memory_space<vmem>>, vector<16xf32>,
    %broadcast_in_dim3A_4 = arith.constant 1.000000e+00 : f32
    %broadcast_in_dim3A_5 = vector.broadcast %broadcast_in_dim3A_4 : f32 to vector<16xf32>
    %swap3A_6 = arith.constant 16 : index
    %swap3A_7 = tpu.vector_load %arg5[%swap3A_6] {strides = array<i32>} : memref<128xf32, #tpu.memory_space<vmem>>, vector<16xf32>,
    %swap3A_8 = vector.shape_cast %swap3A_7 : vector<16xf32> to vector<16xf32>
    %swap3A_9 = vector.shape_cast %broadcast_in_dim3A_5 : vector<16xf32> to vector<16xf32>
    tpu.vector_store %arg5[%swap3A_6], %swap3A_9 {strides = array<i32>} : memref<128xf32, #tpu.memory_space<vmem>>, vector<16xf32>,
    %broadcast_in_dim3A_10 = arith.constant 1.000000e+00 : f32
    %broadcast_in_dim3A_11 = vector.broadcast %broadcast_in_dim3A_10 : f32 to vector<16xf32>
    %swap3A_12 = arith.constant 32 : index
    %swap3A_13 = tpu.vector_load %arg5[%swap3A_12] {strides = array<i32>} : memref<128xf32, #tpu.memory_space<vmem>>, vector<16xf32>,
    %swap3A_14 = vector.shape_cast %swap3A_13 : vector<16xf32> to vector<16xf32>
    %swap3A_15 = vector.shape_cast %broadcast_in_dim3A_11 : vector<16xf32> to vector<16xf32>
    tpu.vector_store %arg5[%swap3A_12], %swap3A_15 {strides = array<i32>} : memref<128xf32, #tpu.memory_space<vmem>>, vector<16xf32>,
    %broadcast_in_dim3A_16 = arith.constant 1.000000e+00 : f32
    %broadcast_in_dim3A_17 = vector.broadcast %broadcast_in_dim3A_16 : f32 to vector<16xf32>
    %swap3A_18 = arith.constant 48 : index
    %swap3A_19 = tpu.vector_load %arg5[%swap3A_18] {strides = array<i32>} : memref<128xf32, #tpu.memory_space<vmem>>, vector<16xf32>,
    %swap3A_20 = vector.shape_cast %swap3A_19 : vector<16xf32> to vector<16xf32>
    %swap3A_21 = vector.shape_cast %broadcast_in_dim3A_17 : vector<16xf32> to vector<16xf32>
    tpu.vector_store %arg5[%swap3A_18], %swap3A_21 {strides = array<i32>} : memref<128xf32, #tpu.memory_space<vmem>>, vector<16xf32>,
    %broadcast_in_dim3A_22 = arith.constant 1.000000e+00 : f32
    %broadcast_in_dim3A_23 = vector.broadcast %broadcast_in_dim3A_22 : f32 to vector<16xf32>
    %swap3A_24 = arith.constant 64 : index
    %swap3A_25 = tpu.vector_load %arg5[%swap3A_24] {strides = array<i32>} : memref<128xf32, #tpu.memory_space<vmem>>, vector<16xf32>,
    %swap3A_26 = vector.shape_cast %swap3A_25 : vector<16xf32> to vector<16xf32>
    %swap3A_27 = vector.shape_cast %broadcast_in_dim3A_23 : vector<16xf32> to vector<16xf32>
    tpu.vector_store %arg5[%swap3A_24], %swap3A_27 {strides = array<i32>} : memref<128xf32, #tpu.memory_space<vmem>>, vector<16xf32>,
    %broadcast_in_dim3A_28 = arith.constant 1.000000e+00 : f32
    %broadcast_in_dim3A_29 = vector.broadcast %broadcast_in_dim3A_28 : f32 to vector<16xf32>
    %swap3A_30 = arith.constant 80 : index
    %swap3A_31 = tpu.vector_load %arg5[%swap3A_30] {strides = array<i32>} : memref<128xf32, #tpu.memory_space<vmem>>, vector<16xf32>,
    %swap3A_32 = vector.shape_cast %swap3A_31 : vector<16xf32> to vector<16xf32>
    %swap3A_33 = vector.shape_cast %broadcast_in_dim3A_29 : vector<16xf32> to vector<16xf32>
    tpu.vector_store %arg5[%swap3A_30], %swap3A_33 {strides = array<i32>} : memref<128xf32, #tpu.memory_space<vmem>>, vector<16xf32>,
    %broadcast_in_dim3A_34 = arith.constant 1.000000e+00 : f32
    %broadcast_in_dim3A_35 = vector.broadcast %broadcast_in_dim3A_34 : f32 to vector<16xf32>
    %swap3A_36 = arith.constant 96 : index
    %swap3A_37 = tpu.vector_load %arg5[%swap3A_36] {strides = array<i32>} : memref<128xf32, #tpu.memory_space<vmem>>, vector<16xf32>,
    %swap3A_38 = vector.shape_cast %swap3A_37 : vector<16xf32> to vector<16xf32>
    %swap3A_39 = vector.shape_cast %broadcast_in_dim3A_35 : vector<16xf32> to vector<16xf32>
    tpu.vector_store %arg5[%swap3A_36], %swap3A_39 {strides = array<i32>} : memref<128xf32, #tpu.memory_space<vmem>>, vector<16xf32>,
    %broadcast_in_dim3A_40 = arith.constant 1.000000e+00 : f32
    %broadcast_in_dim3A_41 = vector.broadcast %broadcast_in_dim3A_40 : f32 to vector<16xf32>
    %swap3A_42 = arith.constant 112 : index
    %swap3A_43 = tpu.vector_load %arg5[%swap3A_42] {strides = array<i32>} : memref<128xf32, #tpu.memory_space<vmem>>, vector<16xf32>,
    %swap3A_44 = vector.shape_cast %swap3A_43 : vector<16xf32> to vector<16xf32>
    %swap3A_45 = vector.shape_cast %broadcast_in_dim3A_41 : vector<16xf32> to vector<16xf32>
    tpu.vector_store %arg5[%swap3A_42], %swap3A_45 {strides = array<i32>} : memref<128xf32, #tpu.memory_space<vmem>>, vector<16xf32>,
    %scan3A = arith.constant 0 : i32
    %scan3A_46 = arith.constant 0 : i32
    %scan3A_47 = arith.constant 40 : i32
    %scan3A_48 = arith.addi %scan3A_46, %scan3A_47 : i32
    %scan3A_49 = arith.constant 1 : i32
    scf.for %scan3A_63 = %scan3A_46 to %scan3A_48 step %scan3A_49  : i32 {
      %broadcast_in_dim3A_64 = arith.constant 0.000000e+00 : f32
      %broadcast_in_dim3A_65 = vector.broadcast %broadcast_in_dim3A_64 : f32 to vector<16xf32>
      %mul3A_66 = arith.constant 16 : i32
      %mul3A_67 = arith.muli %scan3A_63, %mul3A_66 : i32
      %swap3A_68 = arith.index_cast %mul3A_67 : i32 to index
      %swap3A_69 = tpu.vector_load %arg6[%swap3A_68] {strides = array<i32>} : memref<640xf32, #tpu.memory_space<vmem>>, vector<16xf32>,
      %swap3A_70 = vector.shape_cast %swap3A_69 : vector<16xf32> to vector<16xf32>
      %swap3A_71 = vector.shape_cast %broadcast_in_dim3A_65 : vector<16xf32> to vector<16xf32>
      tpu.vector_store %arg6[%swap3A_68], %swap3A_71 {strides = array<i32>} : memref<640xf32, #tpu.memory_space<vmem>>, vector<16xf32>,
    }
    %scan3A_50 = arith.constant 40 : i32
    %mul3A = arith.constant 640 : i32
    %mul3A_51 = arith.muli %arg1, %mul3A : i32
    "tpu.region"() ({
      %run_scoped3A = tpu.sem_alloc : memref<!tpu.dma_semaphore, #tpu.memory_space<semaphore_mem>>
      %dma_start3A = tpu.memref_slice %arg7[%mul3A_51] : memref<10240xf32, #tpu.memory_space<vmem_shared>> -> memref<640xf32, #tpu.memory_space<vmem_shared>>
      %dma_start3A_63 = tpu.memref_slice %arg7[%mul3A_51] : memref<10240xf32, #tpu.memory_space<vmem_shared>> -> memref<640xf32, #tpu.memory_space<vmem_shared>>
      tpu.enqueue_dma source(%arg6 : memref<640xf32, #tpu.memory_space<vmem>>) target(%dma_start3A_63 : memref<640xf32, #tpu.memory_space<vmem_shared>>) target_semaphore(%run_scoped3A : memref<!tpu.dma_semaphore, #tpu.memory_space<semaphore_mem>>)
      %dma_wait3A = tpu.memref_slice %arg7[%mul3A_51] : memref<10240xf32, #tpu.memory_space<vmem_shared>> -> memref<640xf32, #tpu.memory_space<vmem_shared>>
      %dma_wait3A_64 = tpu.memref_slice %arg7[%mul3A_51] : memref<10240xf32, #tpu.memory_space<vmem_shared>> -> memref<640xf32, #tpu.memory_space<vmem_shared>>
      tpu.wait_dma2 semaphore(%run_scoped3A : memref<!tpu.dma_semaphore, #tpu.memory_space<semaphore_mem>>) src(%arg6 : memref<640xf32, #tpu.memory_space<vmem>>) dst(%dma_wait3A_64 : memref<640xf32, #tpu.memory_space<vmem_shared>>)
      tpu.yield
    }) : () -> ()
    %barrier3A = arith.constant 0 : index
    tpu.barrier barrier_id(%barrier3A)
    %scan3A_52 = arith.constant 0 : i32
    %scan3A_53 = arith.constant 0 : i32
    %scan3A_54 = arith.constant 80 : i32
    %scan3A_55 = arith.addi %scan3A_53, %scan3A_54 : i32
    %scan3A_56 = arith.constant 1 : i32
    scf.for %scan3A_63 = %scan3A_53 to %scan3A_55 step %scan3A_56  : i32 {
      "tpu.region"() ({
        %run_scoped3A = tpu.sem_alloc : memref<!tpu.dma_semaphore, #tpu.memory_space<semaphore_mem>>
        %dma_start3A = arith.constant 0 : i32
        %dma_start3A_64 = tpu.memref_slice %arg4[%scan3A_63, %dma_start3A] : memref<80x128xi32, #tpu.memory_space<vmem>> -> memref<1x128xi32, #tpu.memory_space<vmem>>
        %dma_start3A_65 = tpu.memref_squeeze %dma_start3A_64 : memref<1x128xi32, #tpu.memory_space<vmem>> -> memref<128xi32, #tpu.memory_space<vmem>>
        %dma_start3A_66 = arith.constant 0 : i32
        %dma_start3A_67 = tpu.memref_slice %arg7[%dma_start3A_66] : memref<10240xf32, #tpu.memory_space<vmem_shared>> -> memref<10240xf32, #tpu.memory_space<vmem_shared>>
        tpu.enqueue_indirect_dma source(%arg5 : memref<128xf32, #tpu.memory_space<vmem>>) target(%dma_start3A_67 : memref<10240xf32, #tpu.memory_space<vmem_shared>>) offsets(%dma_start3A_65 : memref<128xi32, #tpu.memory_space<vmem>>) semaphore(%run_scoped3A : memref<!tpu.dma_semaphore, #tpu.memory_space<semaphore_mem>>) {add = true}
        %dma_wait3A = arith.constant 0 : i32
        %dma_wait3A_68 = tpu.memref_slice %arg4[%scan3A_63, %dma_wait3A] : memref<80x128xi32, #tpu.memory_space<vmem>> -> memref<1x128xi32, #tpu.memory_space<vmem>>
        %dma_wait3A_69 = tpu.memref_squeeze %dma_wait3A_68 : memref<1x128xi32, #tpu.memory_space<vmem>> -> memref<128xi32, #tpu.memory_space<vmem>>
        %dma_wait3A_70 = arith.constant 0 : i32
        %dma_wait3A_71 = tpu.memref_slice %arg7[%dma_wait3A_70] : memref<10240xf32, #tpu.memory_space<vmem_shared>> -> memref<10240xf32, #tpu.memory_space<vmem_shared>>
        tpu.wait_indirect_dma semaphore(%run_scoped3A : memref<!tpu.dma_semaphore, #tpu.memory_space<semaphore_mem>>) src(%arg5 : memref<128xf32, #tpu.memory_space<vmem>>) dst(%dma_wait3A_71 : memref<10240xf32, #tpu.memory_space<vmem_shared>>)
        tpu.yield
      }) : () -> ()
    }
    %scan3A_57 = arith.constant 80 : i32
    %barrier3A_58 = arith.constant 0 : index
    tpu.barrier barrier_id(%barrier3A_58)
    %mul3A_59 = arith.constant 640 : i32
    %mul3A_60 = arith.muli %arg1, %mul3A_59 : i32
    %mul3A_61 = arith.constant 640 : i32
    %mul3A_62 = arith.muli %arg1, %mul3A_61 : i32
    "tpu.region"() ({
      %run_scoped3A = tpu.sem_alloc : memref<!tpu.dma_semaphore, #tpu.memory_space<semaphore_mem>>
      %dma_start3A = tpu.memref_slice %arg3[%arg0, %mul3A_62] : memref<2x10240xf32, #tpu.memory_space<hbm>> -> memref<1x640xf32, #tpu.memory_space<hbm>>
      %dma_start3A_63 = tpu.memref_squeeze %dma_start3A : memref<1x640xf32, #tpu.memory_space<hbm>> -> memref<640xf32, #tpu.memory_space<hbm>>
      %dma_start3A_64 = tpu.memref_slice %arg7[%mul3A_60] : memref<10240xf32, #tpu.memory_space<vmem_shared>> -> memref<640xf32, #tpu.memory_space<vmem_shared>>
      tpu.enqueue_dma source(%dma_start3A_64 : memref<640xf32, #tpu.memory_space<vmem_shared>>) target(%dma_start3A_63 : memref<640xf32, #tpu.memory_space<hbm>>) target_semaphore(%run_scoped3A : memref<!tpu.dma_semaphore, #tpu.memory_space<semaphore_mem>>)
      %dma_wait3A = tpu.memref_slice %arg3[%arg0, %mul3A_62] : memref<2x10240xf32, #tpu.memory_space<hbm>> -> memref<1x640xf32, #tpu.memory_space<hbm>>
      %dma_wait3A_65 = tpu.memref_squeeze %dma_wait3A : memref<1x640xf32, #tpu.memory_space<hbm>> -> memref<640xf32, #tpu.memory_space<hbm>>
      %dma_wait3A_66 = tpu.memref_slice %arg7[%mul3A_60] : memref<10240xf32, #tpu.memory_space<vmem_shared>> -> memref<640xf32, #tpu.memory_space<vmem_shared>>
      tpu.wait_dma2 semaphore(%run_scoped3A : memref<!tpu.dma_semaphore, #tpu.memory_space<semaphore_mem>>) src(%dma_wait3A_66 : memref<640xf32, #tpu.memory_space<vmem_shared>>) dst(%dma_wait3A_65 : memref<640xf32, #tpu.memory_space<hbm>>)
      tpu.yield
    }) : () -> ()
    return
  }
}

#map = affine_map<(d0, d1) -> (0, 0)>
#map1 = affine_map<(d0, d1) -> (0, 0, 0, 0)>
#map2 = affine_map<(d0, d1) -> (0, 0, 0)>
module attributes {stable_mosaic.version = 14 : i64} {
  func.func @k(%arg0: i32, %arg1: i32, %arg2: memref<20480x128xf32, #tpu.memory_space<hbm>>, %arg3: memref<3x16x80x128xi32, #tpu.memory_space<hbm>>, %arg4: memref<2x10240x128xf32, #tpu.memory_space<hbm>>, %arg5: memref<80x128xi32, #tpu.memory_space<vmem>>, %arg6: memref<80x128xi32, #tpu.memory_space<vmem>>, %arg7: memref<80x128xi32, #tpu.memory_space<vmem>>, %arg8: memref<128x128xf32, #tpu.memory_space<vmem>>, %arg9: memref<128x128xf32, #tpu.memory_space<vmem>>, %arg10: memref<32x128xf32, #tpu.memory_space<vmem>>, %arg11: memref<5632x128xf32, #tpu.memory_space<vmem_shared>>, %arg12: memref<!tpu.dma_semaphore, #tpu.memory_space<semaphore_mem>>, %arg13: memref<!tpu.dma_semaphore, #tpu.memory_space<semaphore_mem>>) attributes {dimension_semantics = [#tpu.dimension_semantics<core_parallel>, #tpu.dimension_semantics<subcore_parallel>], iteration_bounds = array<i64: 2, 16>, scalar_prefetch = 0 : i64, scratch_operands = 9 : i64, tpu.core_type = #tpu.core_type<sc_vector_subcore>, window_params = [{transform_indices = #map}, {transform_indices = #map1}, {transform_indices = #map2}]} {
    %run_scoped3A = arith.constant 0 : i32
    "tpu.region"() ({
      %run_scoped3A_143 = tpu.sem_alloc : memref<!tpu.dma_semaphore, #tpu.memory_space<semaphore_mem>>
      %dma_start3A_144 = arith.constant 0 : i32
      %dma_start3A_145 = arith.constant 0 : i32
      %dma_start3A_146 = tpu.memref_slice %arg3[%run_scoped3A, %arg1, %dma_start3A_144, %dma_start3A_145] : memref<3x16x80x128xi32, #tpu.memory_space<hbm>> -> memref<1x1x80x128xi32, #tpu.memory_space<hbm>>
      %dma_start3A_147 = tpu.memref_squeeze %dma_start3A_146 : memref<1x1x80x128xi32, #tpu.memory_space<hbm>> -> memref<80x128xi32, #tpu.memory_space<hbm>>
      %dma_start3A_148 = arith.constant 0 : i32
      %dma_start3A_149 = arith.constant 0 : i32
      %dma_start3A_150 = tpu.memref_slice %arg3[%run_scoped3A, %arg1, %dma_start3A_148, %dma_start3A_149] : memref<3x16x80x128xi32, #tpu.memory_space<hbm>> -> memref<1x1x80x128xi32, #tpu.memory_space<hbm>>
      %dma_start3A_151 = tpu.memref_squeeze %dma_start3A_150 : memref<1x1x80x128xi32, #tpu.memory_space<hbm>> -> memref<80x128xi32, #tpu.memory_space<hbm>>
      tpu.enqueue_dma source(%dma_start3A_151 : memref<80x128xi32, #tpu.memory_space<hbm>>) target(%arg5 : memref<80x128xi32, #tpu.memory_space<vmem>>) target_semaphore(%run_scoped3A_143 : memref<!tpu.dma_semaphore, #tpu.memory_space<semaphore_mem>>)
      %dma_wait3A = arith.constant 0 : i32
      %dma_wait3A_152 = arith.constant 0 : i32
      %dma_wait3A_153 = tpu.memref_slice %arg3[%run_scoped3A, %arg1, %dma_wait3A, %dma_wait3A_152] : memref<3x16x80x128xi32, #tpu.memory_space<hbm>> -> memref<1x1x80x128xi32, #tpu.memory_space<hbm>>
      %dma_wait3A_154 = tpu.memref_squeeze %dma_wait3A_153 : memref<1x1x80x128xi32, #tpu.memory_space<hbm>> -> memref<80x128xi32, #tpu.memory_space<hbm>>
      %dma_wait3A_155 = arith.constant 0 : i32
      %dma_wait3A_156 = arith.constant 0 : i32
      %dma_wait3A_157 = tpu.memref_slice %arg3[%run_scoped3A, %arg1, %dma_wait3A_155, %dma_wait3A_156] : memref<3x16x80x128xi32, #tpu.memory_space<hbm>> -> memref<1x1x80x128xi32, #tpu.memory_space<hbm>>
      %dma_wait3A_158 = tpu.memref_squeeze %dma_wait3A_157 : memref<1x1x80x128xi32, #tpu.memory_space<hbm>> -> memref<80x128xi32, #tpu.memory_space<hbm>>
      tpu.wait_dma2 semaphore(%run_scoped3A_143 : memref<!tpu.dma_semaphore, #tpu.memory_space<semaphore_mem>>) src(%dma_wait3A_158 : memref<80x128xi32, #tpu.memory_space<hbm>>) dst(%arg5 : memref<80x128xi32, #tpu.memory_space<vmem>>)
      tpu.yield
    }) : () -> ()
    %run_scoped3A_0 = arith.constant 1 : i32
    "tpu.region"() ({
      %run_scoped3A_143 = tpu.sem_alloc : memref<!tpu.dma_semaphore, #tpu.memory_space<semaphore_mem>>
      %dma_start3A_144 = arith.constant 0 : i32
      %dma_start3A_145 = arith.constant 0 : i32
      %dma_start3A_146 = tpu.memref_slice %arg3[%run_scoped3A_0, %arg1, %dma_start3A_144, %dma_start3A_145] : memref<3x16x80x128xi32, #tpu.memory_space<hbm>> -> memref<1x1x80x128xi32, #tpu.memory_space<hbm>>
      %dma_start3A_147 = tpu.memref_squeeze %dma_start3A_146 : memref<1x1x80x128xi32, #tpu.memory_space<hbm>> -> memref<80x128xi32, #tpu.memory_space<hbm>>
      %dma_start3A_148 = arith.constant 0 : i32
      %dma_start3A_149 = arith.constant 0 : i32
      %dma_start3A_150 = tpu.memref_slice %arg3[%run_scoped3A_0, %arg1, %dma_start3A_148, %dma_start3A_149] : memref<3x16x80x128xi32, #tpu.memory_space<hbm>> -> memref<1x1x80x128xi32, #tpu.memory_space<hbm>>
      %dma_start3A_151 = tpu.memref_squeeze %dma_start3A_150 : memref<1x1x80x128xi32, #tpu.memory_space<hbm>> -> memref<80x128xi32, #tpu.memory_space<hbm>>
      tpu.enqueue_dma source(%dma_start3A_151 : memref<80x128xi32, #tpu.memory_space<hbm>>) target(%arg6 : memref<80x128xi32, #tpu.memory_space<vmem>>) target_semaphore(%run_scoped3A_143 : memref<!tpu.dma_semaphore, #tpu.memory_space<semaphore_mem>>)
      %dma_wait3A = arith.constant 0 : i32
      %dma_wait3A_152 = arith.constant 0 : i32
      %dma_wait3A_153 = tpu.memref_slice %arg3[%run_scoped3A_0, %arg1, %dma_wait3A, %dma_wait3A_152] : memref<3x16x80x128xi32, #tpu.memory_space<hbm>> -> memref<1x1x80x128xi32, #tpu.memory_space<hbm>>
      %dma_wait3A_154 = tpu.memref_squeeze %dma_wait3A_153 : memref<1x1x80x128xi32, #tpu.memory_space<hbm>> -> memref<80x128xi32, #tpu.memory_space<hbm>>
      %dma_wait3A_155 = arith.constant 0 : i32
      %dma_wait3A_156 = arith.constant 0 : i32
      %dma_wait3A_157 = tpu.memref_slice %arg3[%run_scoped3A_0, %arg1, %dma_wait3A_155, %dma_wait3A_156] : memref<3x16x80x128xi32, #tpu.memory_space<hbm>> -> memref<1x1x80x128xi32, #tpu.memory_space<hbm>>
      %dma_wait3A_158 = tpu.memref_squeeze %dma_wait3A_157 : memref<1x1x80x128xi32, #tpu.memory_space<hbm>> -> memref<80x128xi32, #tpu.memory_space<hbm>>
      tpu.wait_dma2 semaphore(%run_scoped3A_143 : memref<!tpu.dma_semaphore, #tpu.memory_space<semaphore_mem>>) src(%dma_wait3A_158 : memref<80x128xi32, #tpu.memory_space<hbm>>) dst(%arg6 : memref<80x128xi32, #tpu.memory_space<vmem>>)
      tpu.yield
    }) : () -> ()
    %run_scoped3A_1 = arith.constant 2 : i32
    "tpu.region"() ({
      %run_scoped3A_143 = tpu.sem_alloc : memref<!tpu.dma_semaphore, #tpu.memory_space<semaphore_mem>>
      %dma_start3A_144 = arith.constant 0 : i32
      %dma_start3A_145 = arith.constant 0 : i32
      %dma_start3A_146 = tpu.memref_slice %arg3[%run_scoped3A_1, %arg1, %dma_start3A_144, %dma_start3A_145] : memref<3x16x80x128xi32, #tpu.memory_space<hbm>> -> memref<1x1x80x128xi32, #tpu.memory_space<hbm>>
      %dma_start3A_147 = tpu.memref_squeeze %dma_start3A_146 : memref<1x1x80x128xi32, #tpu.memory_space<hbm>> -> memref<80x128xi32, #tpu.memory_space<hbm>>
      %dma_start3A_148 = arith.constant 0 : i32
      %dma_start3A_149 = arith.constant 0 : i32
      %dma_start3A_150 = tpu.memref_slice %arg3[%run_scoped3A_1, %arg1, %dma_start3A_148, %dma_start3A_149] : memref<3x16x80x128xi32, #tpu.memory_space<hbm>> -> memref<1x1x80x128xi32, #tpu.memory_space<hbm>>
      %dma_start3A_151 = tpu.memref_squeeze %dma_start3A_150 : memref<1x1x80x128xi32, #tpu.memory_space<hbm>> -> memref<80x128xi32, #tpu.memory_space<hbm>>
      tpu.enqueue_dma source(%dma_start3A_151 : memref<80x128xi32, #tpu.memory_space<hbm>>) target(%arg7 : memref<80x128xi32, #tpu.memory_space<vmem>>) target_semaphore(%run_scoped3A_143 : memref<!tpu.dma_semaphore, #tpu.memory_space<semaphore_mem>>)
      %dma_wait3A = arith.constant 0 : i32
      %dma_wait3A_152 = arith.constant 0 : i32
      %dma_wait3A_153 = tpu.memref_slice %arg3[%run_scoped3A_1, %arg1, %dma_wait3A, %dma_wait3A_152] : memref<3x16x80x128xi32, #tpu.memory_space<hbm>> -> memref<1x1x80x128xi32, #tpu.memory_space<hbm>>
      %dma_wait3A_154 = tpu.memref_squeeze %dma_wait3A_153 : memref<1x1x80x128xi32, #tpu.memory_space<hbm>> -> memref<80x128xi32, #tpu.memory_space<hbm>>
      %dma_wait3A_155 = arith.constant 0 : i32
      %dma_wait3A_156 = arith.constant 0 : i32
      %dma_wait3A_157 = tpu.memref_slice %arg3[%run_scoped3A_1, %arg1, %dma_wait3A_155, %dma_wait3A_156] : memref<3x16x80x128xi32, #tpu.memory_space<hbm>> -> memref<1x1x80x128xi32, #tpu.memory_space<hbm>>
      %dma_wait3A_158 = tpu.memref_squeeze %dma_wait3A_157 : memref<1x1x80x128xi32, #tpu.memory_space<hbm>> -> memref<80x128xi32, #tpu.memory_space<hbm>>
      tpu.wait_dma2 semaphore(%run_scoped3A_143 : memref<!tpu.dma_semaphore, #tpu.memory_space<semaphore_mem>>) src(%dma_wait3A_158 : memref<80x128xi32, #tpu.memory_space<hbm>>) dst(%arg7 : memref<80x128xi32, #tpu.memory_space<vmem>>)
      tpu.yield
    }) : () -> ()
    %mul3A = arith.constant 10240 : i32
    %mul3A_2 = arith.muli %arg0, %mul3A : i32
    %scan3A = arith.constant 0 : i32
    %scan3A_3 = arith.constant 0 : i32
    %scan3A_4 = arith.constant 80 : i32
    %scan3A_5 = arith.addi %scan3A_3, %scan3A_4 : i32
    %scan3A_6 = arith.constant 1 : i32
    scf.for %scan3A_143 = %scan3A_3 to %scan3A_5 step %scan3A_6  : i32 {
      %get3A = arith.index_cast %scan3A_143 : i32 to index
      %get3A_144 = arith.constant 0 : index
      %get3A_145 = tpu.vector_load %arg5[%get3A, %get3A_144] {strides = array<i32>} : memref<80x128xi32, #tpu.memory_space<vmem>>, vector<1x16xi32>,
      %get3A_146 = vector.shape_cast %get3A_145 : vector<1x16xi32> to vector<16xi32>
      %add3A_147 = vector.broadcast %mul3A_2 : i32 to vector<16xi32>
      %add3A_148 = arith.addi %get3A_146, %add3A_147 : vector<16xi32>
      %swap3A = arith.index_cast %scan3A_143 : i32 to index
      %swap3A_149 = arith.constant 0 : index
      %swap3A_150 = tpu.vector_load %arg5[%swap3A, %swap3A_149] {strides = array<i32>} : memref<80x128xi32, #tpu.memory_space<vmem>>, vector<1x16xi32>,
      %swap3A_151 = vector.shape_cast %swap3A_150 : vector<1x16xi32> to vector<16xi32>
      %swap3A_152 = vector.shape_cast %add3A_148 : vector<16xi32> to vector<1x16xi32>
      tpu.vector_store %arg5[%swap3A, %swap3A_149], %swap3A_152 {strides = array<i32>} : memref<80x128xi32, #tpu.memory_space<vmem>>, vector<1x16xi32>,
      %get3A_153 = arith.index_cast %scan3A_143 : i32 to index
      %get3A_154 = arith.constant 16 : index
      %get3A_155 = tpu.vector_load %arg5[%get3A_153, %get3A_154] {strides = array<i32>} : memref<80x128xi32, #tpu.memory_space<vmem>>, vector<1x16xi32>,
      %get3A_156 = vector.shape_cast %get3A_155 : vector<1x16xi32> to vector<16xi32>
      %add3A_157 = vector.broadcast %mul3A_2 : i32 to vector<16xi32>
      %add3A_158 = arith.addi %get3A_156, %add3A_157 : vector<16xi32>
      %swap3A_159 = arith.index_cast %scan3A_143 : i32 to index
      %swap3A_160 = arith.constant 16 : index
      %swap3A_161 = tpu.vector_load %arg5[%swap3A_159, %swap3A_160] {strides = array<i32>} : memref<80x128xi32, #tpu.memory_space<vmem>>, vector<1x16xi32>,
      %swap3A_162 = vector.shape_cast %swap3A_161 : vector<1x16xi32> to vector<16xi32>
      %swap3A_163 = vector.shape_cast %add3A_158 : vector<16xi32> to vector<1x16xi32>
      tpu.vector_store %arg5[%swap3A_159, %swap3A_160], %swap3A_163 {strides = array<i32>} : memref<80x128xi32, #tpu.memory_space<vmem>>, vector<1x16xi32>,
      %get3A_164 = arith.index_cast %scan3A_143 : i32 to index
      %get3A_165 = arith.constant 32 : index
      %get3A_166 = tpu.vector_load %arg5[%get3A_164, %get3A_165] {strides = array<i32>} : memref<80x128xi32, #tpu.memory_space<vmem>>, vector<1x16xi32>,
      %get3A_167 = vector.shape_cast %get3A_166 : vector<1x16xi32> to vector<16xi32>
      %add3A_168 = vector.broadcast %mul3A_2 : i32 to vector<16xi32>
      %add3A_169 = arith.addi %get3A_167, %add3A_168 : vector<16xi32>
      %swap3A_170 = arith.index_cast %scan3A_143 : i32 to index
      %swap3A_171 = arith.constant 32 : index
      %swap3A_172 = tpu.vector_load %arg5[%swap3A_170, %swap3A_171] {strides = array<i32>} : memref<80x128xi32, #tpu.memory_space<vmem>>, vector<1x16xi32>,
      %swap3A_173 = vector.shape_cast %swap3A_172 : vector<1x16xi32> to vector<16xi32>
      %swap3A_174 = vector.shape_cast %add3A_169 : vector<16xi32> to vector<1x16xi32>
      tpu.vector_store %arg5[%swap3A_170, %swap3A_171], %swap3A_174 {strides = array<i32>} : memref<80x128xi32, #tpu.memory_space<vmem>>, vector<1x16xi32>,
      %get3A_175 = arith.index_cast %scan3A_143 : i32 to index
      %get3A_176 = arith.constant 48 : index
      %get3A_177 = tpu.vector_load %arg5[%get3A_175, %get3A_176] {strides = array<i32>} : memref<80x128xi32, #tpu.memory_space<vmem>>, vector<1x16xi32>,
      %get3A_178 = vector.shape_cast %get3A_177 : vector<1x16xi32> to vector<16xi32>
      %add3A_179 = vector.broadcast %mul3A_2 : i32 to vector<16xi32>
      %add3A_180 = arith.addi %get3A_178, %add3A_179 : vector<16xi32>
      %swap3A_181 = arith.index_cast %scan3A_143 : i32 to index
      %swap3A_182 = arith.constant 48 : index
      %swap3A_183 = tpu.vector_load %arg5[%swap3A_181, %swap3A_182] {strides = array<i32>} : memref<80x128xi32, #tpu.memory_space<vmem>>, vector<1x16xi32>,
      %swap3A_184 = vector.shape_cast %swap3A_183 : vector<1x16xi32> to vector<16xi32>
      %swap3A_185 = vector.shape_cast %add3A_180 : vector<16xi32> to vector<1x16xi32>
      tpu.vector_store %arg5[%swap3A_181, %swap3A_182], %swap3A_185 {strides = array<i32>} : memref<80x128xi32, #tpu.memory_space<vmem>>, vector<1x16xi32>,
      %get3A_186 = arith.index_cast %scan3A_143 : i32 to index
      %get3A_187 = arith.constant 64 : index
      %get3A_188 = tpu.vector_load %arg5[%get3A_186, %get3A_187] {strides = array<i32>} : memref<80x128xi32, #tpu.memory_space<vmem>>, vector<1x16xi32>,
      %get3A_189 = vector.shape_cast %get3A_188 : vector<1x16xi32> to vector<16xi32>
      %add3A_190 = vector.broadcast %mul3A_2 : i32 to vector<16xi32>
      %add3A_191 = arith.addi %get3A_189, %add3A_190 : vector<16xi32>
      %swap3A_192 = arith.index_cast %scan3A_143 : i32 to index
      %swap3A_193 = arith.constant 64 : index
      %swap3A_194 = tpu.vector_load %arg5[%swap3A_192, %swap3A_193] {strides = array<i32>} : memref<80x128xi32, #tpu.memory_space<vmem>>, vector<1x16xi32>,
      %swap3A_195 = vector.shape_cast %swap3A_194 : vector<1x16xi32> to vector<16xi32>
      %swap3A_196 = vector.shape_cast %add3A_191 : vector<16xi32> to vector<1x16xi32>
      tpu.vector_store %arg5[%swap3A_192, %swap3A_193], %swap3A_196 {strides = array<i32>} : memref<80x128xi32, #tpu.memory_space<vmem>>, vector<1x16xi32>,
      %get3A_197 = arith.index_cast %scan3A_143 : i32 to index
      %get3A_198 = arith.constant 80 : index
      %get3A_199 = tpu.vector_load %arg5[%get3A_197, %get3A_198] {strides = array<i32>} : memref<80x128xi32, #tpu.memory_space<vmem>>, vector<1x16xi32>,
      %get3A_200 = vector.shape_cast %get3A_199 : vector<1x16xi32> to vector<16xi32>
      %add3A_201 = vector.broadcast %mul3A_2 : i32 to vector<16xi32>
      %add3A_202 = arith.addi %get3A_200, %add3A_201 : vector<16xi32>
      %swap3A_203 = arith.index_cast %scan3A_143 : i32 to index
      %swap3A_204 = arith.constant 80 : index
      %swap3A_205 = tpu.vector_load %arg5[%swap3A_203, %swap3A_204] {strides = array<i32>} : memref<80x128xi32, #tpu.memory_space<vmem>>, vector<1x16xi32>,
      %swap3A_206 = vector.shape_cast %swap3A_205 : vector<1x16xi32> to vector<16xi32>
      %swap3A_207 = vector.shape_cast %add3A_202 : vector<16xi32> to vector<1x16xi32>
      tpu.vector_store %arg5[%swap3A_203, %swap3A_204], %swap3A_207 {strides = array<i32>} : memref<80x128xi32, #tpu.memory_space<vmem>>, vector<1x16xi32>,
      %get3A_208 = arith.index_cast %scan3A_143 : i32 to index
      %get3A_209 = arith.constant 96 : index
      %get3A_210 = tpu.vector_load %arg5[%get3A_208, %get3A_209] {strides = array<i32>} : memref<80x128xi32, #tpu.memory_space<vmem>>, vector<1x16xi32>,
      %get3A_211 = vector.shape_cast %get3A_210 : vector<1x16xi32> to vector<16xi32>
      %add3A_212 = vector.broadcast %mul3A_2 : i32 to vector<16xi32>
      %add3A_213 = arith.addi %get3A_211, %add3A_212 : vector<16xi32>
      %swap3A_214 = arith.index_cast %scan3A_143 : i32 to index
      %swap3A_215 = arith.constant 96 : index
      %swap3A_216 = tpu.vector_load %arg5[%swap3A_214, %swap3A_215] {strides = array<i32>} : memref<80x128xi32, #tpu.memory_space<vmem>>, vector<1x16xi32>,
      %swap3A_217 = vector.shape_cast %swap3A_216 : vector<1x16xi32> to vector<16xi32>
      %swap3A_218 = vector.shape_cast %add3A_213 : vector<16xi32> to vector<1x16xi32>
      tpu.vector_store %arg5[%swap3A_214, %swap3A_215], %swap3A_218 {strides = array<i32>} : memref<80x128xi32, #tpu.memory_space<vmem>>, vector<1x16xi32>,
      %get3A_219 = arith.index_cast %scan3A_143 : i32 to index
      %get3A_220 = arith.constant 112 : index
      %get3A_221 = tpu.vector_load %arg5[%get3A_219, %get3A_220] {strides = array<i32>} : memref<80x128xi32, #tpu.memory_space<vmem>>, vector<1x16xi32>,
      %get3A_222 = vector.shape_cast %get3A_221 : vector<1x16xi32> to vector<16xi32>
      %add3A_223 = vector.broadcast %mul3A_2 : i32 to vector<16xi32>
      %add3A_224 = arith.addi %get3A_222, %add3A_223 : vector<16xi32>
      %swap3A_225 = arith.index_cast %scan3A_143 : i32 to index
      %swap3A_226 = arith.constant 112 : index
      %swap3A_227 = tpu.vector_load %arg5[%swap3A_225, %swap3A_226] {strides = array<i32>} : memref<80x128xi32, #tpu.memory_space<vmem>>, vector<1x16xi32>,
      %swap3A_228 = vector.shape_cast %swap3A_227 : vector<1x16xi32> to vector<16xi32>
      %swap3A_229 = vector.shape_cast %add3A_224 : vector<16xi32> to vector<1x16xi32>
      tpu.vector_store %arg5[%swap3A_225, %swap3A_226], %swap3A_229 {strides = array<i32>} : memref<80x128xi32, #tpu.memory_space<vmem>>, vector<1x16xi32>,
    }
    %scan3A_7 = arith.constant 80 : i32
    %scan3A_8 = arith.constant 0 : i32
    %scan3A_9 = arith.constant 0 : i32
    %scan3A_10 = arith.constant 32 : i32
    %scan3A_11 = arith.addi %scan3A_9, %scan3A_10 : i32
    %scan3A_12 = arith.constant 1 : i32
    scf.for %scan3A_143 = %scan3A_9 to %scan3A_11 step %scan3A_12  : i32 {
      %broadcast_in_dim3A = arith.constant 0.000000e+00 : f32
      %broadcast_in_dim3A_144 = vector.broadcast %broadcast_in_dim3A : f32 to vector<16xf32>
      %swap3A = arith.index_cast %scan3A_143 : i32 to index
      %swap3A_145 = arith.constant 0 : index
      %swap3A_146 = tpu.vector_load %arg10[%swap3A, %swap3A_145] {strides = array<i32>} : memref<32x128xf32, #tpu.memory_space<vmem>>, vector<1x16xf32>,
      %swap3A_147 = vector.shape_cast %swap3A_146 : vector<1x16xf32> to vector<16xf32>
      %swap3A_148 = vector.shape_cast %broadcast_in_dim3A_144 : vector<16xf32> to vector<1x16xf32>
      tpu.vector_store %arg10[%swap3A, %swap3A_145], %swap3A_148 {strides = array<i32>} : memref<32x128xf32, #tpu.memory_space<vmem>>, vector<1x16xf32>,
      %broadcast_in_dim3A_149 = arith.constant 0.000000e+00 : f32
      %broadcast_in_dim3A_150 = vector.broadcast %broadcast_in_dim3A_149 : f32 to vector<16xf32>
      %swap3A_151 = arith.index_cast %scan3A_143 : i32 to index
      %swap3A_152 = arith.constant 16 : index
      %swap3A_153 = tpu.vector_load %arg10[%swap3A_151, %swap3A_152] {strides = array<i32>} : memref<32x128xf32, #tpu.memory_space<vmem>>, vector<1x16xf32>,
      %swap3A_154 = vector.shape_cast %swap3A_153 : vector<1x16xf32> to vector<16xf32>
      %swap3A_155 = vector.shape_cast %broadcast_in_dim3A_150 : vector<16xf32> to vector<1x16xf32>
      tpu.vector_store %arg10[%swap3A_151, %swap3A_152], %swap3A_155 {strides = array<i32>} : memref<32x128xf32, #tpu.memory_space<vmem>>, vector<1x16xf32>,
      %broadcast_in_dim3A_156 = arith.constant 0.000000e+00 : f32
      %broadcast_in_dim3A_157 = vector.broadcast %broadcast_in_dim3A_156 : f32 to vector<16xf32>
      %swap3A_158 = arith.index_cast %scan3A_143 : i32 to index
      %swap3A_159 = arith.constant 32 : index
      %swap3A_160 = tpu.vector_load %arg10[%swap3A_158, %swap3A_159] {strides = array<i32>} : memref<32x128xf32, #tpu.memory_space<vmem>>, vector<1x16xf32>,
      %swap3A_161 = vector.shape_cast %swap3A_160 : vector<1x16xf32> to vector<16xf32>
      %swap3A_162 = vector.shape_cast %broadcast_in_dim3A_157 : vector<16xf32> to vector<1x16xf32>
      tpu.vector_store %arg10[%swap3A_158, %swap3A_159], %swap3A_162 {strides = array<i32>} : memref<32x128xf32, #tpu.memory_space<vmem>>, vector<1x16xf32>,
      %broadcast_in_dim3A_163 = arith.constant 0.000000e+00 : f32
      %broadcast_in_dim3A_164 = vector.broadcast %broadcast_in_dim3A_163 : f32 to vector<16xf32>
      %swap3A_165 = arith.index_cast %scan3A_143 : i32 to index
      %swap3A_166 = arith.constant 48 : index
      %swap3A_167 = tpu.vector_load %arg10[%swap3A_165, %swap3A_166] {strides = array<i32>} : memref<32x128xf32, #tpu.memory_space<vmem>>, vector<1x16xf32>,
      %swap3A_168 = vector.shape_cast %swap3A_167 : vector<1x16xf32> to vector<16xf32>
      %swap3A_169 = vector.shape_cast %broadcast_in_dim3A_164 : vector<16xf32> to vector<1x16xf32>
      tpu.vector_store %arg10[%swap3A_165, %swap3A_166], %swap3A_169 {strides = array<i32>} : memref<32x128xf32, #tpu.memory_space<vmem>>, vector<1x16xf32>,
      %broadcast_in_dim3A_170 = arith.constant 0.000000e+00 : f32
      %broadcast_in_dim3A_171 = vector.broadcast %broadcast_in_dim3A_170 : f32 to vector<16xf32>
      %swap3A_172 = arith.index_cast %scan3A_143 : i32 to index
      %swap3A_173 = arith.constant 64 : index
      %swap3A_174 = tpu.vector_load %arg10[%swap3A_172, %swap3A_173] {strides = array<i32>} : memref<32x128xf32, #tpu.memory_space<vmem>>, vector<1x16xf32>,
      %swap3A_175 = vector.shape_cast %swap3A_174 : vector<1x16xf32> to vector<16xf32>
      %swap3A_176 = vector.shape_cast %broadcast_in_dim3A_171 : vector<16xf32> to vector<1x16xf32>
      tpu.vector_store %arg10[%swap3A_172, %swap3A_173], %swap3A_176 {strides = array<i32>} : memref<32x128xf32, #tpu.memory_space<vmem>>, vector<1x16xf32>,
      %broadcast_in_dim3A_177 = arith.constant 0.000000e+00 : f32
      %broadcast_in_dim3A_178 = vector.broadcast %broadcast_in_dim3A_177 : f32 to vector<16xf32>
      %swap3A_179 = arith.index_cast %scan3A_143 : i32 to index
      %swap3A_180 = arith.constant 80 : index
      %swap3A_181 = tpu.vector_load %arg10[%swap3A_179, %swap3A_180] {strides = array<i32>} : memref<32x128xf32, #tpu.memory_space<vmem>>, vector<1x16xf32>,
      %swap3A_182 = vector.shape_cast %swap3A_181 : vector<1x16xf32> to vector<16xf32>
      %swap3A_183 = vector.shape_cast %broadcast_in_dim3A_178 : vector<16xf32> to vector<1x16xf32>
      tpu.vector_store %arg10[%swap3A_179, %swap3A_180], %swap3A_183 {strides = array<i32>} : memref<32x128xf32, #tpu.memory_space<vmem>>, vector<1x16xf32>,
      %broadcast_in_dim3A_184 = arith.constant 0.000000e+00 : f32
      %broadcast_in_dim3A_185 = vector.broadcast %broadcast_in_dim3A_184 : f32 to vector<16xf32>
      %swap3A_186 = arith.index_cast %scan3A_143 : i32 to index
      %swap3A_187 = arith.constant 96 : index
      %swap3A_188 = tpu.vector_load %arg10[%swap3A_186, %swap3A_187] {strides = array<i32>} : memref<32x128xf32, #tpu.memory_space<vmem>>, vector<1x16xf32>,
      %swap3A_189 = vector.shape_cast %swap3A_188 : vector<1x16xf32> to vector<16xf32>
      %swap3A_190 = vector.shape_cast %broadcast_in_dim3A_185 : vector<16xf32> to vector<1x16xf32>
      tpu.vector_store %arg10[%swap3A_186, %swap3A_187], %swap3A_190 {strides = array<i32>} : memref<32x128xf32, #tpu.memory_space<vmem>>, vector<1x16xf32>,
      %broadcast_in_dim3A_191 = arith.constant 0.000000e+00 : f32
      %broadcast_in_dim3A_192 = vector.broadcast %broadcast_in_dim3A_191 : f32 to vector<16xf32>
      %swap3A_193 = arith.index_cast %scan3A_143 : i32 to index
      %swap3A_194 = arith.constant 112 : index
      %swap3A_195 = tpu.vector_load %arg10[%swap3A_193, %swap3A_194] {strides = array<i32>} : memref<32x128xf32, #tpu.memory_space<vmem>>, vector<1x16xf32>,
      %swap3A_196 = vector.shape_cast %swap3A_195 : vector<1x16xf32> to vector<16xf32>
      %swap3A_197 = vector.shape_cast %broadcast_in_dim3A_192 : vector<16xf32> to vector<1x16xf32>
      tpu.vector_store %arg10[%swap3A_193, %swap3A_194], %swap3A_197 {strides = array<i32>} : memref<32x128xf32, #tpu.memory_space<vmem>>, vector<1x16xf32>,
    }
    %scan3A_13 = arith.constant 32 : i32
    %mul3A_14 = arith.constant 352 : i32
    %mul3A_15 = arith.muli %arg1, %mul3A_14 : i32
    %add3A = arith.constant 0 : i32
    %add3A_16 = arith.addi %mul3A_15, %add3A : i32
    "tpu.region"() ({
      %run_scoped3A_143 = tpu.sem_alloc : memref<!tpu.dma_semaphore, #tpu.memory_space<semaphore_mem>>
      %dma_start3A_144 = arith.constant 0 : i32
      %dma_start3A_145 = tpu.memref_slice %arg11[%add3A_16, %dma_start3A_144] : memref<5632x128xf32, #tpu.memory_space<vmem_shared>> -> memref<32x128xf32, #tpu.memory_space<vmem_shared>>
      %dma_start3A_146 = arith.constant 0 : i32
      %dma_start3A_147 = tpu.memref_slice %arg11[%add3A_16, %dma_start3A_146] : memref<5632x128xf32, #tpu.memory_space<vmem_shared>> -> memref<32x128xf32, #tpu.memory_space<vmem_shared>>
      tpu.enqueue_dma source(%arg10 : memref<32x128xf32, #tpu.memory_space<vmem>>) target(%dma_start3A_147 : memref<32x128xf32, #tpu.memory_space<vmem_shared>>) target_semaphore(%run_scoped3A_143 : memref<!tpu.dma_semaphore, #tpu.memory_space<semaphore_mem>>)
      %dma_wait3A = arith.constant 0 : i32
      %dma_wait3A_148 = tpu.memref_slice %arg11[%add3A_16, %dma_wait3A] : memref<5632x128xf32, #tpu.memory_space<vmem_shared>> -> memref<32x128xf32, #tpu.memory_space<vmem_shared>>
      %dma_wait3A_149 = arith.constant 0 : i32
      %dma_wait3A_150 = tpu.memref_slice %arg11[%add3A_16, %dma_wait3A_149] : memref<5632x128xf32, #tpu.memory_space<vmem_shared>> -> memref<32x128xf32, #tpu.memory_space<vmem_shared>>
      tpu.wait_dma2 semaphore(%run_scoped3A_143 : memref<!tpu.dma_semaphore, #tpu.memory_space<semaphore_mem>>) src(%arg10 : memref<32x128xf32, #tpu.memory_space<vmem>>) dst(%dma_wait3A_150 : memref<32x128xf32, #tpu.memory_space<vmem_shared>>)
      tpu.yield
    }) : () -> ()
    %mul3A_17 = arith.constant 352 : i32
    %mul3A_18 = arith.muli %arg1, %mul3A_17 : i32
    %add3A_19 = arith.constant 32 : i32
    %add3A_20 = arith.addi %mul3A_18, %add3A_19 : i32
    "tpu.region"() ({
      %run_scoped3A_143 = tpu.sem_alloc : memref<!tpu.dma_semaphore, #tpu.memory_space<semaphore_mem>>
      %dma_start3A_144 = arith.constant 0 : i32
      %dma_start3A_145 = tpu.memref_slice %arg11[%add3A_20, %dma_start3A_144] : memref<5632x128xf32, #tpu.memory_space<vmem_shared>> -> memref<32x128xf32, #tpu.memory_space<vmem_shared>>
      %dma_start3A_146 = arith.constant 0 : i32
      %dma_start3A_147 = tpu.memref_slice %arg11[%add3A_20, %dma_start3A_146] : memref<5632x128xf32, #tpu.memory_space<vmem_shared>> -> memref<32x128xf32, #tpu.memory_space<vmem_shared>>
      tpu.enqueue_dma source(%arg10 : memref<32x128xf32, #tpu.memory_space<vmem>>) target(%dma_start3A_147 : memref<32x128xf32, #tpu.memory_space<vmem_shared>>) target_semaphore(%run_scoped3A_143 : memref<!tpu.dma_semaphore, #tpu.memory_space<semaphore_mem>>)
      %dma_wait3A = arith.constant 0 : i32
      %dma_wait3A_148 = tpu.memref_slice %arg11[%add3A_20, %dma_wait3A] : memref<5632x128xf32, #tpu.memory_space<vmem_shared>> -> memref<32x128xf32, #tpu.memory_space<vmem_shared>>
      %dma_wait3A_149 = arith.constant 0 : i32
      %dma_wait3A_150 = tpu.memref_slice %arg11[%add3A_20, %dma_wait3A_149] : memref<5632x128xf32, #tpu.memory_space<vmem_shared>> -> memref<32x128xf32, #tpu.memory_space<vmem_shared>>
      tpu.wait_dma2 semaphore(%run_scoped3A_143 : memref<!tpu.dma_semaphore, #tpu.memory_space<semaphore_mem>>) src(%arg10 : memref<32x128xf32, #tpu.memory_space<vmem>>) dst(%dma_wait3A_150 : memref<32x128xf32, #tpu.memory_space<vmem_shared>>)
      tpu.yield
    }) : () -> ()
    %mul3A_21 = arith.constant 352 : i32
    %mul3A_22 = arith.muli %arg1, %mul3A_21 : i32
    %add3A_23 = arith.constant 64 : i32
    %add3A_24 = arith.addi %mul3A_22, %add3A_23 : i32
    "tpu.region"() ({
      %run_scoped3A_143 = tpu.sem_alloc : memref<!tpu.dma_semaphore, #tpu.memory_space<semaphore_mem>>
      %dma_start3A_144 = arith.constant 0 : i32
      %dma_start3A_145 = tpu.memref_slice %arg11[%add3A_24, %dma_start3A_144] : memref<5632x128xf32, #tpu.memory_space<vmem_shared>> -> memref<32x128xf32, #tpu.memory_space<vmem_shared>>
      %dma_start3A_146 = arith.constant 0 : i32
      %dma_start3A_147 = tpu.memref_slice %arg11[%add3A_24, %dma_start3A_146] : memref<5632x128xf32, #tpu.memory_space<vmem_shared>> -> memref<32x128xf32, #tpu.memory_space<vmem_shared>>
      tpu.enqueue_dma source(%arg10 : memref<32x128xf32, #tpu.memory_space<vmem>>) target(%dma_start3A_147 : memref<32x128xf32, #tpu.memory_space<vmem_shared>>) target_semaphore(%run_scoped3A_143 : memref<!tpu.dma_semaphore, #tpu.memory_space<semaphore_mem>>)
      %dma_wait3A = arith.constant 0 : i32
      %dma_wait3A_148 = tpu.memref_slice %arg11[%add3A_24, %dma_wait3A] : memref<5632x128xf32, #tpu.memory_space<vmem_shared>> -> memref<32x128xf32, #tpu.memory_space<vmem_shared>>
      %dma_wait3A_149 = arith.constant 0 : i32
      %dma_wait3A_150 = tpu.memref_slice %arg11[%add3A_24, %dma_wait3A_149] : memref<5632x128xf32, #tpu.memory_space<vmem_shared>> -> memref<32x128xf32, #tpu.memory_space<vmem_shared>>
      tpu.wait_dma2 semaphore(%run_scoped3A_143 : memref<!tpu.dma_semaphore, #tpu.memory_space<semaphore_mem>>) src(%arg10 : memref<32x128xf32, #tpu.memory_space<vmem>>) dst(%dma_wait3A_150 : memref<32x128xf32, #tpu.memory_space<vmem_shared>>)
      tpu.yield
    }) : () -> ()
    %mul3A_25 = arith.constant 352 : i32
    %mul3A_26 = arith.muli %arg1, %mul3A_25 : i32
    %add3A_27 = arith.constant 96 : i32
    %add3A_28 = arith.addi %mul3A_26, %add3A_27 : i32
    "tpu.region"() ({
      %run_scoped3A_143 = tpu.sem_alloc : memref<!tpu.dma_semaphore, #tpu.memory_space<semaphore_mem>>
      %dma_start3A_144 = arith.constant 0 : i32
      %dma_start3A_145 = tpu.memref_slice %arg11[%add3A_28, %dma_start3A_144] : memref<5632x128xf32, #tpu.memory_space<vmem_shared>> -> memref<32x128xf32, #tpu.memory_space<vmem_shared>>
      %dma_start3A_146 = arith.constant 0 : i32
      %dma_start3A_147 = tpu.memref_slice %arg11[%add3A_28, %dma_start3A_146] : memref<5632x128xf32, #tpu.memory_space<vmem_shared>> -> memref<32x128xf32, #tpu.memory_space<vmem_shared>>
      tpu.enqueue_dma source(%arg10 : memref<32x128xf32, #tpu.memory_space<vmem>>) target(%dma_start3A_147 : memref<32x128xf32, #tpu.memory_space<vmem_shared>>) target_semaphore(%run_scoped3A_143 : memref<!tpu.dma_semaphore, #tpu.memory_space<semaphore_mem>>)
      %dma_wait3A = arith.constant 0 : i32
      %dma_wait3A_148 = tpu.memref_slice %arg11[%add3A_28, %dma_wait3A] : memref<5632x128xf32, #tpu.memory_space<vmem_shared>> -> memref<32x128xf32, #tpu.memory_space<vmem_shared>>
      %dma_wait3A_149 = arith.constant 0 : i32
      %dma_wait3A_150 = tpu.memref_slice %arg11[%add3A_28, %dma_wait3A_149] : memref<5632x128xf32, #tpu.memory_space<vmem_shared>> -> memref<32x128xf32, #tpu.memory_space<vmem_shared>>
      tpu.wait_dma2 semaphore(%run_scoped3A_143 : memref<!tpu.dma_semaphore, #tpu.memory_space<semaphore_mem>>) src(%arg10 : memref<32x128xf32, #tpu.memory_space<vmem>>) dst(%dma_wait3A_150 : memref<32x128xf32, #tpu.memory_space<vmem_shared>>)
      tpu.yield
    }) : () -> ()
    %mul3A_29 = arith.constant 352 : i32
    %mul3A_30 = arith.muli %arg1, %mul3A_29 : i32
    %add3A_31 = arith.constant 128 : i32
    %add3A_32 = arith.addi %mul3A_30, %add3A_31 : i32
    "tpu.region"() ({
      %run_scoped3A_143 = tpu.sem_alloc : memref<!tpu.dma_semaphore, #tpu.memory_space<semaphore_mem>>
      %dma_start3A_144 = arith.constant 0 : i32
      %dma_start3A_145 = tpu.memref_slice %arg11[%add3A_32, %dma_start3A_144] : memref<5632x128xf32, #tpu.memory_space<vmem_shared>> -> memref<32x128xf32, #tpu.memory_space<vmem_shared>>
      %dma_start3A_146 = arith.constant 0 : i32
      %dma_start3A_147 = tpu.memref_slice %arg11[%add3A_32, %dma_start3A_146] : memref<5632x128xf32, #tpu.memory_space<vmem_shared>> -> memref<32x128xf32, #tpu.memory_space<vmem_shared>>
      tpu.enqueue_dma source(%arg10 : memref<32x128xf32, #tpu.memory_space<vmem>>) target(%dma_start3A_147 : memref<32x128xf32, #tpu.memory_space<vmem_shared>>) target_semaphore(%run_scoped3A_143 : memref<!tpu.dma_semaphore, #tpu.memory_space<semaphore_mem>>)
      %dma_wait3A = arith.constant 0 : i32
      %dma_wait3A_148 = tpu.memref_slice %arg11[%add3A_32, %dma_wait3A] : memref<5632x128xf32, #tpu.memory_space<vmem_shared>> -> memref<32x128xf32, #tpu.memory_space<vmem_shared>>
      %dma_wait3A_149 = arith.constant 0 : i32
      %dma_wait3A_150 = tpu.memref_slice %arg11[%add3A_32, %dma_wait3A_149] : memref<5632x128xf32, #tpu.memory_space<vmem_shared>> -> memref<32x128xf32, #tpu.memory_space<vmem_shared>>
      tpu.wait_dma2 semaphore(%run_scoped3A_143 : memref<!tpu.dma_semaphore, #tpu.memory_space<semaphore_mem>>) src(%arg10 : memref<32x128xf32, #tpu.memory_space<vmem>>) dst(%dma_wait3A_150 : memref<32x128xf32, #tpu.memory_space<vmem_shared>>)
      tpu.yield
    }) : () -> ()
    %mul3A_33 = arith.constant 352 : i32
    %mul3A_34 = arith.muli %arg1, %mul3A_33 : i32
    %add3A_35 = arith.constant 160 : i32
    %add3A_36 = arith.addi %mul3A_34, %add3A_35 : i32
    "tpu.region"() ({
      %run_scoped3A_143 = tpu.sem_alloc : memref<!tpu.dma_semaphore, #tpu.memory_space<semaphore_mem>>
      %dma_start3A_144 = arith.constant 0 : i32
      %dma_start3A_145 = tpu.memref_slice %arg11[%add3A_36, %dma_start3A_144] : memref<5632x128xf32, #tpu.memory_space<vmem_shared>> -> memref<32x128xf32, #tpu.memory_space<vmem_shared>>
      %dma_start3A_146 = arith.constant 0 : i32
      %dma_start3A_147 = tpu.memref_slice %arg11[%add3A_36, %dma_start3A_146] : memref<5632x128xf32, #tpu.memory_space<vmem_shared>> -> memref<32x128xf32, #tpu.memory_space<vmem_shared>>
      tpu.enqueue_dma source(%arg10 : memref<32x128xf32, #tpu.memory_space<vmem>>) target(%dma_start3A_147 : memref<32x128xf32, #tpu.memory_space<vmem_shared>>) target_semaphore(%run_scoped3A_143 : memref<!tpu.dma_semaphore, #tpu.memory_space<semaphore_mem>>)
      %dma_wait3A = arith.constant 0 : i32
      %dma_wait3A_148 = tpu.memref_slice %arg11[%add3A_36, %dma_wait3A] : memref<5632x128xf32, #tpu.memory_space<vmem_shared>> -> memref<32x128xf32, #tpu.memory_space<vmem_shared>>
      %dma_wait3A_149 = arith.constant 0 : i32
      %dma_wait3A_150 = tpu.memref_slice %arg11[%add3A_36, %dma_wait3A_149] : memref<5632x128xf32, #tpu.memory_space<vmem_shared>> -> memref<32x128xf32, #tpu.memory_space<vmem_shared>>
      tpu.wait_dma2 semaphore(%run_scoped3A_143 : memref<!tpu.dma_semaphore, #tpu.memory_space<semaphore_mem>>) src(%arg10 : memref<32x128xf32, #tpu.memory_space<vmem>>) dst(%dma_wait3A_150 : memref<32x128xf32, #tpu.memory_space<vmem_shared>>)
      tpu.yield
    }) : () -> ()
    %mul3A_37 = arith.constant 352 : i32
    %mul3A_38 = arith.muli %arg1, %mul3A_37 : i32
    %add3A_39 = arith.constant 192 : i32
    %add3A_40 = arith.addi %mul3A_38, %add3A_39 : i32
    "tpu.region"() ({
      %run_scoped3A_143 = tpu.sem_alloc : memref<!tpu.dma_semaphore, #tpu.memory_space<semaphore_mem>>
      %dma_start3A_144 = arith.constant 0 : i32
      %dma_start3A_145 = tpu.memref_slice %arg11[%add3A_40, %dma_start3A_144] : memref<5632x128xf32, #tpu.memory_space<vmem_shared>> -> memref<32x128xf32, #tpu.memory_space<vmem_shared>>
      %dma_start3A_146 = arith.constant 0 : i32
      %dma_start3A_147 = tpu.memref_slice %arg11[%add3A_40, %dma_start3A_146] : memref<5632x128xf32, #tpu.memory_space<vmem_shared>> -> memref<32x128xf32, #tpu.memory_space<vmem_shared>>
      tpu.enqueue_dma source(%arg10 : memref<32x128xf32, #tpu.memory_space<vmem>>) target(%dma_start3A_147 : memref<32x128xf32, #tpu.memory_space<vmem_shared>>) target_semaphore(%run_scoped3A_143 : memref<!tpu.dma_semaphore, #tpu.memory_space<semaphore_mem>>)
      %dma_wait3A = arith.constant 0 : i32
      %dma_wait3A_148 = tpu.memref_slice %arg11[%add3A_40, %dma_wait3A] : memref<5632x128xf32, #tpu.memory_space<vmem_shared>> -> memref<32x128xf32, #tpu.memory_space<vmem_shared>>
      %dma_wait3A_149 = arith.constant 0 : i32
      %dma_wait3A_150 = tpu.memref_slice %arg11[%add3A_40, %dma_wait3A_149] : memref<5632x128xf32, #tpu.memory_space<vmem_shared>> -> memref<32x128xf32, #tpu.memory_space<vmem_shared>>
      tpu.wait_dma2 semaphore(%run_scoped3A_143 : memref<!tpu.dma_semaphore, #tpu.memory_space<semaphore_mem>>) src(%arg10 : memref<32x128xf32, #tpu.memory_space<vmem>>) dst(%dma_wait3A_150 : memref<32x128xf32, #tpu.memory_space<vmem_shared>>)
      tpu.yield
    }) : () -> ()
    %mul3A_41 = arith.constant 352 : i32
    %mul3A_42 = arith.muli %arg1, %mul3A_41 : i32
    %add3A_43 = arith.constant 224 : i32
    %add3A_44 = arith.addi %mul3A_42, %add3A_43 : i32
    "tpu.region"() ({
      %run_scoped3A_143 = tpu.sem_alloc : memref<!tpu.dma_semaphore, #tpu.memory_space<semaphore_mem>>
      %dma_start3A_144 = arith.constant 0 : i32
      %dma_start3A_145 = tpu.memref_slice %arg11[%add3A_44, %dma_start3A_144] : memref<5632x128xf32, #tpu.memory_space<vmem_shared>> -> memref<32x128xf32, #tpu.memory_space<vmem_shared>>
      %dma_start3A_146 = arith.constant 0 : i32
      %dma_start3A_147 = tpu.memref_slice %arg11[%add3A_44, %dma_start3A_146] : memref<5632x128xf32, #tpu.memory_space<vmem_shared>> -> memref<32x128xf32, #tpu.memory_space<vmem_shared>>
      tpu.enqueue_dma source(%arg10 : memref<32x128xf32, #tpu.memory_space<vmem>>) target(%dma_start3A_147 : memref<32x128xf32, #tpu.memory_space<vmem_shared>>) target_semaphore(%run_scoped3A_143 : memref<!tpu.dma_semaphore, #tpu.memory_space<semaphore_mem>>)
      %dma_wait3A = arith.constant 0 : i32
      %dma_wait3A_148 = tpu.memref_slice %arg11[%add3A_44, %dma_wait3A] : memref<5632x128xf32, #tpu.memory_space<vmem_shared>> -> memref<32x128xf32, #tpu.memory_space<vmem_shared>>
      %dma_wait3A_149 = arith.constant 0 : i32
      %dma_wait3A_150 = tpu.memref_slice %arg11[%add3A_44, %dma_wait3A_149] : memref<5632x128xf32, #tpu.memory_space<vmem_shared>> -> memref<32x128xf32, #tpu.memory_space<vmem_shared>>
      tpu.wait_dma2 semaphore(%run_scoped3A_143 : memref<!tpu.dma_semaphore, #tpu.memory_space<semaphore_mem>>) src(%arg10 : memref<32x128xf32, #tpu.memory_space<vmem>>) dst(%dma_wait3A_150 : memref<32x128xf32, #tpu.memory_space<vmem_shared>>)
      tpu.yield
    }) : () -> ()
    %mul3A_45 = arith.constant 352 : i32
    %mul3A_46 = arith.muli %arg1, %mul3A_45 : i32
    %add3A_47 = arith.constant 256 : i32
    %add3A_48 = arith.addi %mul3A_46, %add3A_47 : i32
    "tpu.region"() ({
      %run_scoped3A_143 = tpu.sem_alloc : memref<!tpu.dma_semaphore, #tpu.memory_space<semaphore_mem>>
      %dma_start3A_144 = arith.constant 0 : i32
      %dma_start3A_145 = tpu.memref_slice %arg11[%add3A_48, %dma_start3A_144] : memref<5632x128xf32, #tpu.memory_space<vmem_shared>> -> memref<32x128xf32, #tpu.memory_space<vmem_shared>>
      %dma_start3A_146 = arith.constant 0 : i32
      %dma_start3A_147 = tpu.memref_slice %arg11[%add3A_48, %dma_start3A_146] : memref<5632x128xf32, #tpu.memory_space<vmem_shared>> -> memref<32x128xf32, #tpu.memory_space<vmem_shared>>
      tpu.enqueue_dma source(%arg10 : memref<32x128xf32, #tpu.memory_space<vmem>>) target(%dma_start3A_147 : memref<32x128xf32, #tpu.memory_space<vmem_shared>>) target_semaphore(%run_scoped3A_143 : memref<!tpu.dma_semaphore, #tpu.memory_space<semaphore_mem>>)
      %dma_wait3A = arith.constant 0 : i32
      %dma_wait3A_148 = tpu.memref_slice %arg11[%add3A_48, %dma_wait3A] : memref<5632x128xf32, #tpu.memory_space<vmem_shared>> -> memref<32x128xf32, #tpu.memory_space<vmem_shared>>
      %dma_wait3A_149 = arith.constant 0 : i32
      %dma_wait3A_150 = tpu.memref_slice %arg11[%add3A_48, %dma_wait3A_149] : memref<5632x128xf32, #tpu.memory_space<vmem_shared>> -> memref<32x128xf32, #tpu.memory_space<vmem_shared>>
      tpu.wait_dma2 semaphore(%run_scoped3A_143 : memref<!tpu.dma_semaphore, #tpu.memory_space<semaphore_mem>>) src(%arg10 : memref<32x128xf32, #tpu.memory_space<vmem>>) dst(%dma_wait3A_150 : memref<32x128xf32, #tpu.memory_space<vmem_shared>>)
      tpu.yield
    }) : () -> ()
    %mul3A_49 = arith.constant 352 : i32
    %mul3A_50 = arith.muli %arg1, %mul3A_49 : i32
    %add3A_51 = arith.constant 288 : i32
    %add3A_52 = arith.addi %mul3A_50, %add3A_51 : i32
    "tpu.region"() ({
      %run_scoped3A_143 = tpu.sem_alloc : memref<!tpu.dma_semaphore, #tpu.memory_space<semaphore_mem>>
      %dma_start3A_144 = arith.constant 0 : i32
      %dma_start3A_145 = tpu.memref_slice %arg11[%add3A_52, %dma_start3A_144] : memref<5632x128xf32, #tpu.memory_space<vmem_shared>> -> memref<32x128xf32, #tpu.memory_space<vmem_shared>>
      %dma_start3A_146 = arith.constant 0 : i32
      %dma_start3A_147 = tpu.memref_slice %arg11[%add3A_52, %dma_start3A_146] : memref<5632x128xf32, #tpu.memory_space<vmem_shared>> -> memref<32x128xf32, #tpu.memory_space<vmem_shared>>
      tpu.enqueue_dma source(%arg10 : memref<32x128xf32, #tpu.memory_space<vmem>>) target(%dma_start3A_147 : memref<32x128xf32, #tpu.memory_space<vmem_shared>>) target_semaphore(%run_scoped3A_143 : memref<!tpu.dma_semaphore, #tpu.memory_space<semaphore_mem>>)
      %dma_wait3A = arith.constant 0 : i32
      %dma_wait3A_148 = tpu.memref_slice %arg11[%add3A_52, %dma_wait3A] : memref<5632x128xf32, #tpu.memory_space<vmem_shared>> -> memref<32x128xf32, #tpu.memory_space<vmem_shared>>
      %dma_wait3A_149 = arith.constant 0 : i32
      %dma_wait3A_150 = tpu.memref_slice %arg11[%add3A_52, %dma_wait3A_149] : memref<5632x128xf32, #tpu.memory_space<vmem_shared>> -> memref<32x128xf32, #tpu.memory_space<vmem_shared>>
      tpu.wait_dma2 semaphore(%run_scoped3A_143 : memref<!tpu.dma_semaphore, #tpu.memory_space<semaphore_mem>>) src(%arg10 : memref<32x128xf32, #tpu.memory_space<vmem>>) dst(%dma_wait3A_150 : memref<32x128xf32, #tpu.memory_space<vmem_shared>>)
      tpu.yield
    }) : () -> ()
    %mul3A_53 = arith.constant 352 : i32
    %mul3A_54 = arith.muli %arg1, %mul3A_53 : i32
    %add3A_55 = arith.constant 320 : i32
    %add3A_56 = arith.addi %mul3A_54, %add3A_55 : i32
    "tpu.region"() ({
      %run_scoped3A_143 = tpu.sem_alloc : memref<!tpu.dma_semaphore, #tpu.memory_space<semaphore_mem>>
      %dma_start3A_144 = arith.constant 0 : i32
      %dma_start3A_145 = tpu.memref_slice %arg11[%add3A_56, %dma_start3A_144] : memref<5632x128xf32, #tpu.memory_space<vmem_shared>> -> memref<32x128xf32, #tpu.memory_space<vmem_shared>>
      %dma_start3A_146 = arith.constant 0 : i32
      %dma_start3A_147 = tpu.memref_slice %arg11[%add3A_56, %dma_start3A_146] : memref<5632x128xf32, #tpu.memory_space<vmem_shared>> -> memref<32x128xf32, #tpu.memory_space<vmem_shared>>
      tpu.enqueue_dma source(%arg10 : memref<32x128xf32, #tpu.memory_space<vmem>>) target(%dma_start3A_147 : memref<32x128xf32, #tpu.memory_space<vmem_shared>>) target_semaphore(%run_scoped3A_143 : memref<!tpu.dma_semaphore, #tpu.memory_space<semaphore_mem>>)
      %dma_wait3A = arith.constant 0 : i32
      %dma_wait3A_148 = tpu.memref_slice %arg11[%add3A_56, %dma_wait3A] : memref<5632x128xf32, #tpu.memory_space<vmem_shared>> -> memref<32x128xf32, #tpu.memory_space<vmem_shared>>
      %dma_wait3A_149 = arith.constant 0 : i32
      %dma_wait3A_150 = tpu.memref_slice %arg11[%add3A_56, %dma_wait3A_149] : memref<5632x128xf32, #tpu.memory_space<vmem_shared>> -> memref<32x128xf32, #tpu.memory_space<vmem_shared>>
      tpu.wait_dma2 semaphore(%run_scoped3A_143 : memref<!tpu.dma_semaphore, #tpu.memory_space<semaphore_mem>>) src(%arg10 : memref<32x128xf32, #tpu.memory_space<vmem>>) dst(%dma_wait3A_150 : memref<32x128xf32, #tpu.memory_space<vmem_shared>>)
      tpu.yield
    }) : () -> ()
    %barrier3A = arith.constant 0 : index
    tpu.barrier barrier_id(%barrier3A)
    %dma_start3A = arith.constant 0 : i32
    %dma_start3A_57 = arith.constant 0 : i32
    %dma_start3A_58 = tpu.memref_slice %arg5[%dma_start3A, %dma_start3A_57] : memref<80x128xi32, #tpu.memory_space<vmem>> -> memref<1x128xi32, #tpu.memory_space<vmem>>
    %dma_start3A_59 = tpu.memref_squeeze %dma_start3A_58 : memref<1x128xi32, #tpu.memory_space<vmem>> -> memref<128xi32, #tpu.memory_space<vmem>>
    %dma_start3A_60 = arith.constant 0 : i32
    %dma_start3A_61 = arith.constant 0 : i32
    %dma_start3A_62 = tpu.memref_slice %arg2[%dma_start3A_60, %dma_start3A_61] : memref<20480x128xf32, #tpu.memory_space<hbm>> -> memref<20480x128xf32, #tpu.memory_space<hbm>>
    tpu.enqueue_indirect_dma source(%dma_start3A_62 : memref<20480x128xf32, #tpu.memory_space<hbm>>) target(%arg8 : memref<128x128xf32, #tpu.memory_space<vmem>>) offsets(%dma_start3A_59 : memref<128xi32, #tpu.memory_space<vmem>>) semaphore(%arg12 : memref<!tpu.dma_semaphore, #tpu.memory_space<semaphore_mem>>)
    %scan3A_63 = arith.constant 0 : i32
    %scan3A_64 = arith.constant 0 : i32
    %scan3A_65 = arith.constant 40 : i32
    %scan3A_66 = arith.addi %scan3A_64, %scan3A_65 : i32
    %scan3A_67 = arith.constant 1 : i32
    scf.for %scan3A_143 = %scan3A_64 to %scan3A_66 step %scan3A_67  : i32 {
      %mul3A_144 = arith.constant 2 : i32
      %mul3A_145 = arith.muli %mul3A_144, %scan3A_143 : i32
      %add3A_146 = arith.constant 1 : i32
      %add3A_147 = arith.addi %mul3A_145, %add3A_146 : i32
      %dma_start3A_148 = arith.constant 0 : i32
      %dma_start3A_149 = tpu.memref_slice %arg5[%add3A_147, %dma_start3A_148] : memref<80x128xi32, #tpu.memory_space<vmem>> -> memref<1x128xi32, #tpu.memory_space<vmem>>
      %dma_start3A_150 = tpu.memref_squeeze %dma_start3A_149 : memref<1x128xi32, #tpu.memory_space<vmem>> -> memref<128xi32, #tpu.memory_space<vmem>>
      %dma_start3A_151 = arith.constant 0 : i32
      %dma_start3A_152 = arith.constant 0 : i32
      %dma_start3A_153 = tpu.memref_slice %arg2[%dma_start3A_151, %dma_start3A_152] : memref<20480x128xf32, #tpu.memory_space<hbm>> -> memref<20480x128xf32, #tpu.memory_space<hbm>>
      tpu.enqueue_indirect_dma source(%dma_start3A_153 : memref<20480x128xf32, #tpu.memory_space<hbm>>) target(%arg9 : memref<128x128xf32, #tpu.memory_space<vmem>>) offsets(%dma_start3A_150 : memref<128xi32, #tpu.memory_space<vmem>>) semaphore(%arg13 : memref<!tpu.dma_semaphore, #tpu.memory_space<semaphore_mem>>)
      %dma_wait3A = arith.constant 0 : i32
      %dma_wait3A_154 = tpu.memref_slice %arg5[%mul3A_145, %dma_wait3A] : memref<80x128xi32, #tpu.memory_space<vmem>> -> memref<1x128xi32, #tpu.memory_space<vmem>>
      %dma_wait3A_155 = tpu.memref_squeeze %dma_wait3A_154 : memref<1x128xi32, #tpu.memory_space<vmem>> -> memref<128xi32, #tpu.memory_space<vmem>>
      %dma_wait3A_156 = arith.constant 0 : i32
      %dma_wait3A_157 = arith.constant 0 : i32
      %dma_wait3A_158 = tpu.memref_slice %arg2[%dma_wait3A_156, %dma_wait3A_157] : memref<20480x128xf32, #tpu.memory_space<hbm>> -> memref<20480x128xf32, #tpu.memory_space<hbm>>
      tpu.wait_indirect_dma semaphore(%arg12 : memref<!tpu.dma_semaphore, #tpu.memory_space<semaphore_mem>>) src(%dma_wait3A_158 : memref<20480x128xf32, #tpu.memory_space<hbm>>) dst(%arg8 : memref<128x128xf32, #tpu.memory_space<vmem>>)
      "tpu.region"() ({
        %run_scoped3A_171 = tpu.sem_alloc : memref<!tpu.dma_semaphore, #tpu.memory_space<semaphore_mem>>
        %dma_start3A_172 = arith.constant 0 : i32
        %dma_start3A_173 = tpu.memref_slice %arg6[%mul3A_145, %dma_start3A_172] : memref<80x128xi32, #tpu.memory_space<vmem>> -> memref<1x128xi32, #tpu.memory_space<vmem>>
        %dma_start3A_174 = tpu.memref_squeeze %dma_start3A_173 : memref<1x128xi32, #tpu.memory_space<vmem>> -> memref<128xi32, #tpu.memory_space<vmem>>
        %dma_start3A_175 = arith.constant 0 : i32
        %dma_start3A_176 = arith.constant 0 : i32
        %dma_start3A_177 = tpu.memref_slice %arg11[%dma_start3A_175, %dma_start3A_176] : memref<5632x128xf32, #tpu.memory_space<vmem_shared>> -> memref<5632x128xf32, #tpu.memory_space<vmem_shared>>
        tpu.enqueue_indirect_dma source(%arg8 : memref<128x128xf32, #tpu.memory_space<vmem>>) target(%dma_start3A_177 : memref<5632x128xf32, #tpu.memory_space<vmem_shared>>) offsets(%dma_start3A_174 : memref<128xi32, #tpu.memory_space<vmem>>) semaphore(%run_scoped3A_171 : memref<!tpu.dma_semaphore, #tpu.memory_space<semaphore_mem>>) {add = true}
        %dma_wait3A_178 = arith.constant 0 : i32
        %dma_wait3A_179 = tpu.memref_slice %arg6[%mul3A_145, %dma_wait3A_178] : memref<80x128xi32, #tpu.memory_space<vmem>> -> memref<1x128xi32, #tpu.memory_space<vmem>>
        %dma_wait3A_180 = tpu.memref_squeeze %dma_wait3A_179 : memref<1x128xi32, #tpu.memory_space<vmem>> -> memref<128xi32, #tpu.memory_space<vmem>>
        %dma_wait3A_181 = arith.constant 0 : i32
        %dma_wait3A_182 = arith.constant 0 : i32
        %dma_wait3A_183 = tpu.memref_slice %arg11[%dma_wait3A_181, %dma_wait3A_182] : memref<5632x128xf32, #tpu.memory_space<vmem_shared>> -> memref<5632x128xf32, #tpu.memory_space<vmem_shared>>
        tpu.wait_indirect_dma semaphore(%run_scoped3A_171 : memref<!tpu.dma_semaphore, #tpu.memory_space<semaphore_mem>>) src(%arg8 : memref<128x128xf32, #tpu.memory_space<vmem>>) dst(%dma_wait3A_183 : memref<5632x128xf32, #tpu.memory_space<vmem_shared>>)
        tpu.yield
      }) : () -> ()
      %lt3A = arith.constant 39 : i32
      %lt3A_159 = arith.cmpi slt, %scan3A_143, %lt3A : i32
      %convert_element_type3A = arith.extui %lt3A_159 : i1 to i32
      %cond3A = arith.constant 0 : i32
      %cond3A_160 = arith.cmpi ne, %convert_element_type3A, %cond3A : i32
      scf.if %cond3A_160 {
        %add3A_171 = arith.constant 2 : i32
        %add3A_172 = arith.addi %mul3A_145, %add3A_171 : i32
        %dma_start3A_173 = arith.constant 0 : i32
        %dma_start3A_174 = tpu.memref_slice %arg5[%add3A_172, %dma_start3A_173] : memref<80x128xi32, #tpu.memory_space<vmem>> -> memref<1x128xi32, #tpu.memory_space<vmem>>
        %dma_start3A_175 = tpu.memref_squeeze %dma_start3A_174 : memref<1x128xi32, #tpu.memory_space<vmem>> -> memref<128xi32, #tpu.memory_space<vmem>>
        %dma_start3A_176 = arith.constant 0 : i32
        %dma_start3A_177 = arith.constant 0 : i32
        %dma_start3A_178 = tpu.memref_slice %arg2[%dma_start3A_176, %dma_start3A_177] : memref<20480x128xf32, #tpu.memory_space<hbm>> -> memref<20480x128xf32, #tpu.memory_space<hbm>>
        tpu.enqueue_indirect_dma source(%dma_start3A_178 : memref<20480x128xf32, #tpu.memory_space<hbm>>) target(%arg8 : memref<128x128xf32, #tpu.memory_space<vmem>>) offsets(%dma_start3A_175 : memref<128xi32, #tpu.memory_space<vmem>>) semaphore(%arg12 : memref<!tpu.dma_semaphore, #tpu.memory_space<semaphore_mem>>)
      } else {
      }
      %add3A_161 = arith.constant 1 : i32
      %add3A_162 = arith.addi %mul3A_145, %add3A_161 : i32
      %dma_wait3A_163 = arith.constant 0 : i32
      %dma_wait3A_164 = tpu.memref_slice %arg5[%add3A_162, %dma_wait3A_163] : memref<80x128xi32, #tpu.memory_space<vmem>> -> memref<1x128xi32, #tpu.memory_space<vmem>>
      %dma_wait3A_165 = tpu.memref_squeeze %dma_wait3A_164 : memref<1x128xi32, #tpu.memory_space<vmem>> -> memref<128xi32, #tpu.memory_space<vmem>>
      %dma_wait3A_166 = arith.constant 0 : i32
      %dma_wait3A_167 = arith.constant 0 : i32
      %dma_wait3A_168 = tpu.memref_slice %arg2[%dma_wait3A_166, %dma_wait3A_167] : memref<20480x128xf32, #tpu.memory_space<hbm>> -> memref<20480x128xf32, #tpu.memory_space<hbm>>
      tpu.wait_indirect_dma semaphore(%arg13 : memref<!tpu.dma_semaphore, #tpu.memory_space<semaphore_mem>>) src(%dma_wait3A_168 : memref<20480x128xf32, #tpu.memory_space<hbm>>) dst(%arg9 : memref<128x128xf32, #tpu.memory_space<vmem>>)
      %add3A_169 = arith.constant 1 : i32
      %add3A_170 = arith.addi %mul3A_145, %add3A_169 : i32
      "tpu.region"() ({
        %run_scoped3A_171 = tpu.sem_alloc : memref<!tpu.dma_semaphore, #tpu.memory_space<semaphore_mem>>
        %dma_start3A_172 = arith.constant 0 : i32
        %dma_start3A_173 = tpu.memref_slice %arg6[%add3A_170, %dma_start3A_172] : memref<80x128xi32, #tpu.memory_space<vmem>> -> memref<1x128xi32, #tpu.memory_space<vmem>>
        %dma_start3A_174 = tpu.memref_squeeze %dma_start3A_173 : memref<1x128xi32, #tpu.memory_space<vmem>> -> memref<128xi32, #tpu.memory_space<vmem>>
        %dma_start3A_175 = arith.constant 0 : i32
        %dma_start3A_176 = arith.constant 0 : i32
        %dma_start3A_177 = tpu.memref_slice %arg11[%dma_start3A_175, %dma_start3A_176] : memref<5632x128xf32, #tpu.memory_space<vmem_shared>> -> memref<5632x128xf32, #tpu.memory_space<vmem_shared>>
        tpu.enqueue_indirect_dma source(%arg9 : memref<128x128xf32, #tpu.memory_space<vmem>>) target(%dma_start3A_177 : memref<5632x128xf32, #tpu.memory_space<vmem_shared>>) offsets(%dma_start3A_174 : memref<128xi32, #tpu.memory_space<vmem>>) semaphore(%run_scoped3A_171 : memref<!tpu.dma_semaphore, #tpu.memory_space<semaphore_mem>>) {add = true}
        %dma_wait3A_178 = arith.constant 0 : i32
        %dma_wait3A_179 = tpu.memref_slice %arg6[%add3A_170, %dma_wait3A_178] : memref<80x128xi32, #tpu.memory_space<vmem>> -> memref<1x128xi32, #tpu.memory_space<vmem>>
        %dma_wait3A_180 = tpu.memref_squeeze %dma_wait3A_179 : memref<1x128xi32, #tpu.memory_space<vmem>> -> memref<128xi32, #tpu.memory_space<vmem>>
        %dma_wait3A_181 = arith.constant 0 : i32
        %dma_wait3A_182 = arith.constant 0 : i32
        %dma_wait3A_183 = tpu.memref_slice %arg11[%dma_wait3A_181, %dma_wait3A_182] : memref<5632x128xf32, #tpu.memory_space<vmem_shared>> -> memref<5632x128xf32, #tpu.memory_space<vmem_shared>>
        tpu.wait_indirect_dma semaphore(%run_scoped3A_171 : memref<!tpu.dma_semaphore, #tpu.memory_space<semaphore_mem>>) src(%arg9 : memref<128x128xf32, #tpu.memory_space<vmem>>) dst(%dma_wait3A_183 : memref<5632x128xf32, #tpu.memory_space<vmem_shared>>)
        tpu.yield
      }) : () -> ()
    }
    %scan3A_68 = arith.constant 40 : i32
    %barrier3A_69 = arith.constant 0 : index
    tpu.barrier barrier_id(%barrier3A_69)
    %mul3A_70 = arith.constant 320 : i32
    %mul3A_71 = arith.muli %arg1, %mul3A_70 : i32
    %mul3A_72 = arith.constant 320 : i32
    %mul3A_73 = arith.muli %arg1, %mul3A_72 : i32
    %add3A_74 = arith.constant 0 : i32
    %add3A_75 = arith.addi %add3A_74, %mul3A_73 : i32
    "tpu.region"() ({
      %run_scoped3A_143 = tpu.sem_alloc : memref<!tpu.dma_semaphore, #tpu.memory_space<semaphore_mem>>
      %dma_start3A_144 = arith.constant 0 : i32
      %dma_start3A_145 = tpu.memref_slice %arg4[%arg0, %add3A_75, %dma_start3A_144] : memref<2x10240x128xf32, #tpu.memory_space<hbm>> -> memref<1x320x128xf32, #tpu.memory_space<hbm>>
      %dma_start3A_146 = tpu.memref_squeeze %dma_start3A_145 : memref<1x320x128xf32, #tpu.memory_space<hbm>> -> memref<320x128xf32, #tpu.memory_space<hbm>>
      %dma_start3A_147 = arith.constant 0 : i32
      %dma_start3A_148 = tpu.memref_slice %arg11[%mul3A_71, %dma_start3A_147] : memref<5632x128xf32, #tpu.memory_space<vmem_shared>> -> memref<320x128xf32, #tpu.memory_space<vmem_shared>>
      tpu.enqueue_dma source(%dma_start3A_148 : memref<320x128xf32, #tpu.memory_space<vmem_shared>>) target(%dma_start3A_146 : memref<320x128xf32, #tpu.memory_space<hbm>>) target_semaphore(%run_scoped3A_143 : memref<!tpu.dma_semaphore, #tpu.memory_space<semaphore_mem>>)
      %dma_wait3A = arith.constant 0 : i32
      %dma_wait3A_149 = tpu.memref_slice %arg4[%arg0, %add3A_75, %dma_wait3A] : memref<2x10240x128xf32, #tpu.memory_space<hbm>> -> memref<1x320x128xf32, #tpu.memory_space<hbm>>
      %dma_wait3A_150 = tpu.memref_squeeze %dma_wait3A_149 : memref<1x320x128xf32, #tpu.memory_space<hbm>> -> memref<320x128xf32, #tpu.memory_space<hbm>>
      %dma_wait3A_151 = arith.constant 0 : i32
      %dma_wait3A_152 = tpu.memref_slice %arg11[%mul3A_71, %dma_wait3A_151] : memref<5632x128xf32, #tpu.memory_space<vmem_shared>> -> memref<320x128xf32, #tpu.memory_space<vmem_shared>>
      tpu.wait_dma2 semaphore(%run_scoped3A_143 : memref<!tpu.dma_semaphore, #tpu.memory_space<semaphore_mem>>) src(%dma_wait3A_152 : memref<320x128xf32, #tpu.memory_space<vmem_shared>>) dst(%dma_wait3A_150 : memref<320x128xf32, #tpu.memory_space<hbm>>)
      tpu.yield
    }) : () -> ()
    %barrier3A_76 = arith.constant 0 : index
    tpu.barrier barrier_id(%barrier3A_76)
    %mul3A_77 = arith.constant 352 : i32
    %mul3A_78 = arith.muli %arg1, %mul3A_77 : i32
    %add3A_79 = arith.constant 0 : i32
    %add3A_80 = arith.addi %mul3A_78, %add3A_79 : i32
    "tpu.region"() ({
      %run_scoped3A_143 = tpu.sem_alloc : memref<!tpu.dma_semaphore, #tpu.memory_space<semaphore_mem>>
      %dma_start3A_144 = arith.constant 0 : i32
      %dma_start3A_145 = tpu.memref_slice %arg11[%add3A_80, %dma_start3A_144] : memref<5632x128xf32, #tpu.memory_space<vmem_shared>> -> memref<32x128xf32, #tpu.memory_space<vmem_shared>>
      %dma_start3A_146 = arith.constant 0 : i32
      %dma_start3A_147 = tpu.memref_slice %arg11[%add3A_80, %dma_start3A_146] : memref<5632x128xf32, #tpu.memory_space<vmem_shared>> -> memref<32x128xf32, #tpu.memory_space<vmem_shared>>
      tpu.enqueue_dma source(%arg10 : memref<32x128xf32, #tpu.memory_space<vmem>>) target(%dma_start3A_147 : memref<32x128xf32, #tpu.memory_space<vmem_shared>>) target_semaphore(%run_scoped3A_143 : memref<!tpu.dma_semaphore, #tpu.memory_space<semaphore_mem>>)
      %dma_wait3A = arith.constant 0 : i32
      %dma_wait3A_148 = tpu.memref_slice %arg11[%add3A_80, %dma_wait3A] : memref<5632x128xf32, #tpu.memory_space<vmem_shared>> -> memref<32x128xf32, #tpu.memory_space<vmem_shared>>
      %dma_wait3A_149 = arith.constant 0 : i32
      %dma_wait3A_150 = tpu.memref_slice %arg11[%add3A_80, %dma_wait3A_149] : memref<5632x128xf32, #tpu.memory_space<vmem_shared>> -> memref<32x128xf32, #tpu.memory_space<vmem_shared>>
      tpu.wait_dma2 semaphore(%run_scoped3A_143 : memref<!tpu.dma_semaphore, #tpu.memory_space<semaphore_mem>>) src(%arg10 : memref<32x128xf32, #tpu.memory_space<vmem>>) dst(%dma_wait3A_150 : memref<32x128xf32, #tpu.memory_space<vmem_shared>>)
      tpu.yield
    }) : () -> ()
    %mul3A_81 = arith.constant 352 : i32
    %mul3A_82 = arith.muli %arg1, %mul3A_81 : i32
    %add3A_83 = arith.constant 32 : i32
    %add3A_84 = arith.addi %mul3A_82, %add3A_83 : i32
    "tpu.region"() ({
      %run_scoped3A_143 = tpu.sem_alloc : memref<!tpu.dma_semaphore, #tpu.memory_space<semaphore_mem>>
      %dma_start3A_144 = arith.constant 0 : i32
      %dma_start3A_145 = tpu.memref_slice %arg11[%add3A_84, %dma_start3A_144] : memref<5632x128xf32, #tpu.memory_space<vmem_shared>> -> memref<32x128xf32, #tpu.memory_space<vmem_shared>>
      %dma_start3A_146 = arith.constant 0 : i32
      %dma_start3A_147 = tpu.memref_slice %arg11[%add3A_84, %dma_start3A_146] : memref<5632x128xf32, #tpu.memory_space<vmem_shared>> -> memref<32x128xf32, #tpu.memory_space<vmem_shared>>
      tpu.enqueue_dma source(%arg10 : memref<32x128xf32, #tpu.memory_space<vmem>>) target(%dma_start3A_147 : memref<32x128xf32, #tpu.memory_space<vmem_shared>>) target_semaphore(%run_scoped3A_143 : memref<!tpu.dma_semaphore, #tpu.memory_space<semaphore_mem>>)
      %dma_wait3A = arith.constant 0 : i32
      %dma_wait3A_148 = tpu.memref_slice %arg11[%add3A_84, %dma_wait3A] : memref<5632x128xf32, #tpu.memory_space<vmem_shared>> -> memref<32x128xf32, #tpu.memory_space<vmem_shared>>
      %dma_wait3A_149 = arith.constant 0 : i32
      %dma_wait3A_150 = tpu.memref_slice %arg11[%add3A_84, %dma_wait3A_149] : memref<5632x128xf32, #tpu.memory_space<vmem_shared>> -> memref<32x128xf32, #tpu.memory_space<vmem_shared>>
      tpu.wait_dma2 semaphore(%run_scoped3A_143 : memref<!tpu.dma_semaphore, #tpu.memory_space<semaphore_mem>>) src(%arg10 : memref<32x128xf32, #tpu.memory_space<vmem>>) dst(%dma_wait3A_150 : memref<32x128xf32, #tpu.memory_space<vmem_shared>>)
      tpu.yield
    }) : () -> ()
    %mul3A_85 = arith.constant 352 : i32
    %mul3A_86 = arith.muli %arg1, %mul3A_85 : i32
    %add3A_87 = arith.constant 64 : i32
    %add3A_88 = arith.addi %mul3A_86, %add3A_87 : i32
    "tpu.region"() ({
      %run_scoped3A_143 = tpu.sem_alloc : memref<!tpu.dma_semaphore, #tpu.memory_space<semaphore_mem>>
      %dma_start3A_144 = arith.constant 0 : i32
      %dma_start3A_145 = tpu.memref_slice %arg11[%add3A_88, %dma_start3A_144] : memref<5632x128xf32, #tpu.memory_space<vmem_shared>> -> memref<32x128xf32, #tpu.memory_space<vmem_shared>>
      %dma_start3A_146 = arith.constant 0 : i32
      %dma_start3A_147 = tpu.memref_slice %arg11[%add3A_88, %dma_start3A_146] : memref<5632x128xf32, #tpu.memory_space<vmem_shared>> -> memref<32x128xf32, #tpu.memory_space<vmem_shared>>
      tpu.enqueue_dma source(%arg10 : memref<32x128xf32, #tpu.memory_space<vmem>>) target(%dma_start3A_147 : memref<32x128xf32, #tpu.memory_space<vmem_shared>>) target_semaphore(%run_scoped3A_143 : memref<!tpu.dma_semaphore, #tpu.memory_space<semaphore_mem>>)
      %dma_wait3A = arith.constant 0 : i32
      %dma_wait3A_148 = tpu.memref_slice %arg11[%add3A_88, %dma_wait3A] : memref<5632x128xf32, #tpu.memory_space<vmem_shared>> -> memref<32x128xf32, #tpu.memory_space<vmem_shared>>
      %dma_wait3A_149 = arith.constant 0 : i32
      %dma_wait3A_150 = tpu.memref_slice %arg11[%add3A_88, %dma_wait3A_149] : memref<5632x128xf32, #tpu.memory_space<vmem_shared>> -> memref<32x128xf32, #tpu.memory_space<vmem_shared>>
      tpu.wait_dma2 semaphore(%run_scoped3A_143 : memref<!tpu.dma_semaphore, #tpu.memory_space<semaphore_mem>>) src(%arg10 : memref<32x128xf32, #tpu.memory_space<vmem>>) dst(%dma_wait3A_150 : memref<32x128xf32, #tpu.memory_space<vmem_shared>>)
      tpu.yield
    }) : () -> ()
    %mul3A_89 = arith.constant 352 : i32
    %mul3A_90 = arith.muli %arg1, %mul3A_89 : i32
    %add3A_91 = arith.constant 96 : i32
    %add3A_92 = arith.addi %mul3A_90, %add3A_91 : i32
    "tpu.region"() ({
      %run_scoped3A_143 = tpu.sem_alloc : memref<!tpu.dma_semaphore, #tpu.memory_space<semaphore_mem>>
      %dma_start3A_144 = arith.constant 0 : i32
      %dma_start3A_145 = tpu.memref_slice %arg11[%add3A_92, %dma_start3A_144] : memref<5632x128xf32, #tpu.memory_space<vmem_shared>> -> memref<32x128xf32, #tpu.memory_space<vmem_shared>>
      %dma_start3A_146 = arith.constant 0 : i32
      %dma_start3A_147 = tpu.memref_slice %arg11[%add3A_92, %dma_start3A_146] : memref<5632x128xf32, #tpu.memory_space<vmem_shared>> -> memref<32x128xf32, #tpu.memory_space<vmem_shared>>
      tpu.enqueue_dma source(%arg10 : memref<32x128xf32, #tpu.memory_space<vmem>>) target(%dma_start3A_147 : memref<32x128xf32, #tpu.memory_space<vmem_shared>>) target_semaphore(%run_scoped3A_143 : memref<!tpu.dma_semaphore, #tpu.memory_space<semaphore_mem>>)
      %dma_wait3A = arith.constant 0 : i32
      %dma_wait3A_148 = tpu.memref_slice %arg11[%add3A_92, %dma_wait3A] : memref<5632x128xf32, #tpu.memory_space<vmem_shared>> -> memref<32x128xf32, #tpu.memory_space<vmem_shared>>
      %dma_wait3A_149 = arith.constant 0 : i32
      %dma_wait3A_150 = tpu.memref_slice %arg11[%add3A_92, %dma_wait3A_149] : memref<5632x128xf32, #tpu.memory_space<vmem_shared>> -> memref<32x128xf32, #tpu.memory_space<vmem_shared>>
      tpu.wait_dma2 semaphore(%run_scoped3A_143 : memref<!tpu.dma_semaphore, #tpu.memory_space<semaphore_mem>>) src(%arg10 : memref<32x128xf32, #tpu.memory_space<vmem>>) dst(%dma_wait3A_150 : memref<32x128xf32, #tpu.memory_space<vmem_shared>>)
      tpu.yield
    }) : () -> ()
    %mul3A_93 = arith.constant 352 : i32
    %mul3A_94 = arith.muli %arg1, %mul3A_93 : i32
    %add3A_95 = arith.constant 128 : i32
    %add3A_96 = arith.addi %mul3A_94, %add3A_95 : i32
    "tpu.region"() ({
      %run_scoped3A_143 = tpu.sem_alloc : memref<!tpu.dma_semaphore, #tpu.memory_space<semaphore_mem>>
      %dma_start3A_144 = arith.constant 0 : i32
      %dma_start3A_145 = tpu.memref_slice %arg11[%add3A_96, %dma_start3A_144] : memref<5632x128xf32, #tpu.memory_space<vmem_shared>> -> memref<32x128xf32, #tpu.memory_space<vmem_shared>>
      %dma_start3A_146 = arith.constant 0 : i32
      %dma_start3A_147 = tpu.memref_slice %arg11[%add3A_96, %dma_start3A_146] : memref<5632x128xf32, #tpu.memory_space<vmem_shared>> -> memref<32x128xf32, #tpu.memory_space<vmem_shared>>
      tpu.enqueue_dma source(%arg10 : memref<32x128xf32, #tpu.memory_space<vmem>>) target(%dma_start3A_147 : memref<32x128xf32, #tpu.memory_space<vmem_shared>>) target_semaphore(%run_scoped3A_143 : memref<!tpu.dma_semaphore, #tpu.memory_space<semaphore_mem>>)
      %dma_wait3A = arith.constant 0 : i32
      %dma_wait3A_148 = tpu.memref_slice %arg11[%add3A_96, %dma_wait3A] : memref<5632x128xf32, #tpu.memory_space<vmem_shared>> -> memref<32x128xf32, #tpu.memory_space<vmem_shared>>
      %dma_wait3A_149 = arith.constant 0 : i32
      %dma_wait3A_150 = tpu.memref_slice %arg11[%add3A_96, %dma_wait3A_149] : memref<5632x128xf32, #tpu.memory_space<vmem_shared>> -> memref<32x128xf32, #tpu.memory_space<vmem_shared>>
      tpu.wait_dma2 semaphore(%run_scoped3A_143 : memref<!tpu.dma_semaphore, #tpu.memory_space<semaphore_mem>>) src(%arg10 : memref<32x128xf32, #tpu.memory_space<vmem>>) dst(%dma_wait3A_150 : memref<32x128xf32, #tpu.memory_space<vmem_shared>>)
      tpu.yield
    }) : () -> ()
    %mul3A_97 = arith.constant 352 : i32
    %mul3A_98 = arith.muli %arg1, %mul3A_97 : i32
    %add3A_99 = arith.constant 160 : i32
    %add3A_100 = arith.addi %mul3A_98, %add3A_99 : i32
    "tpu.region"() ({
      %run_scoped3A_143 = tpu.sem_alloc : memref<!tpu.dma_semaphore, #tpu.memory_space<semaphore_mem>>
      %dma_start3A_144 = arith.constant 0 : i32
      %dma_start3A_145 = tpu.memref_slice %arg11[%add3A_100, %dma_start3A_144] : memref<5632x128xf32, #tpu.memory_space<vmem_shared>> -> memref<32x128xf32, #tpu.memory_space<vmem_shared>>
      %dma_start3A_146 = arith.constant 0 : i32
      %dma_start3A_147 = tpu.memref_slice %arg11[%add3A_100, %dma_start3A_146] : memref<5632x128xf32, #tpu.memory_space<vmem_shared>> -> memref<32x128xf32, #tpu.memory_space<vmem_shared>>
      tpu.enqueue_dma source(%arg10 : memref<32x128xf32, #tpu.memory_space<vmem>>) target(%dma_start3A_147 : memref<32x128xf32, #tpu.memory_space<vmem_shared>>) target_semaphore(%run_scoped3A_143 : memref<!tpu.dma_semaphore, #tpu.memory_space<semaphore_mem>>)
      %dma_wait3A = arith.constant 0 : i32
      %dma_wait3A_148 = tpu.memref_slice %arg11[%add3A_100, %dma_wait3A] : memref<5632x128xf32, #tpu.memory_space<vmem_shared>> -> memref<32x128xf32, #tpu.memory_space<vmem_shared>>
      %dma_wait3A_149 = arith.constant 0 : i32
      %dma_wait3A_150 = tpu.memref_slice %arg11[%add3A_100, %dma_wait3A_149] : memref<5632x128xf32, #tpu.memory_space<vmem_shared>> -> memref<32x128xf32, #tpu.memory_space<vmem_shared>>
      tpu.wait_dma2 semaphore(%run_scoped3A_143 : memref<!tpu.dma_semaphore, #tpu.memory_space<semaphore_mem>>) src(%arg10 : memref<32x128xf32, #tpu.memory_space<vmem>>) dst(%dma_wait3A_150 : memref<32x128xf32, #tpu.memory_space<vmem_shared>>)
      tpu.yield
    }) : () -> ()
    %mul3A_101 = arith.constant 352 : i32
    %mul3A_102 = arith.muli %arg1, %mul3A_101 : i32
    %add3A_103 = arith.constant 192 : i32
    %add3A_104 = arith.addi %mul3A_102, %add3A_103 : i32
    "tpu.region"() ({
      %run_scoped3A_143 = tpu.sem_alloc : memref<!tpu.dma_semaphore, #tpu.memory_space<semaphore_mem>>
      %dma_start3A_144 = arith.constant 0 : i32
      %dma_start3A_145 = tpu.memref_slice %arg11[%add3A_104, %dma_start3A_144] : memref<5632x128xf32, #tpu.memory_space<vmem_shared>> -> memref<32x128xf32, #tpu.memory_space<vmem_shared>>
      %dma_start3A_146 = arith.constant 0 : i32
      %dma_start3A_147 = tpu.memref_slice %arg11[%add3A_104, %dma_start3A_146] : memref<5632x128xf32, #tpu.memory_space<vmem_shared>> -> memref<32x128xf32, #tpu.memory_space<vmem_shared>>
      tpu.enqueue_dma source(%arg10 : memref<32x128xf32, #tpu.memory_space<vmem>>) target(%dma_start3A_147 : memref<32x128xf32, #tpu.memory_space<vmem_shared>>) target_semaphore(%run_scoped3A_143 : memref<!tpu.dma_semaphore, #tpu.memory_space<semaphore_mem>>)
      %dma_wait3A = arith.constant 0 : i32
      %dma_wait3A_148 = tpu.memref_slice %arg11[%add3A_104, %dma_wait3A] : memref<5632x128xf32, #tpu.memory_space<vmem_shared>> -> memref<32x128xf32, #tpu.memory_space<vmem_shared>>
      %dma_wait3A_149 = arith.constant 0 : i32
      %dma_wait3A_150 = tpu.memref_slice %arg11[%add3A_104, %dma_wait3A_149] : memref<5632x128xf32, #tpu.memory_space<vmem_shared>> -> memref<32x128xf32, #tpu.memory_space<vmem_shared>>
      tpu.wait_dma2 semaphore(%run_scoped3A_143 : memref<!tpu.dma_semaphore, #tpu.memory_space<semaphore_mem>>) src(%arg10 : memref<32x128xf32, #tpu.memory_space<vmem>>) dst(%dma_wait3A_150 : memref<32x128xf32, #tpu.memory_space<vmem_shared>>)
      tpu.yield
    }) : () -> ()
    %mul3A_105 = arith.constant 352 : i32
    %mul3A_106 = arith.muli %arg1, %mul3A_105 : i32
    %add3A_107 = arith.constant 224 : i32
    %add3A_108 = arith.addi %mul3A_106, %add3A_107 : i32
    "tpu.region"() ({
      %run_scoped3A_143 = tpu.sem_alloc : memref<!tpu.dma_semaphore, #tpu.memory_space<semaphore_mem>>
      %dma_start3A_144 = arith.constant 0 : i32
      %dma_start3A_145 = tpu.memref_slice %arg11[%add3A_108, %dma_start3A_144] : memref<5632x128xf32, #tpu.memory_space<vmem_shared>> -> memref<32x128xf32, #tpu.memory_space<vmem_shared>>
      %dma_start3A_146 = arith.constant 0 : i32
      %dma_start3A_147 = tpu.memref_slice %arg11[%add3A_108, %dma_start3A_146] : memref<5632x128xf32, #tpu.memory_space<vmem_shared>> -> memref<32x128xf32, #tpu.memory_space<vmem_shared>>
      tpu.enqueue_dma source(%arg10 : memref<32x128xf32, #tpu.memory_space<vmem>>) target(%dma_start3A_147 : memref<32x128xf32, #tpu.memory_space<vmem_shared>>) target_semaphore(%run_scoped3A_143 : memref<!tpu.dma_semaphore, #tpu.memory_space<semaphore_mem>>)
      %dma_wait3A = arith.constant 0 : i32
      %dma_wait3A_148 = tpu.memref_slice %arg11[%add3A_108, %dma_wait3A] : memref<5632x128xf32, #tpu.memory_space<vmem_shared>> -> memref<32x128xf32, #tpu.memory_space<vmem_shared>>
      %dma_wait3A_149 = arith.constant 0 : i32
      %dma_wait3A_150 = tpu.memref_slice %arg11[%add3A_108, %dma_wait3A_149] : memref<5632x128xf32, #tpu.memory_space<vmem_shared>> -> memref<32x128xf32, #tpu.memory_space<vmem_shared>>
      tpu.wait_dma2 semaphore(%run_scoped3A_143 : memref<!tpu.dma_semaphore, #tpu.memory_space<semaphore_mem>>) src(%arg10 : memref<32x128xf32, #tpu.memory_space<vmem>>) dst(%dma_wait3A_150 : memref<32x128xf32, #tpu.memory_space<vmem_shared>>)
      tpu.yield
    }) : () -> ()
    %mul3A_109 = arith.constant 352 : i32
    %mul3A_110 = arith.muli %arg1, %mul3A_109 : i32
    %add3A_111 = arith.constant 256 : i32
    %add3A_112 = arith.addi %mul3A_110, %add3A_111 : i32
    "tpu.region"() ({
      %run_scoped3A_143 = tpu.sem_alloc : memref<!tpu.dma_semaphore, #tpu.memory_space<semaphore_mem>>
      %dma_start3A_144 = arith.constant 0 : i32
      %dma_start3A_145 = tpu.memref_slice %arg11[%add3A_112, %dma_start3A_144] : memref<5632x128xf32, #tpu.memory_space<vmem_shared>> -> memref<32x128xf32, #tpu.memory_space<vmem_shared>>
      %dma_start3A_146 = arith.constant 0 : i32
      %dma_start3A_147 = tpu.memref_slice %arg11[%add3A_112, %dma_start3A_146] : memref<5632x128xf32, #tpu.memory_space<vmem_shared>> -> memref<32x128xf32, #tpu.memory_space<vmem_shared>>
      tpu.enqueue_dma source(%arg10 : memref<32x128xf32, #tpu.memory_space<vmem>>) target(%dma_start3A_147 : memref<32x128xf32, #tpu.memory_space<vmem_shared>>) target_semaphore(%run_scoped3A_143 : memref<!tpu.dma_semaphore, #tpu.memory_space<semaphore_mem>>)
      %dma_wait3A = arith.constant 0 : i32
      %dma_wait3A_148 = tpu.memref_slice %arg11[%add3A_112, %dma_wait3A] : memref<5632x128xf32, #tpu.memory_space<vmem_shared>> -> memref<32x128xf32, #tpu.memory_space<vmem_shared>>
      %dma_wait3A_149 = arith.constant 0 : i32
      %dma_wait3A_150 = tpu.memref_slice %arg11[%add3A_112, %dma_wait3A_149] : memref<5632x128xf32, #tpu.memory_space<vmem_shared>> -> memref<32x128xf32, #tpu.memory_space<vmem_shared>>
      tpu.wait_dma2 semaphore(%run_scoped3A_143 : memref<!tpu.dma_semaphore, #tpu.memory_space<semaphore_mem>>) src(%arg10 : memref<32x128xf32, #tpu.memory_space<vmem>>) dst(%dma_wait3A_150 : memref<32x128xf32, #tpu.memory_space<vmem_shared>>)
      tpu.yield
    }) : () -> ()
    %mul3A_113 = arith.constant 352 : i32
    %mul3A_114 = arith.muli %arg1, %mul3A_113 : i32
    %add3A_115 = arith.constant 288 : i32
    %add3A_116 = arith.addi %mul3A_114, %add3A_115 : i32
    "tpu.region"() ({
      %run_scoped3A_143 = tpu.sem_alloc : memref<!tpu.dma_semaphore, #tpu.memory_space<semaphore_mem>>
      %dma_start3A_144 = arith.constant 0 : i32
      %dma_start3A_145 = tpu.memref_slice %arg11[%add3A_116, %dma_start3A_144] : memref<5632x128xf32, #tpu.memory_space<vmem_shared>> -> memref<32x128xf32, #tpu.memory_space<vmem_shared>>
      %dma_start3A_146 = arith.constant 0 : i32
      %dma_start3A_147 = tpu.memref_slice %arg11[%add3A_116, %dma_start3A_146] : memref<5632x128xf32, #tpu.memory_space<vmem_shared>> -> memref<32x128xf32, #tpu.memory_space<vmem_shared>>
      tpu.enqueue_dma source(%arg10 : memref<32x128xf32, #tpu.memory_space<vmem>>) target(%dma_start3A_147 : memref<32x128xf32, #tpu.memory_space<vmem_shared>>) target_semaphore(%run_scoped3A_143 : memref<!tpu.dma_semaphore, #tpu.memory_space<semaphore_mem>>)
      %dma_wait3A = arith.constant 0 : i32
      %dma_wait3A_148 = tpu.memref_slice %arg11[%add3A_116, %dma_wait3A] : memref<5632x128xf32, #tpu.memory_space<vmem_shared>> -> memref<32x128xf32, #tpu.memory_space<vmem_shared>>
      %dma_wait3A_149 = arith.constant 0 : i32
      %dma_wait3A_150 = tpu.memref_slice %arg11[%add3A_116, %dma_wait3A_149] : memref<5632x128xf32, #tpu.memory_space<vmem_shared>> -> memref<32x128xf32, #tpu.memory_space<vmem_shared>>
      tpu.wait_dma2 semaphore(%run_scoped3A_143 : memref<!tpu.dma_semaphore, #tpu.memory_space<semaphore_mem>>) src(%arg10 : memref<32x128xf32, #tpu.memory_space<vmem>>) dst(%dma_wait3A_150 : memref<32x128xf32, #tpu.memory_space<vmem_shared>>)
      tpu.yield
    }) : () -> ()
    %mul3A_117 = arith.constant 352 : i32
    %mul3A_118 = arith.muli %arg1, %mul3A_117 : i32
    %add3A_119 = arith.constant 320 : i32
    %add3A_120 = arith.addi %mul3A_118, %add3A_119 : i32
    "tpu.region"() ({
      %run_scoped3A_143 = tpu.sem_alloc : memref<!tpu.dma_semaphore, #tpu.memory_space<semaphore_mem>>
      %dma_start3A_144 = arith.constant 0 : i32
      %dma_start3A_145 = tpu.memref_slice %arg11[%add3A_120, %dma_start3A_144] : memref<5632x128xf32, #tpu.memory_space<vmem_shared>> -> memref<32x128xf32, #tpu.memory_space<vmem_shared>>
      %dma_start3A_146 = arith.constant 0 : i32
      %dma_start3A_147 = tpu.memref_slice %arg11[%add3A_120, %dma_start3A_146] : memref<5632x128xf32, #tpu.memory_space<vmem_shared>> -> memref<32x128xf32, #tpu.memory_space<vmem_shared>>
      tpu.enqueue_dma source(%arg10 : memref<32x128xf32, #tpu.memory_space<vmem>>) target(%dma_start3A_147 : memref<32x128xf32, #tpu.memory_space<vmem_shared>>) target_semaphore(%run_scoped3A_143 : memref<!tpu.dma_semaphore, #tpu.memory_space<semaphore_mem>>)
      %dma_wait3A = arith.constant 0 : i32
      %dma_wait3A_148 = tpu.memref_slice %arg11[%add3A_120, %dma_wait3A] : memref<5632x128xf32, #tpu.memory_space<vmem_shared>> -> memref<32x128xf32, #tpu.memory_space<vmem_shared>>
      %dma_wait3A_149 = arith.constant 0 : i32
      %dma_wait3A_150 = tpu.memref_slice %arg11[%add3A_120, %dma_wait3A_149] : memref<5632x128xf32, #tpu.memory_space<vmem_shared>> -> memref<32x128xf32, #tpu.memory_space<vmem_shared>>
      tpu.wait_dma2 semaphore(%run_scoped3A_143 : memref<!tpu.dma_semaphore, #tpu.memory_space<semaphore_mem>>) src(%arg10 : memref<32x128xf32, #tpu.memory_space<vmem>>) dst(%dma_wait3A_150 : memref<32x128xf32, #tpu.memory_space<vmem_shared>>)
      tpu.yield
    }) : () -> ()
    %barrier3A_121 = arith.constant 0 : index
    tpu.barrier barrier_id(%barrier3A_121)
    %dma_start3A_122 = arith.constant 0 : i32
    %dma_start3A_123 = arith.constant 0 : i32
    %dma_start3A_124 = tpu.memref_slice %arg5[%dma_start3A_122, %dma_start3A_123] : memref<80x128xi32, #tpu.memory_space<vmem>> -> memref<1x128xi32, #tpu.memory_space<vmem>>
    %dma_start3A_125 = tpu.memref_squeeze %dma_start3A_124 : memref<1x128xi32, #tpu.memory_space<vmem>> -> memref<128xi32, #tpu.memory_space<vmem>>
    %dma_start3A_126 = arith.constant 0 : i32
    %dma_start3A_127 = arith.constant 0 : i32
    %dma_start3A_128 = tpu.memref_slice %arg2[%dma_start3A_126, %dma_start3A_127] : memref<20480x128xf32, #tpu.memory_space<hbm>> -> memref<20480x128xf32, #tpu.memory_space<hbm>>
    tpu.enqueue_indirect_dma source(%dma_start3A_128 : memref<20480x128xf32, #tpu.memory_space<hbm>>) target(%arg8 : memref<128x128xf32, #tpu.memory_space<vmem>>) offsets(%dma_start3A_125 : memref<128xi32, #tpu.memory_space<vmem>>) semaphore(%arg12 : memref<!tpu.dma_semaphore, #tpu.memory_space<semaphore_mem>>)
    %scan3A_129 = arith.constant 0 : i32
    %scan3A_130 = arith.constant 0 : i32
    %scan3A_131 = arith.constant 40 : i32
    %scan3A_132 = arith.addi %scan3A_130, %scan3A_131 : i32
    %scan3A_133 = arith.constant 1 : i32
    scf.for %scan3A_143 = %scan3A_130 to %scan3A_132 step %scan3A_133  : i32 {
      %mul3A_144 = arith.constant 2 : i32
      %mul3A_145 = arith.muli %mul3A_144, %scan3A_143 : i32
      %add3A_146 = arith.constant 1 : i32
      %add3A_147 = arith.addi %mul3A_145, %add3A_146 : i32
      %dma_start3A_148 = arith.constant 0 : i32
      %dma_start3A_149 = tpu.memref_slice %arg5[%add3A_147, %dma_start3A_148] : memref<80x128xi32, #tpu.memory_space<vmem>> -> memref<1x128xi32, #tpu.memory_space<vmem>>
      %dma_start3A_150 = tpu.memref_squeeze %dma_start3A_149 : memref<1x128xi32, #tpu.memory_space<vmem>> -> memref<128xi32, #tpu.memory_space<vmem>>
      %dma_start3A_151 = arith.constant 0 : i32
      %dma_start3A_152 = arith.constant 0 : i32
      %dma_start3A_153 = tpu.memref_slice %arg2[%dma_start3A_151, %dma_start3A_152] : memref<20480x128xf32, #tpu.memory_space<hbm>> -> memref<20480x128xf32, #tpu.memory_space<hbm>>
      tpu.enqueue_indirect_dma source(%dma_start3A_153 : memref<20480x128xf32, #tpu.memory_space<hbm>>) target(%arg9 : memref<128x128xf32, #tpu.memory_space<vmem>>) offsets(%dma_start3A_150 : memref<128xi32, #tpu.memory_space<vmem>>) semaphore(%arg13 : memref<!tpu.dma_semaphore, #tpu.memory_space<semaphore_mem>>)
      %dma_wait3A = arith.constant 0 : i32
      %dma_wait3A_154 = tpu.memref_slice %arg5[%mul3A_145, %dma_wait3A] : memref<80x128xi32, #tpu.memory_space<vmem>> -> memref<1x128xi32, #tpu.memory_space<vmem>>
      %dma_wait3A_155 = tpu.memref_squeeze %dma_wait3A_154 : memref<1x128xi32, #tpu.memory_space<vmem>> -> memref<128xi32, #tpu.memory_space<vmem>>
      %dma_wait3A_156 = arith.constant 0 : i32
      %dma_wait3A_157 = arith.constant 0 : i32
      %dma_wait3A_158 = tpu.memref_slice %arg2[%dma_wait3A_156, %dma_wait3A_157] : memref<20480x128xf32, #tpu.memory_space<hbm>> -> memref<20480x128xf32, #tpu.memory_space<hbm>>
      tpu.wait_indirect_dma semaphore(%arg12 : memref<!tpu.dma_semaphore, #tpu.memory_space<semaphore_mem>>) src(%dma_wait3A_158 : memref<20480x128xf32, #tpu.memory_space<hbm>>) dst(%arg8 : memref<128x128xf32, #tpu.memory_space<vmem>>)
      "tpu.region"() ({
        %run_scoped3A_171 = tpu.sem_alloc : memref<!tpu.dma_semaphore, #tpu.memory_space<semaphore_mem>>
        %dma_start3A_172 = arith.constant 0 : i32
        %dma_start3A_173 = tpu.memref_slice %arg7[%mul3A_145, %dma_start3A_172] : memref<80x128xi32, #tpu.memory_space<vmem>> -> memref<1x128xi32, #tpu.memory_space<vmem>>
        %dma_start3A_174 = tpu.memref_squeeze %dma_start3A_173 : memref<1x128xi32, #tpu.memory_space<vmem>> -> memref<128xi32, #tpu.memory_space<vmem>>
        %dma_start3A_175 = arith.constant 0 : i32
        %dma_start3A_176 = arith.constant 0 : i32
        %dma_start3A_177 = tpu.memref_slice %arg11[%dma_start3A_175, %dma_start3A_176] : memref<5632x128xf32, #tpu.memory_space<vmem_shared>> -> memref<5632x128xf32, #tpu.memory_space<vmem_shared>>
        tpu.enqueue_indirect_dma source(%arg8 : memref<128x128xf32, #tpu.memory_space<vmem>>) target(%dma_start3A_177 : memref<5632x128xf32, #tpu.memory_space<vmem_shared>>) offsets(%dma_start3A_174 : memref<128xi32, #tpu.memory_space<vmem>>) semaphore(%run_scoped3A_171 : memref<!tpu.dma_semaphore, #tpu.memory_space<semaphore_mem>>) {add = true}
        %dma_wait3A_178 = arith.constant 0 : i32
        %dma_wait3A_179 = tpu.memref_slice %arg7[%mul3A_145, %dma_wait3A_178] : memref<80x128xi32, #tpu.memory_space<vmem>> -> memref<1x128xi32, #tpu.memory_space<vmem>>
        %dma_wait3A_180 = tpu.memref_squeeze %dma_wait3A_179 : memref<1x128xi32, #tpu.memory_space<vmem>> -> memref<128xi32, #tpu.memory_space<vmem>>
        %dma_wait3A_181 = arith.constant 0 : i32
        %dma_wait3A_182 = arith.constant 0 : i32
        %dma_wait3A_183 = tpu.memref_slice %arg11[%dma_wait3A_181, %dma_wait3A_182] : memref<5632x128xf32, #tpu.memory_space<vmem_shared>> -> memref<5632x128xf32, #tpu.memory_space<vmem_shared>>
        tpu.wait_indirect_dma semaphore(%run_scoped3A_171 : memref<!tpu.dma_semaphore, #tpu.memory_space<semaphore_mem>>) src(%arg8 : memref<128x128xf32, #tpu.memory_space<vmem>>) dst(%dma_wait3A_183 : memref<5632x128xf32, #tpu.memory_space<vmem_shared>>)
        tpu.yield
      }) : () -> ()
      %lt3A = arith.constant 39 : i32
      %lt3A_159 = arith.cmpi slt, %scan3A_143, %lt3A : i32
      %convert_element_type3A = arith.extui %lt3A_159 : i1 to i32
      %cond3A = arith.constant 0 : i32
      %cond3A_160 = arith.cmpi ne, %convert_element_type3A, %cond3A : i32
      scf.if %cond3A_160 {
        %add3A_171 = arith.constant 2 : i32
        %add3A_172 = arith.addi %mul3A_145, %add3A_171 : i32
        %dma_start3A_173 = arith.constant 0 : i32
        %dma_start3A_174 = tpu.memref_slice %arg5[%add3A_172, %dma_start3A_173] : memref<80x128xi32, #tpu.memory_space<vmem>> -> memref<1x128xi32, #tpu.memory_space<vmem>>
        %dma_start3A_175 = tpu.memref_squeeze %dma_start3A_174 : memref<1x128xi32, #tpu.memory_space<vmem>> -> memref<128xi32, #tpu.memory_space<vmem>>
        %dma_start3A_176 = arith.constant 0 : i32
        %dma_start3A_177 = arith.constant 0 : i32
        %dma_start3A_178 = tpu.memref_slice %arg2[%dma_start3A_176, %dma_start3A_177] : memref<20480x128xf32, #tpu.memory_space<hbm>> -> memref<20480x128xf32, #tpu.memory_space<hbm>>
        tpu.enqueue_indirect_dma source(%dma_start3A_178 : memref<20480x128xf32, #tpu.memory_space<hbm>>) target(%arg8 : memref<128x128xf32, #tpu.memory_space<vmem>>) offsets(%dma_start3A_175 : memref<128xi32, #tpu.memory_space<vmem>>) semaphore(%arg12 : memref<!tpu.dma_semaphore, #tpu.memory_space<semaphore_mem>>)
      } else {
      }
      %add3A_161 = arith.constant 1 : i32
      %add3A_162 = arith.addi %mul3A_145, %add3A_161 : i32
      %dma_wait3A_163 = arith.constant 0 : i32
      %dma_wait3A_164 = tpu.memref_slice %arg5[%add3A_162, %dma_wait3A_163] : memref<80x128xi32, #tpu.memory_space<vmem>> -> memref<1x128xi32, #tpu.memory_space<vmem>>
      %dma_wait3A_165 = tpu.memref_squeeze %dma_wait3A_164 : memref<1x128xi32, #tpu.memory_space<vmem>> -> memref<128xi32, #tpu.memory_space<vmem>>
      %dma_wait3A_166 = arith.constant 0 : i32
      %dma_wait3A_167 = arith.constant 0 : i32
      %dma_wait3A_168 = tpu.memref_slice %arg2[%dma_wait3A_166, %dma_wait3A_167] : memref<20480x128xf32, #tpu.memory_space<hbm>> -> memref<20480x128xf32, #tpu.memory_space<hbm>>
      tpu.wait_indirect_dma semaphore(%arg13 : memref<!tpu.dma_semaphore, #tpu.memory_space<semaphore_mem>>) src(%dma_wait3A_168 : memref<20480x128xf32, #tpu.memory_space<hbm>>) dst(%arg9 : memref<128x128xf32, #tpu.memory_space<vmem>>)
      %add3A_169 = arith.constant 1 : i32
      %add3A_170 = arith.addi %mul3A_145, %add3A_169 : i32
      "tpu.region"() ({
        %run_scoped3A_171 = tpu.sem_alloc : memref<!tpu.dma_semaphore, #tpu.memory_space<semaphore_mem>>
        %dma_start3A_172 = arith.constant 0 : i32
        %dma_start3A_173 = tpu.memref_slice %arg7[%add3A_170, %dma_start3A_172] : memref<80x128xi32, #tpu.memory_space<vmem>> -> memref<1x128xi32, #tpu.memory_space<vmem>>
        %dma_start3A_174 = tpu.memref_squeeze %dma_start3A_173 : memref<1x128xi32, #tpu.memory_space<vmem>> -> memref<128xi32, #tpu.memory_space<vmem>>
        %dma_start3A_175 = arith.constant 0 : i32
        %dma_start3A_176 = arith.constant 0 : i32
        %dma_start3A_177 = tpu.memref_slice %arg11[%dma_start3A_175, %dma_start3A_176] : memref<5632x128xf32, #tpu.memory_space<vmem_shared>> -> memref<5632x128xf32, #tpu.memory_space<vmem_shared>>
        tpu.enqueue_indirect_dma source(%arg9 : memref<128x128xf32, #tpu.memory_space<vmem>>) target(%dma_start3A_177 : memref<5632x128xf32, #tpu.memory_space<vmem_shared>>) offsets(%dma_start3A_174 : memref<128xi32, #tpu.memory_space<vmem>>) semaphore(%run_scoped3A_171 : memref<!tpu.dma_semaphore, #tpu.memory_space<semaphore_mem>>) {add = true}
        %dma_wait3A_178 = arith.constant 0 : i32
        %dma_wait3A_179 = tpu.memref_slice %arg7[%add3A_170, %dma_wait3A_178] : memref<80x128xi32, #tpu.memory_space<vmem>> -> memref<1x128xi32, #tpu.memory_space<vmem>>
        %dma_wait3A_180 = tpu.memref_squeeze %dma_wait3A_179 : memref<1x128xi32, #tpu.memory_space<vmem>> -> memref<128xi32, #tpu.memory_space<vmem>>
        %dma_wait3A_181 = arith.constant 0 : i32
        %dma_wait3A_182 = arith.constant 0 : i32
        %dma_wait3A_183 = tpu.memref_slice %arg11[%dma_wait3A_181, %dma_wait3A_182] : memref<5632x128xf32, #tpu.memory_space<vmem_shared>> -> memref<5632x128xf32, #tpu.memory_space<vmem_shared>>
        tpu.wait_indirect_dma semaphore(%run_scoped3A_171 : memref<!tpu.dma_semaphore, #tpu.memory_space<semaphore_mem>>) src(%arg9 : memref<128x128xf32, #tpu.memory_space<vmem>>) dst(%dma_wait3A_183 : memref<5632x128xf32, #tpu.memory_space<vmem_shared>>)
        tpu.yield
      }) : () -> ()
    }
    %scan3A_134 = arith.constant 40 : i32
    %barrier3A_135 = arith.constant 0 : index
    tpu.barrier barrier_id(%barrier3A_135)
    %mul3A_136 = arith.constant 320 : i32
    %mul3A_137 = arith.muli %arg1, %mul3A_136 : i32
    %mul3A_138 = arith.constant 320 : i32
    %mul3A_139 = arith.muli %arg1, %mul3A_138 : i32
    %add3A_140 = arith.constant 5120 : i32
    %add3A_141 = arith.addi %add3A_140, %mul3A_139 : i32
    "tpu.region"() ({
      %run_scoped3A_143 = tpu.sem_alloc : memref<!tpu.dma_semaphore, #tpu.memory_space<semaphore_mem>>
      %dma_start3A_144 = arith.constant 0 : i32
      %dma_start3A_145 = tpu.memref_slice %arg4[%arg0, %add3A_141, %dma_start3A_144] : memref<2x10240x128xf32, #tpu.memory_space<hbm>> -> memref<1x320x128xf32, #tpu.memory_space<hbm>>
      %dma_start3A_146 = tpu.memref_squeeze %dma_start3A_145 : memref<1x320x128xf32, #tpu.memory_space<hbm>> -> memref<320x128xf32, #tpu.memory_space<hbm>>
      %dma_start3A_147 = arith.constant 0 : i32
      %dma_start3A_148 = tpu.memref_slice %arg11[%mul3A_137, %dma_start3A_147] : memref<5632x128xf32, #tpu.memory_space<vmem_shared>> -> memref<320x128xf32, #tpu.memory_space<vmem_shared>>
      tpu.enqueue_dma source(%dma_start3A_148 : memref<320x128xf32, #tpu.memory_space<vmem_shared>>) target(%dma_start3A_146 : memref<320x128xf32, #tpu.memory_space<hbm>>) target_semaphore(%run_scoped3A_143 : memref<!tpu.dma_semaphore, #tpu.memory_space<semaphore_mem>>)
      %dma_wait3A = arith.constant 0 : i32
      %dma_wait3A_149 = tpu.memref_slice %arg4[%arg0, %add3A_141, %dma_wait3A] : memref<2x10240x128xf32, #tpu.memory_space<hbm>> -> memref<1x320x128xf32, #tpu.memory_space<hbm>>
      %dma_wait3A_150 = tpu.memref_squeeze %dma_wait3A_149 : memref<1x320x128xf32, #tpu.memory_space<hbm>> -> memref<320x128xf32, #tpu.memory_space<hbm>>
      %dma_wait3A_151 = arith.constant 0 : i32
      %dma_wait3A_152 = tpu.memref_slice %arg11[%mul3A_137, %dma_wait3A_151] : memref<5632x128xf32, #tpu.memory_space<vmem_shared>> -> memref<320x128xf32, #tpu.memory_space<vmem_shared>>
      tpu.wait_dma2 semaphore(%run_scoped3A_143 : memref<!tpu.dma_semaphore, #tpu.memory_space<semaphore_mem>>) src(%dma_wait3A_152 : memref<320x128xf32, #tpu.memory_space<vmem_shared>>) dst(%dma_wait3A_150 : memref<320x128xf32, #tpu.memory_space<hbm>>)
      tpu.yield
    }) : () -> ()
    %barrier3A_142 = arith.constant 0 : index
    tpu.barrier barrier_id(%barrier3A_142)
    return
  }
}

#map = affine_map<(d0, d1) -> (0, 0)>
#map1 = affine_map<(d0, d1) -> (0, 0, 0, 0)>
#map2 = affine_map<(d0, d1) -> (0, 0, 0)>
module attributes {stable_mosaic.version = 14 : i64} {
  func.func @k(%arg0: i32, %arg1: i32, %arg2: memref<10240x128xf32, #tpu.memory_space<hbm>>, %arg3: memref<3x32x40x128xi32, #tpu.memory_space<hbm>>, %arg4: memref<2x10240x128xf32, #tpu.memory_space<hbm>>, %arg5: memref<40x128xi32, #tpu.memory_space<vmem>>, %arg6: memref<40x128xi32, #tpu.memory_space<vmem>>, %arg7: memref<40x128xi32, #tpu.memory_space<vmem>>, %arg8: memref<128x128xf32, #tpu.memory_space<vmem>>, %arg9: memref<128x128xf32, #tpu.memory_space<vmem>>, %arg10: memref<32x128xf32, #tpu.memory_space<vmem>>, %arg11: memref<5632x128xf32, #tpu.memory_space<vmem_shared>>, %arg12: memref<!tpu.dma_semaphore, #tpu.memory_space<semaphore_mem>>, %arg13: memref<!tpu.dma_semaphore, #tpu.memory_space<semaphore_mem>>) attributes {dimension_semantics = [#tpu.dimension_semantics<core_parallel>, #tpu.dimension_semantics<subcore_parallel>], iteration_bounds = array<i64: 2, 16>, scalar_prefetch = 0 : i64, scratch_operands = 9 : i64, tpu.core_type = #tpu.core_type<sc_vector_subcore>, window_params = [{transform_indices = #map}, {transform_indices = #map1}, {transform_indices = #map2}]} {
    %mul3A = arith.constant 16 : i32
    %mul3A_0 = arith.muli %arg0, %mul3A : i32
    %add3A = arith.addi %mul3A_0, %arg1 : i32
    %run_scoped3A = arith.constant 0 : i32
    "tpu.region"() ({
      %run_scoped3A_138 = tpu.sem_alloc : memref<!tpu.dma_semaphore, #tpu.memory_space<semaphore_mem>>
      %dma_start3A_139 = arith.constant 0 : i32
      %dma_start3A_140 = arith.constant 0 : i32
      %dma_start3A_141 = tpu.memref_slice %arg3[%run_scoped3A, %add3A, %dma_start3A_139, %dma_start3A_140] : memref<3x32x40x128xi32, #tpu.memory_space<hbm>> -> memref<1x1x40x128xi32, #tpu.memory_space<hbm>>
      %dma_start3A_142 = tpu.memref_squeeze %dma_start3A_141 : memref<1x1x40x128xi32, #tpu.memory_space<hbm>> -> memref<40x128xi32, #tpu.memory_space<hbm>>
      %dma_start3A_143 = arith.constant 0 : i32
      %dma_start3A_144 = arith.constant 0 : i32
      %dma_start3A_145 = tpu.memref_slice %arg3[%run_scoped3A, %add3A, %dma_start3A_143, %dma_start3A_144] : memref<3x32x40x128xi32, #tpu.memory_space<hbm>> -> memref<1x1x40x128xi32, #tpu.memory_space<hbm>>
      %dma_start3A_146 = tpu.memref_squeeze %dma_start3A_145 : memref<1x1x40x128xi32, #tpu.memory_space<hbm>> -> memref<40x128xi32, #tpu.memory_space<hbm>>
      tpu.enqueue_dma source(%dma_start3A_146 : memref<40x128xi32, #tpu.memory_space<hbm>>) target(%arg5 : memref<40x128xi32, #tpu.memory_space<vmem>>) target_semaphore(%run_scoped3A_138 : memref<!tpu.dma_semaphore, #tpu.memory_space<semaphore_mem>>)
      %dma_wait3A = arith.constant 0 : i32
      %dma_wait3A_147 = arith.constant 0 : i32
      %dma_wait3A_148 = tpu.memref_slice %arg3[%run_scoped3A, %add3A, %dma_wait3A, %dma_wait3A_147] : memref<3x32x40x128xi32, #tpu.memory_space<hbm>> -> memref<1x1x40x128xi32, #tpu.memory_space<hbm>>
      %dma_wait3A_149 = tpu.memref_squeeze %dma_wait3A_148 : memref<1x1x40x128xi32, #tpu.memory_space<hbm>> -> memref<40x128xi32, #tpu.memory_space<hbm>>
      %dma_wait3A_150 = arith.constant 0 : i32
      %dma_wait3A_151 = arith.constant 0 : i32
      %dma_wait3A_152 = tpu.memref_slice %arg3[%run_scoped3A, %add3A, %dma_wait3A_150, %dma_wait3A_151] : memref<3x32x40x128xi32, #tpu.memory_space<hbm>> -> memref<1x1x40x128xi32, #tpu.memory_space<hbm>>
      %dma_wait3A_153 = tpu.memref_squeeze %dma_wait3A_152 : memref<1x1x40x128xi32, #tpu.memory_space<hbm>> -> memref<40x128xi32, #tpu.memory_space<hbm>>
      tpu.wait_dma2 semaphore(%run_scoped3A_138 : memref<!tpu.dma_semaphore, #tpu.memory_space<semaphore_mem>>) src(%dma_wait3A_153 : memref<40x128xi32, #tpu.memory_space<hbm>>) dst(%arg5 : memref<40x128xi32, #tpu.memory_space<vmem>>)
      tpu.yield
    }) : () -> ()
    %run_scoped3A_1 = arith.constant 1 : i32
    "tpu.region"() ({
      %run_scoped3A_138 = tpu.sem_alloc : memref<!tpu.dma_semaphore, #tpu.memory_space<semaphore_mem>>
      %dma_start3A_139 = arith.constant 0 : i32
      %dma_start3A_140 = arith.constant 0 : i32
      %dma_start3A_141 = tpu.memref_slice %arg3[%run_scoped3A_1, %add3A, %dma_start3A_139, %dma_start3A_140] : memref<3x32x40x128xi32, #tpu.memory_space<hbm>> -> memref<1x1x40x128xi32, #tpu.memory_space<hbm>>
      %dma_start3A_142 = tpu.memref_squeeze %dma_start3A_141 : memref<1x1x40x128xi32, #tpu.memory_space<hbm>> -> memref<40x128xi32, #tpu.memory_space<hbm>>
      %dma_start3A_143 = arith.constant 0 : i32
      %dma_start3A_144 = arith.constant 0 : i32
      %dma_start3A_145 = tpu.memref_slice %arg3[%run_scoped3A_1, %add3A, %dma_start3A_143, %dma_start3A_144] : memref<3x32x40x128xi32, #tpu.memory_space<hbm>> -> memref<1x1x40x128xi32, #tpu.memory_space<hbm>>
      %dma_start3A_146 = tpu.memref_squeeze %dma_start3A_145 : memref<1x1x40x128xi32, #tpu.memory_space<hbm>> -> memref<40x128xi32, #tpu.memory_space<hbm>>
      tpu.enqueue_dma source(%dma_start3A_146 : memref<40x128xi32, #tpu.memory_space<hbm>>) target(%arg6 : memref<40x128xi32, #tpu.memory_space<vmem>>) target_semaphore(%run_scoped3A_138 : memref<!tpu.dma_semaphore, #tpu.memory_space<semaphore_mem>>)
      %dma_wait3A = arith.constant 0 : i32
      %dma_wait3A_147 = arith.constant 0 : i32
      %dma_wait3A_148 = tpu.memref_slice %arg3[%run_scoped3A_1, %add3A, %dma_wait3A, %dma_wait3A_147] : memref<3x32x40x128xi32, #tpu.memory_space<hbm>> -> memref<1x1x40x128xi32, #tpu.memory_space<hbm>>
      %dma_wait3A_149 = tpu.memref_squeeze %dma_wait3A_148 : memref<1x1x40x128xi32, #tpu.memory_space<hbm>> -> memref<40x128xi32, #tpu.memory_space<hbm>>
      %dma_wait3A_150 = arith.constant 0 : i32
      %dma_wait3A_151 = arith.constant 0 : i32
      %dma_wait3A_152 = tpu.memref_slice %arg3[%run_scoped3A_1, %add3A, %dma_wait3A_150, %dma_wait3A_151] : memref<3x32x40x128xi32, #tpu.memory_space<hbm>> -> memref<1x1x40x128xi32, #tpu.memory_space<hbm>>
      %dma_wait3A_153 = tpu.memref_squeeze %dma_wait3A_152 : memref<1x1x40x128xi32, #tpu.memory_space<hbm>> -> memref<40x128xi32, #tpu.memory_space<hbm>>
      tpu.wait_dma2 semaphore(%run_scoped3A_138 : memref<!tpu.dma_semaphore, #tpu.memory_space<semaphore_mem>>) src(%dma_wait3A_153 : memref<40x128xi32, #tpu.memory_space<hbm>>) dst(%arg6 : memref<40x128xi32, #tpu.memory_space<vmem>>)
      tpu.yield
    }) : () -> ()
    %run_scoped3A_2 = arith.constant 2 : i32
    "tpu.region"() ({
      %run_scoped3A_138 = tpu.sem_alloc : memref<!tpu.dma_semaphore, #tpu.memory_space<semaphore_mem>>
      %dma_start3A_139 = arith.constant 0 : i32
      %dma_start3A_140 = arith.constant 0 : i32
      %dma_start3A_141 = tpu.memref_slice %arg3[%run_scoped3A_2, %add3A, %dma_start3A_139, %dma_start3A_140] : memref<3x32x40x128xi32, #tpu.memory_space<hbm>> -> memref<1x1x40x128xi32, #tpu.memory_space<hbm>>
      %dma_start3A_142 = tpu.memref_squeeze %dma_start3A_141 : memref<1x1x40x128xi32, #tpu.memory_space<hbm>> -> memref<40x128xi32, #tpu.memory_space<hbm>>
      %dma_start3A_143 = arith.constant 0 : i32
      %dma_start3A_144 = arith.constant 0 : i32
      %dma_start3A_145 = tpu.memref_slice %arg3[%run_scoped3A_2, %add3A, %dma_start3A_143, %dma_start3A_144] : memref<3x32x40x128xi32, #tpu.memory_space<hbm>> -> memref<1x1x40x128xi32, #tpu.memory_space<hbm>>
      %dma_start3A_146 = tpu.memref_squeeze %dma_start3A_145 : memref<1x1x40x128xi32, #tpu.memory_space<hbm>> -> memref<40x128xi32, #tpu.memory_space<hbm>>
      tpu.enqueue_dma source(%dma_start3A_146 : memref<40x128xi32, #tpu.memory_space<hbm>>) target(%arg7 : memref<40x128xi32, #tpu.memory_space<vmem>>) target_semaphore(%run_scoped3A_138 : memref<!tpu.dma_semaphore, #tpu.memory_space<semaphore_mem>>)
      %dma_wait3A = arith.constant 0 : i32
      %dma_wait3A_147 = arith.constant 0 : i32
      %dma_wait3A_148 = tpu.memref_slice %arg3[%run_scoped3A_2, %add3A, %dma_wait3A, %dma_wait3A_147] : memref<3x32x40x128xi32, #tpu.memory_space<hbm>> -> memref<1x1x40x128xi32, #tpu.memory_space<hbm>>
      %dma_wait3A_149 = tpu.memref_squeeze %dma_wait3A_148 : memref<1x1x40x128xi32, #tpu.memory_space<hbm>> -> memref<40x128xi32, #tpu.memory_space<hbm>>
      %dma_wait3A_150 = arith.constant 0 : i32
      %dma_wait3A_151 = arith.constant 0 : i32
      %dma_wait3A_152 = tpu.memref_slice %arg3[%run_scoped3A_2, %add3A, %dma_wait3A_150, %dma_wait3A_151] : memref<3x32x40x128xi32, #tpu.memory_space<hbm>> -> memref<1x1x40x128xi32, #tpu.memory_space<hbm>>
      %dma_wait3A_153 = tpu.memref_squeeze %dma_wait3A_152 : memref<1x1x40x128xi32, #tpu.memory_space<hbm>> -> memref<40x128xi32, #tpu.memory_space<hbm>>
      tpu.wait_dma2 semaphore(%run_scoped3A_138 : memref<!tpu.dma_semaphore, #tpu.memory_space<semaphore_mem>>) src(%dma_wait3A_153 : memref<40x128xi32, #tpu.memory_space<hbm>>) dst(%arg7 : memref<40x128xi32, #tpu.memory_space<vmem>>)
      tpu.yield
    }) : () -> ()
    %scan3A = arith.constant 0 : i32
    %scan3A_3 = arith.constant 0 : i32
    %scan3A_4 = arith.constant 32 : i32
    %scan3A_5 = arith.addi %scan3A_3, %scan3A_4 : i32
    %scan3A_6 = arith.constant 1 : i32
    scf.for %scan3A_138 = %scan3A_3 to %scan3A_5 step %scan3A_6  : i32 {
      %broadcast_in_dim3A = arith.constant 0.000000e+00 : f32
      %broadcast_in_dim3A_139 = vector.broadcast %broadcast_in_dim3A : f32 to vector<16xf32>
      %swap3A = arith.index_cast %scan3A_138 : i32 to index
      %swap3A_140 = arith.constant 0 : index
      %swap3A_141 = tpu.vector_load %arg10[%swap3A, %swap3A_140] {strides = array<i32>} : memref<32x128xf32, #tpu.memory_space<vmem>>, vector<1x16xf32>,
      %swap3A_142 = vector.shape_cast %swap3A_141 : vector<1x16xf32> to vector<16xf32>
      %swap3A_143 = vector.shape_cast %broadcast_in_dim3A_139 : vector<16xf32> to vector<1x16xf32>
      tpu.vector_store %arg10[%swap3A, %swap3A_140], %swap3A_143 {strides = array<i32>} : memref<32x128xf32, #tpu.memory_space<vmem>>, vector<1x16xf32>,
      %broadcast_in_dim3A_144 = arith.constant 0.000000e+00 : f32
      %broadcast_in_dim3A_145 = vector.broadcast %broadcast_in_dim3A_144 : f32 to vector<16xf32>
      %swap3A_146 = arith.index_cast %scan3A_138 : i32 to index
      %swap3A_147 = arith.constant 16 : index
      %swap3A_148 = tpu.vector_load %arg10[%swap3A_146, %swap3A_147] {strides = array<i32>} : memref<32x128xf32, #tpu.memory_space<vmem>>, vector<1x16xf32>,
      %swap3A_149 = vector.shape_cast %swap3A_148 : vector<1x16xf32> to vector<16xf32>
      %swap3A_150 = vector.shape_cast %broadcast_in_dim3A_145 : vector<16xf32> to vector<1x16xf32>
      tpu.vector_store %arg10[%swap3A_146, %swap3A_147], %swap3A_150 {strides = array<i32>} : memref<32x128xf32, #tpu.memory_space<vmem>>, vector<1x16xf32>,
      %broadcast_in_dim3A_151 = arith.constant 0.000000e+00 : f32
      %broadcast_in_dim3A_152 = vector.broadcast %broadcast_in_dim3A_151 : f32 to vector<16xf32>
      %swap3A_153 = arith.index_cast %scan3A_138 : i32 to index
      %swap3A_154 = arith.constant 32 : index
      %swap3A_155 = tpu.vector_load %arg10[%swap3A_153, %swap3A_154] {strides = array<i32>} : memref<32x128xf32, #tpu.memory_space<vmem>>, vector<1x16xf32>,
      %swap3A_156 = vector.shape_cast %swap3A_155 : vector<1x16xf32> to vector<16xf32>
      %swap3A_157 = vector.shape_cast %broadcast_in_dim3A_152 : vector<16xf32> to vector<1x16xf32>
      tpu.vector_store %arg10[%swap3A_153, %swap3A_154], %swap3A_157 {strides = array<i32>} : memref<32x128xf32, #tpu.memory_space<vmem>>, vector<1x16xf32>,
      %broadcast_in_dim3A_158 = arith.constant 0.000000e+00 : f32
      %broadcast_in_dim3A_159 = vector.broadcast %broadcast_in_dim3A_158 : f32 to vector<16xf32>
      %swap3A_160 = arith.index_cast %scan3A_138 : i32 to index
      %swap3A_161 = arith.constant 48 : index
      %swap3A_162 = tpu.vector_load %arg10[%swap3A_160, %swap3A_161] {strides = array<i32>} : memref<32x128xf32, #tpu.memory_space<vmem>>, vector<1x16xf32>,
      %swap3A_163 = vector.shape_cast %swap3A_162 : vector<1x16xf32> to vector<16xf32>
      %swap3A_164 = vector.shape_cast %broadcast_in_dim3A_159 : vector<16xf32> to vector<1x16xf32>
      tpu.vector_store %arg10[%swap3A_160, %swap3A_161], %swap3A_164 {strides = array<i32>} : memref<32x128xf32, #tpu.memory_space<vmem>>, vector<1x16xf32>,
      %broadcast_in_dim3A_165 = arith.constant 0.000000e+00 : f32
      %broadcast_in_dim3A_166 = vector.broadcast %broadcast_in_dim3A_165 : f32 to vector<16xf32>
      %swap3A_167 = arith.index_cast %scan3A_138 : i32 to index
      %swap3A_168 = arith.constant 64 : index
      %swap3A_169 = tpu.vector_load %arg10[%swap3A_167, %swap3A_168] {strides = array<i32>} : memref<32x128xf32, #tpu.memory_space<vmem>>, vector<1x16xf32>,
      %swap3A_170 = vector.shape_cast %swap3A_169 : vector<1x16xf32> to vector<16xf32>
      %swap3A_171 = vector.shape_cast %broadcast_in_dim3A_166 : vector<16xf32> to vector<1x16xf32>
      tpu.vector_store %arg10[%swap3A_167, %swap3A_168], %swap3A_171 {strides = array<i32>} : memref<32x128xf32, #tpu.memory_space<vmem>>, vector<1x16xf32>,
      %broadcast_in_dim3A_172 = arith.constant 0.000000e+00 : f32
      %broadcast_in_dim3A_173 = vector.broadcast %broadcast_in_dim3A_172 : f32 to vector<16xf32>
      %swap3A_174 = arith.index_cast %scan3A_138 : i32 to index
      %swap3A_175 = arith.constant 80 : index
      %swap3A_176 = tpu.vector_load %arg10[%swap3A_174, %swap3A_175] {strides = array<i32>} : memref<32x128xf32, #tpu.memory_space<vmem>>, vector<1x16xf32>,
      %swap3A_177 = vector.shape_cast %swap3A_176 : vector<1x16xf32> to vector<16xf32>
      %swap3A_178 = vector.shape_cast %broadcast_in_dim3A_173 : vector<16xf32> to vector<1x16xf32>
      tpu.vector_store %arg10[%swap3A_174, %swap3A_175], %swap3A_178 {strides = array<i32>} : memref<32x128xf32, #tpu.memory_space<vmem>>, vector<1x16xf32>,
      %broadcast_in_dim3A_179 = arith.constant 0.000000e+00 : f32
      %broadcast_in_dim3A_180 = vector.broadcast %broadcast_in_dim3A_179 : f32 to vector<16xf32>
      %swap3A_181 = arith.index_cast %scan3A_138 : i32 to index
      %swap3A_182 = arith.constant 96 : index
      %swap3A_183 = tpu.vector_load %arg10[%swap3A_181, %swap3A_182] {strides = array<i32>} : memref<32x128xf32, #tpu.memory_space<vmem>>, vector<1x16xf32>,
      %swap3A_184 = vector.shape_cast %swap3A_183 : vector<1x16xf32> to vector<16xf32>
      %swap3A_185 = vector.shape_cast %broadcast_in_dim3A_180 : vector<16xf32> to vector<1x16xf32>
      tpu.vector_store %arg10[%swap3A_181, %swap3A_182], %swap3A_185 {strides = array<i32>} : memref<32x128xf32, #tpu.memory_space<vmem>>, vector<1x16xf32>,
      %broadcast_in_dim3A_186 = arith.constant 0.000000e+00 : f32
      %broadcast_in_dim3A_187 = vector.broadcast %broadcast_in_dim3A_186 : f32 to vector<16xf32>
      %swap3A_188 = arith.index_cast %scan3A_138 : i32 to index
      %swap3A_189 = arith.constant 112 : index
      %swap3A_190 = tpu.vector_load %arg10[%swap3A_188, %swap3A_189] {strides = array<i32>} : memref<32x128xf32, #tpu.memory_space<vmem>>, vector<1x16xf32>,
      %swap3A_191 = vector.shape_cast %swap3A_190 : vector<1x16xf32> to vector<16xf32>
      %swap3A_192 = vector.shape_cast %broadcast_in_dim3A_187 : vector<16xf32> to vector<1x16xf32>
      tpu.vector_store %arg10[%swap3A_188, %swap3A_189], %swap3A_192 {strides = array<i32>} : memref<32x128xf32, #tpu.memory_space<vmem>>, vector<1x16xf32>,
    }
    %scan3A_7 = arith.constant 32 : i32
    %mul3A_8 = arith.constant 352 : i32
    %mul3A_9 = arith.muli %arg1, %mul3A_8 : i32
    %add3A_10 = arith.constant 0 : i32
    %add3A_11 = arith.addi %mul3A_9, %add3A_10 : i32
    "tpu.region"() ({
      %run_scoped3A_138 = tpu.sem_alloc : memref<!tpu.dma_semaphore, #tpu.memory_space<semaphore_mem>>
      %dma_start3A_139 = arith.constant 0 : i32
      %dma_start3A_140 = tpu.memref_slice %arg11[%add3A_11, %dma_start3A_139] : memref<5632x128xf32, #tpu.memory_space<vmem_shared>> -> memref<32x128xf32, #tpu.memory_space<vmem_shared>>
      %dma_start3A_141 = arith.constant 0 : i32
      %dma_start3A_142 = tpu.memref_slice %arg11[%add3A_11, %dma_start3A_141] : memref<5632x128xf32, #tpu.memory_space<vmem_shared>> -> memref<32x128xf32, #tpu.memory_space<vmem_shared>>
      tpu.enqueue_dma source(%arg10 : memref<32x128xf32, #tpu.memory_space<vmem>>) target(%dma_start3A_142 : memref<32x128xf32, #tpu.memory_space<vmem_shared>>) target_semaphore(%run_scoped3A_138 : memref<!tpu.dma_semaphore, #tpu.memory_space<semaphore_mem>>)
      %dma_wait3A = arith.constant 0 : i32
      %dma_wait3A_143 = tpu.memref_slice %arg11[%add3A_11, %dma_wait3A] : memref<5632x128xf32, #tpu.memory_space<vmem_shared>> -> memref<32x128xf32, #tpu.memory_space<vmem_shared>>
      %dma_wait3A_144 = arith.constant 0 : i32
      %dma_wait3A_145 = tpu.memref_slice %arg11[%add3A_11, %dma_wait3A_144] : memref<5632x128xf32, #tpu.memory_space<vmem_shared>> -> memref<32x128xf32, #tpu.memory_space<vmem_shared>>
      tpu.wait_dma2 semaphore(%run_scoped3A_138 : memref<!tpu.dma_semaphore, #tpu.memory_space<semaphore_mem>>) src(%arg10 : memref<32x128xf32, #tpu.memory_space<vmem>>) dst(%dma_wait3A_145 : memref<32x128xf32, #tpu.memory_space<vmem_shared>>)
      tpu.yield
    }) : () -> ()
    %mul3A_12 = arith.constant 352 : i32
    %mul3A_13 = arith.muli %arg1, %mul3A_12 : i32
    %add3A_14 = arith.constant 32 : i32
    %add3A_15 = arith.addi %mul3A_13, %add3A_14 : i32
    "tpu.region"() ({
      %run_scoped3A_138 = tpu.sem_alloc : memref<!tpu.dma_semaphore, #tpu.memory_space<semaphore_mem>>
      %dma_start3A_139 = arith.constant 0 : i32
      %dma_start3A_140 = tpu.memref_slice %arg11[%add3A_15, %dma_start3A_139] : memref<5632x128xf32, #tpu.memory_space<vmem_shared>> -> memref<32x128xf32, #tpu.memory_space<vmem_shared>>
      %dma_start3A_141 = arith.constant 0 : i32
      %dma_start3A_142 = tpu.memref_slice %arg11[%add3A_15, %dma_start3A_141] : memref<5632x128xf32, #tpu.memory_space<vmem_shared>> -> memref<32x128xf32, #tpu.memory_space<vmem_shared>>
      tpu.enqueue_dma source(%arg10 : memref<32x128xf32, #tpu.memory_space<vmem>>) target(%dma_start3A_142 : memref<32x128xf32, #tpu.memory_space<vmem_shared>>) target_semaphore(%run_scoped3A_138 : memref<!tpu.dma_semaphore, #tpu.memory_space<semaphore_mem>>)
      %dma_wait3A = arith.constant 0 : i32
      %dma_wait3A_143 = tpu.memref_slice %arg11[%add3A_15, %dma_wait3A] : memref<5632x128xf32, #tpu.memory_space<vmem_shared>> -> memref<32x128xf32, #tpu.memory_space<vmem_shared>>
      %dma_wait3A_144 = arith.constant 0 : i32
      %dma_wait3A_145 = tpu.memref_slice %arg11[%add3A_15, %dma_wait3A_144] : memref<5632x128xf32, #tpu.memory_space<vmem_shared>> -> memref<32x128xf32, #tpu.memory_space<vmem_shared>>
      tpu.wait_dma2 semaphore(%run_scoped3A_138 : memref<!tpu.dma_semaphore, #tpu.memory_space<semaphore_mem>>) src(%arg10 : memref<32x128xf32, #tpu.memory_space<vmem>>) dst(%dma_wait3A_145 : memref<32x128xf32, #tpu.memory_space<vmem_shared>>)
      tpu.yield
    }) : () -> ()
    %mul3A_16 = arith.constant 352 : i32
    %mul3A_17 = arith.muli %arg1, %mul3A_16 : i32
    %add3A_18 = arith.constant 64 : i32
    %add3A_19 = arith.addi %mul3A_17, %add3A_18 : i32
    "tpu.region"() ({
      %run_scoped3A_138 = tpu.sem_alloc : memref<!tpu.dma_semaphore, #tpu.memory_space<semaphore_mem>>
      %dma_start3A_139 = arith.constant 0 : i32
      %dma_start3A_140 = tpu.memref_slice %arg11[%add3A_19, %dma_start3A_139] : memref<5632x128xf32, #tpu.memory_space<vmem_shared>> -> memref<32x128xf32, #tpu.memory_space<vmem_shared>>
      %dma_start3A_141 = arith.constant 0 : i32
      %dma_start3A_142 = tpu.memref_slice %arg11[%add3A_19, %dma_start3A_141] : memref<5632x128xf32, #tpu.memory_space<vmem_shared>> -> memref<32x128xf32, #tpu.memory_space<vmem_shared>>
      tpu.enqueue_dma source(%arg10 : memref<32x128xf32, #tpu.memory_space<vmem>>) target(%dma_start3A_142 : memref<32x128xf32, #tpu.memory_space<vmem_shared>>) target_semaphore(%run_scoped3A_138 : memref<!tpu.dma_semaphore, #tpu.memory_space<semaphore_mem>>)
      %dma_wait3A = arith.constant 0 : i32
      %dma_wait3A_143 = tpu.memref_slice %arg11[%add3A_19, %dma_wait3A] : memref<5632x128xf32, #tpu.memory_space<vmem_shared>> -> memref<32x128xf32, #tpu.memory_space<vmem_shared>>
      %dma_wait3A_144 = arith.constant 0 : i32
      %dma_wait3A_145 = tpu.memref_slice %arg11[%add3A_19, %dma_wait3A_144] : memref<5632x128xf32, #tpu.memory_space<vmem_shared>> -> memref<32x128xf32, #tpu.memory_space<vmem_shared>>
      tpu.wait_dma2 semaphore(%run_scoped3A_138 : memref<!tpu.dma_semaphore, #tpu.memory_space<semaphore_mem>>) src(%arg10 : memref<32x128xf32, #tpu.memory_space<vmem>>) dst(%dma_wait3A_145 : memref<32x128xf32, #tpu.memory_space<vmem_shared>>)
      tpu.yield
    }) : () -> ()
    %mul3A_20 = arith.constant 352 : i32
    %mul3A_21 = arith.muli %arg1, %mul3A_20 : i32
    %add3A_22 = arith.constant 96 : i32
    %add3A_23 = arith.addi %mul3A_21, %add3A_22 : i32
    "tpu.region"() ({
      %run_scoped3A_138 = tpu.sem_alloc : memref<!tpu.dma_semaphore, #tpu.memory_space<semaphore_mem>>
      %dma_start3A_139 = arith.constant 0 : i32
      %dma_start3A_140 = tpu.memref_slice %arg11[%add3A_23, %dma_start3A_139] : memref<5632x128xf32, #tpu.memory_space<vmem_shared>> -> memref<32x128xf32, #tpu.memory_space<vmem_shared>>
      %dma_start3A_141 = arith.constant 0 : i32
      %dma_start3A_142 = tpu.memref_slice %arg11[%add3A_23, %dma_start3A_141] : memref<5632x128xf32, #tpu.memory_space<vmem_shared>> -> memref<32x128xf32, #tpu.memory_space<vmem_shared>>
      tpu.enqueue_dma source(%arg10 : memref<32x128xf32, #tpu.memory_space<vmem>>) target(%dma_start3A_142 : memref<32x128xf32, #tpu.memory_space<vmem_shared>>) target_semaphore(%run_scoped3A_138 : memref<!tpu.dma_semaphore, #tpu.memory_space<semaphore_mem>>)
      %dma_wait3A = arith.constant 0 : i32
      %dma_wait3A_143 = tpu.memref_slice %arg11[%add3A_23, %dma_wait3A] : memref<5632x128xf32, #tpu.memory_space<vmem_shared>> -> memref<32x128xf32, #tpu.memory_space<vmem_shared>>
      %dma_wait3A_144 = arith.constant 0 : i32
      %dma_wait3A_145 = tpu.memref_slice %arg11[%add3A_23, %dma_wait3A_144] : memref<5632x128xf32, #tpu.memory_space<vmem_shared>> -> memref<32x128xf32, #tpu.memory_space<vmem_shared>>
      tpu.wait_dma2 semaphore(%run_scoped3A_138 : memref<!tpu.dma_semaphore, #tpu.memory_space<semaphore_mem>>) src(%arg10 : memref<32x128xf32, #tpu.memory_space<vmem>>) dst(%dma_wait3A_145 : memref<32x128xf32, #tpu.memory_space<vmem_shared>>)
      tpu.yield
    }) : () -> ()
    %mul3A_24 = arith.constant 352 : i32
    %mul3A_25 = arith.muli %arg1, %mul3A_24 : i32
    %add3A_26 = arith.constant 128 : i32
    %add3A_27 = arith.addi %mul3A_25, %add3A_26 : i32
    "tpu.region"() ({
      %run_scoped3A_138 = tpu.sem_alloc : memref<!tpu.dma_semaphore, #tpu.memory_space<semaphore_mem>>
      %dma_start3A_139 = arith.constant 0 : i32
      %dma_start3A_140 = tpu.memref_slice %arg11[%add3A_27, %dma_start3A_139] : memref<5632x128xf32, #tpu.memory_space<vmem_shared>> -> memref<32x128xf32, #tpu.memory_space<vmem_shared>>
      %dma_start3A_141 = arith.constant 0 : i32
      %dma_start3A_142 = tpu.memref_slice %arg11[%add3A_27, %dma_start3A_141] : memref<5632x128xf32, #tpu.memory_space<vmem_shared>> -> memref<32x128xf32, #tpu.memory_space<vmem_shared>>
      tpu.enqueue_dma source(%arg10 : memref<32x128xf32, #tpu.memory_space<vmem>>) target(%dma_start3A_142 : memref<32x128xf32, #tpu.memory_space<vmem_shared>>) target_semaphore(%run_scoped3A_138 : memref<!tpu.dma_semaphore, #tpu.memory_space<semaphore_mem>>)
      %dma_wait3A = arith.constant 0 : i32
      %dma_wait3A_143 = tpu.memref_slice %arg11[%add3A_27, %dma_wait3A] : memref<5632x128xf32, #tpu.memory_space<vmem_shared>> -> memref<32x128xf32, #tpu.memory_space<vmem_shared>>
      %dma_wait3A_144 = arith.constant 0 : i32
      %dma_wait3A_145 = tpu.memref_slice %arg11[%add3A_27, %dma_wait3A_144] : memref<5632x128xf32, #tpu.memory_space<vmem_shared>> -> memref<32x128xf32, #tpu.memory_space<vmem_shared>>
      tpu.wait_dma2 semaphore(%run_scoped3A_138 : memref<!tpu.dma_semaphore, #tpu.memory_space<semaphore_mem>>) src(%arg10 : memref<32x128xf32, #tpu.memory_space<vmem>>) dst(%dma_wait3A_145 : memref<32x128xf32, #tpu.memory_space<vmem_shared>>)
      tpu.yield
    }) : () -> ()
    %mul3A_28 = arith.constant 352 : i32
    %mul3A_29 = arith.muli %arg1, %mul3A_28 : i32
    %add3A_30 = arith.constant 160 : i32
    %add3A_31 = arith.addi %mul3A_29, %add3A_30 : i32
    "tpu.region"() ({
      %run_scoped3A_138 = tpu.sem_alloc : memref<!tpu.dma_semaphore, #tpu.memory_space<semaphore_mem>>
      %dma_start3A_139 = arith.constant 0 : i32
      %dma_start3A_140 = tpu.memref_slice %arg11[%add3A_31, %dma_start3A_139] : memref<5632x128xf32, #tpu.memory_space<vmem_shared>> -> memref<32x128xf32, #tpu.memory_space<vmem_shared>>
      %dma_start3A_141 = arith.constant 0 : i32
      %dma_start3A_142 = tpu.memref_slice %arg11[%add3A_31, %dma_start3A_141] : memref<5632x128xf32, #tpu.memory_space<vmem_shared>> -> memref<32x128xf32, #tpu.memory_space<vmem_shared>>
      tpu.enqueue_dma source(%arg10 : memref<32x128xf32, #tpu.memory_space<vmem>>) target(%dma_start3A_142 : memref<32x128xf32, #tpu.memory_space<vmem_shared>>) target_semaphore(%run_scoped3A_138 : memref<!tpu.dma_semaphore, #tpu.memory_space<semaphore_mem>>)
      %dma_wait3A = arith.constant 0 : i32
      %dma_wait3A_143 = tpu.memref_slice %arg11[%add3A_31, %dma_wait3A] : memref<5632x128xf32, #tpu.memory_space<vmem_shared>> -> memref<32x128xf32, #tpu.memory_space<vmem_shared>>
      %dma_wait3A_144 = arith.constant 0 : i32
      %dma_wait3A_145 = tpu.memref_slice %arg11[%add3A_31, %dma_wait3A_144] : memref<5632x128xf32, #tpu.memory_space<vmem_shared>> -> memref<32x128xf32, #tpu.memory_space<vmem_shared>>
      tpu.wait_dma2 semaphore(%run_scoped3A_138 : memref<!tpu.dma_semaphore, #tpu.memory_space<semaphore_mem>>) src(%arg10 : memref<32x128xf32, #tpu.memory_space<vmem>>) dst(%dma_wait3A_145 : memref<32x128xf32, #tpu.memory_space<vmem_shared>>)
      tpu.yield
    }) : () -> ()
    %mul3A_32 = arith.constant 352 : i32
    %mul3A_33 = arith.muli %arg1, %mul3A_32 : i32
    %add3A_34 = arith.constant 192 : i32
    %add3A_35 = arith.addi %mul3A_33, %add3A_34 : i32
    "tpu.region"() ({
      %run_scoped3A_138 = tpu.sem_alloc : memref<!tpu.dma_semaphore, #tpu.memory_space<semaphore_mem>>
      %dma_start3A_139 = arith.constant 0 : i32
      %dma_start3A_140 = tpu.memref_slice %arg11[%add3A_35, %dma_start3A_139] : memref<5632x128xf32, #tpu.memory_space<vmem_shared>> -> memref<32x128xf32, #tpu.memory_space<vmem_shared>>
      %dma_start3A_141 = arith.constant 0 : i32
      %dma_start3A_142 = tpu.memref_slice %arg11[%add3A_35, %dma_start3A_141] : memref<5632x128xf32, #tpu.memory_space<vmem_shared>> -> memref<32x128xf32, #tpu.memory_space<vmem_shared>>
      tpu.enqueue_dma source(%arg10 : memref<32x128xf32, #tpu.memory_space<vmem>>) target(%dma_start3A_142 : memref<32x128xf32, #tpu.memory_space<vmem_shared>>) target_semaphore(%run_scoped3A_138 : memref<!tpu.dma_semaphore, #tpu.memory_space<semaphore_mem>>)
      %dma_wait3A = arith.constant 0 : i32
      %dma_wait3A_143 = tpu.memref_slice %arg11[%add3A_35, %dma_wait3A] : memref<5632x128xf32, #tpu.memory_space<vmem_shared>> -> memref<32x128xf32, #tpu.memory_space<vmem_shared>>
      %dma_wait3A_144 = arith.constant 0 : i32
      %dma_wait3A_145 = tpu.memref_slice %arg11[%add3A_35, %dma_wait3A_144] : memref<5632x128xf32, #tpu.memory_space<vmem_shared>> -> memref<32x128xf32, #tpu.memory_space<vmem_shared>>
      tpu.wait_dma2 semaphore(%run_scoped3A_138 : memref<!tpu.dma_semaphore, #tpu.memory_space<semaphore_mem>>) src(%arg10 : memref<32x128xf32, #tpu.memory_space<vmem>>) dst(%dma_wait3A_145 : memref<32x128xf32, #tpu.memory_space<vmem_shared>>)
      tpu.yield
    }) : () -> ()
    %mul3A_36 = arith.constant 352 : i32
    %mul3A_37 = arith.muli %arg1, %mul3A_36 : i32
    %add3A_38 = arith.constant 224 : i32
    %add3A_39 = arith.addi %mul3A_37, %add3A_38 : i32
    "tpu.region"() ({
      %run_scoped3A_138 = tpu.sem_alloc : memref<!tpu.dma_semaphore, #tpu.memory_space<semaphore_mem>>
      %dma_start3A_139 = arith.constant 0 : i32
      %dma_start3A_140 = tpu.memref_slice %arg11[%add3A_39, %dma_start3A_139] : memref<5632x128xf32, #tpu.memory_space<vmem_shared>> -> memref<32x128xf32, #tpu.memory_space<vmem_shared>>
      %dma_start3A_141 = arith.constant 0 : i32
      %dma_start3A_142 = tpu.memref_slice %arg11[%add3A_39, %dma_start3A_141] : memref<5632x128xf32, #tpu.memory_space<vmem_shared>> -> memref<32x128xf32, #tpu.memory_space<vmem_shared>>
      tpu.enqueue_dma source(%arg10 : memref<32x128xf32, #tpu.memory_space<vmem>>) target(%dma_start3A_142 : memref<32x128xf32, #tpu.memory_space<vmem_shared>>) target_semaphore(%run_scoped3A_138 : memref<!tpu.dma_semaphore, #tpu.memory_space<semaphore_mem>>)
      %dma_wait3A = arith.constant 0 : i32
      %dma_wait3A_143 = tpu.memref_slice %arg11[%add3A_39, %dma_wait3A] : memref<5632x128xf32, #tpu.memory_space<vmem_shared>> -> memref<32x128xf32, #tpu.memory_space<vmem_shared>>
      %dma_wait3A_144 = arith.constant 0 : i32
      %dma_wait3A_145 = tpu.memref_slice %arg11[%add3A_39, %dma_wait3A_144] : memref<5632x128xf32, #tpu.memory_space<vmem_shared>> -> memref<32x128xf32, #tpu.memory_space<vmem_shared>>
      tpu.wait_dma2 semaphore(%run_scoped3A_138 : memref<!tpu.dma_semaphore, #tpu.memory_space<semaphore_mem>>) src(%arg10 : memref<32x128xf32, #tpu.memory_space<vmem>>) dst(%dma_wait3A_145 : memref<32x128xf32, #tpu.memory_space<vmem_shared>>)
      tpu.yield
    }) : () -> ()
    %mul3A_40 = arith.constant 352 : i32
    %mul3A_41 = arith.muli %arg1, %mul3A_40 : i32
    %add3A_42 = arith.constant 256 : i32
    %add3A_43 = arith.addi %mul3A_41, %add3A_42 : i32
    "tpu.region"() ({
      %run_scoped3A_138 = tpu.sem_alloc : memref<!tpu.dma_semaphore, #tpu.memory_space<semaphore_mem>>
      %dma_start3A_139 = arith.constant 0 : i32
      %dma_start3A_140 = tpu.memref_slice %arg11[%add3A_43, %dma_start3A_139] : memref<5632x128xf32, #tpu.memory_space<vmem_shared>> -> memref<32x128xf32, #tpu.memory_space<vmem_shared>>
      %dma_start3A_141 = arith.constant 0 : i32
      %dma_start3A_142 = tpu.memref_slice %arg11[%add3A_43, %dma_start3A_141] : memref<5632x128xf32, #tpu.memory_space<vmem_shared>> -> memref<32x128xf32, #tpu.memory_space<vmem_shared>>
      tpu.enqueue_dma source(%arg10 : memref<32x128xf32, #tpu.memory_space<vmem>>) target(%dma_start3A_142 : memref<32x128xf32, #tpu.memory_space<vmem_shared>>) target_semaphore(%run_scoped3A_138 : memref<!tpu.dma_semaphore, #tpu.memory_space<semaphore_mem>>)
      %dma_wait3A = arith.constant 0 : i32
      %dma_wait3A_143 = tpu.memref_slice %arg11[%add3A_43, %dma_wait3A] : memref<5632x128xf32, #tpu.memory_space<vmem_shared>> -> memref<32x128xf32, #tpu.memory_space<vmem_shared>>
      %dma_wait3A_144 = arith.constant 0 : i32
      %dma_wait3A_145 = tpu.memref_slice %arg11[%add3A_43, %dma_wait3A_144] : memref<5632x128xf32, #tpu.memory_space<vmem_shared>> -> memref<32x128xf32, #tpu.memory_space<vmem_shared>>
      tpu.wait_dma2 semaphore(%run_scoped3A_138 : memref<!tpu.dma_semaphore, #tpu.memory_space<semaphore_mem>>) src(%arg10 : memref<32x128xf32, #tpu.memory_space<vmem>>) dst(%dma_wait3A_145 : memref<32x128xf32, #tpu.memory_space<vmem_shared>>)
      tpu.yield
    }) : () -> ()
    %mul3A_44 = arith.constant 352 : i32
    %mul3A_45 = arith.muli %arg1, %mul3A_44 : i32
    %add3A_46 = arith.constant 288 : i32
    %add3A_47 = arith.addi %mul3A_45, %add3A_46 : i32
    "tpu.region"() ({
      %run_scoped3A_138 = tpu.sem_alloc : memref<!tpu.dma_semaphore, #tpu.memory_space<semaphore_mem>>
      %dma_start3A_139 = arith.constant 0 : i32
      %dma_start3A_140 = tpu.memref_slice %arg11[%add3A_47, %dma_start3A_139] : memref<5632x128xf32, #tpu.memory_space<vmem_shared>> -> memref<32x128xf32, #tpu.memory_space<vmem_shared>>
      %dma_start3A_141 = arith.constant 0 : i32
      %dma_start3A_142 = tpu.memref_slice %arg11[%add3A_47, %dma_start3A_141] : memref<5632x128xf32, #tpu.memory_space<vmem_shared>> -> memref<32x128xf32, #tpu.memory_space<vmem_shared>>
      tpu.enqueue_dma source(%arg10 : memref<32x128xf32, #tpu.memory_space<vmem>>) target(%dma_start3A_142 : memref<32x128xf32, #tpu.memory_space<vmem_shared>>) target_semaphore(%run_scoped3A_138 : memref<!tpu.dma_semaphore, #tpu.memory_space<semaphore_mem>>)
      %dma_wait3A = arith.constant 0 : i32
      %dma_wait3A_143 = tpu.memref_slice %arg11[%add3A_47, %dma_wait3A] : memref<5632x128xf32, #tpu.memory_space<vmem_shared>> -> memref<32x128xf32, #tpu.memory_space<vmem_shared>>
      %dma_wait3A_144 = arith.constant 0 : i32
      %dma_wait3A_145 = tpu.memref_slice %arg11[%add3A_47, %dma_wait3A_144] : memref<5632x128xf32, #tpu.memory_space<vmem_shared>> -> memref<32x128xf32, #tpu.memory_space<vmem_shared>>
      tpu.wait_dma2 semaphore(%run_scoped3A_138 : memref<!tpu.dma_semaphore, #tpu.memory_space<semaphore_mem>>) src(%arg10 : memref<32x128xf32, #tpu.memory_space<vmem>>) dst(%dma_wait3A_145 : memref<32x128xf32, #tpu.memory_space<vmem_shared>>)
      tpu.yield
    }) : () -> ()
    %mul3A_48 = arith.constant 352 : i32
    %mul3A_49 = arith.muli %arg1, %mul3A_48 : i32
    %add3A_50 = arith.constant 320 : i32
    %add3A_51 = arith.addi %mul3A_49, %add3A_50 : i32
    "tpu.region"() ({
      %run_scoped3A_138 = tpu.sem_alloc : memref<!tpu.dma_semaphore, #tpu.memory_space<semaphore_mem>>
      %dma_start3A_139 = arith.constant 0 : i32
      %dma_start3A_140 = tpu.memref_slice %arg11[%add3A_51, %dma_start3A_139] : memref<5632x128xf32, #tpu.memory_space<vmem_shared>> -> memref<32x128xf32, #tpu.memory_space<vmem_shared>>
      %dma_start3A_141 = arith.constant 0 : i32
      %dma_start3A_142 = tpu.memref_slice %arg11[%add3A_51, %dma_start3A_141] : memref<5632x128xf32, #tpu.memory_space<vmem_shared>> -> memref<32x128xf32, #tpu.memory_space<vmem_shared>>
      tpu.enqueue_dma source(%arg10 : memref<32x128xf32, #tpu.memory_space<vmem>>) target(%dma_start3A_142 : memref<32x128xf32, #tpu.memory_space<vmem_shared>>) target_semaphore(%run_scoped3A_138 : memref<!tpu.dma_semaphore, #tpu.memory_space<semaphore_mem>>)
      %dma_wait3A = arith.constant 0 : i32
      %dma_wait3A_143 = tpu.memref_slice %arg11[%add3A_51, %dma_wait3A] : memref<5632x128xf32, #tpu.memory_space<vmem_shared>> -> memref<32x128xf32, #tpu.memory_space<vmem_shared>>
      %dma_wait3A_144 = arith.constant 0 : i32
      %dma_wait3A_145 = tpu.memref_slice %arg11[%add3A_51, %dma_wait3A_144] : memref<5632x128xf32, #tpu.memory_space<vmem_shared>> -> memref<32x128xf32, #tpu.memory_space<vmem_shared>>
      tpu.wait_dma2 semaphore(%run_scoped3A_138 : memref<!tpu.dma_semaphore, #tpu.memory_space<semaphore_mem>>) src(%arg10 : memref<32x128xf32, #tpu.memory_space<vmem>>) dst(%dma_wait3A_145 : memref<32x128xf32, #tpu.memory_space<vmem_shared>>)
      tpu.yield
    }) : () -> ()
    %barrier3A = arith.constant 0 : index
    tpu.barrier barrier_id(%barrier3A)
    %dma_start3A = arith.constant 0 : i32
    %dma_start3A_52 = arith.constant 0 : i32
    %dma_start3A_53 = tpu.memref_slice %arg5[%dma_start3A, %dma_start3A_52] : memref<40x128xi32, #tpu.memory_space<vmem>> -> memref<1x128xi32, #tpu.memory_space<vmem>>
    %dma_start3A_54 = tpu.memref_squeeze %dma_start3A_53 : memref<1x128xi32, #tpu.memory_space<vmem>> -> memref<128xi32, #tpu.memory_space<vmem>>
    %dma_start3A_55 = arith.constant 0 : i32
    %dma_start3A_56 = arith.constant 0 : i32
    %dma_start3A_57 = tpu.memref_slice %arg2[%dma_start3A_55, %dma_start3A_56] : memref<10240x128xf32, #tpu.memory_space<hbm>> -> memref<10240x128xf32, #tpu.memory_space<hbm>>
    tpu.enqueue_indirect_dma source(%dma_start3A_57 : memref<10240x128xf32, #tpu.memory_space<hbm>>) target(%arg8 : memref<128x128xf32, #tpu.memory_space<vmem>>) offsets(%dma_start3A_54 : memref<128xi32, #tpu.memory_space<vmem>>) semaphore(%arg12 : memref<!tpu.dma_semaphore, #tpu.memory_space<semaphore_mem>>)
    %scan3A_58 = arith.constant 0 : i32
    %scan3A_59 = arith.constant 0 : i32
    %scan3A_60 = arith.constant 20 : i32
    %scan3A_61 = arith.addi %scan3A_59, %scan3A_60 : i32
    %scan3A_62 = arith.constant 1 : i32
    scf.for %scan3A_138 = %scan3A_59 to %scan3A_61 step %scan3A_62  : i32 {
      %mul3A_139 = arith.constant 2 : i32
      %mul3A_140 = arith.muli %mul3A_139, %scan3A_138 : i32
      %add3A_141 = arith.constant 1 : i32
      %add3A_142 = arith.addi %mul3A_140, %add3A_141 : i32
      %dma_start3A_143 = arith.constant 0 : i32
      %dma_start3A_144 = tpu.memref_slice %arg5[%add3A_142, %dma_start3A_143] : memref<40x128xi32, #tpu.memory_space<vmem>> -> memref<1x128xi32, #tpu.memory_space<vmem>>
      %dma_start3A_145 = tpu.memref_squeeze %dma_start3A_144 : memref<1x128xi32, #tpu.memory_space<vmem>> -> memref<128xi32, #tpu.memory_space<vmem>>
      %dma_start3A_146 = arith.constant 0 : i32
      %dma_start3A_147 = arith.constant 0 : i32
      %dma_start3A_148 = tpu.memref_slice %arg2[%dma_start3A_146, %dma_start3A_147] : memref<10240x128xf32, #tpu.memory_space<hbm>> -> memref<10240x128xf32, #tpu.memory_space<hbm>>
      tpu.enqueue_indirect_dma source(%dma_start3A_148 : memref<10240x128xf32, #tpu.memory_space<hbm>>) target(%arg9 : memref<128x128xf32, #tpu.memory_space<vmem>>) offsets(%dma_start3A_145 : memref<128xi32, #tpu.memory_space<vmem>>) semaphore(%arg13 : memref<!tpu.dma_semaphore, #tpu.memory_space<semaphore_mem>>)
      %dma_wait3A = arith.constant 0 : i32
      %dma_wait3A_149 = tpu.memref_slice %arg5[%mul3A_140, %dma_wait3A] : memref<40x128xi32, #tpu.memory_space<vmem>> -> memref<1x128xi32, #tpu.memory_space<vmem>>
      %dma_wait3A_150 = tpu.memref_squeeze %dma_wait3A_149 : memref<1x128xi32, #tpu.memory_space<vmem>> -> memref<128xi32, #tpu.memory_space<vmem>>
      %dma_wait3A_151 = arith.constant 0 : i32
      %dma_wait3A_152 = arith.constant 0 : i32
      %dma_wait3A_153 = tpu.memref_slice %arg2[%dma_wait3A_151, %dma_wait3A_152] : memref<10240x128xf32, #tpu.memory_space<hbm>> -> memref<10240x128xf32, #tpu.memory_space<hbm>>
      tpu.wait_indirect_dma semaphore(%arg12 : memref<!tpu.dma_semaphore, #tpu.memory_space<semaphore_mem>>) src(%dma_wait3A_153 : memref<10240x128xf32, #tpu.memory_space<hbm>>) dst(%arg8 : memref<128x128xf32, #tpu.memory_space<vmem>>)
      "tpu.region"() ({
        %run_scoped3A_166 = tpu.sem_alloc : memref<!tpu.dma_semaphore, #tpu.memory_space<semaphore_mem>>
        %dma_start3A_167 = arith.constant 0 : i32
        %dma_start3A_168 = tpu.memref_slice %arg6[%mul3A_140, %dma_start3A_167] : memref<40x128xi32, #tpu.memory_space<vmem>> -> memref<1x128xi32, #tpu.memory_space<vmem>>
        %dma_start3A_169 = tpu.memref_squeeze %dma_start3A_168 : memref<1x128xi32, #tpu.memory_space<vmem>> -> memref<128xi32, #tpu.memory_space<vmem>>
        %dma_start3A_170 = arith.constant 0 : i32
        %dma_start3A_171 = arith.constant 0 : i32
        %dma_start3A_172 = tpu.memref_slice %arg11[%dma_start3A_170, %dma_start3A_171] : memref<5632x128xf32, #tpu.memory_space<vmem_shared>> -> memref<5632x128xf32, #tpu.memory_space<vmem_shared>>
        tpu.enqueue_indirect_dma source(%arg8 : memref<128x128xf32, #tpu.memory_space<vmem>>) target(%dma_start3A_172 : memref<5632x128xf32, #tpu.memory_space<vmem_shared>>) offsets(%dma_start3A_169 : memref<128xi32, #tpu.memory_space<vmem>>) semaphore(%run_scoped3A_166 : memref<!tpu.dma_semaphore, #tpu.memory_space<semaphore_mem>>) {add = true}
        %dma_wait3A_173 = arith.constant 0 : i32
        %dma_wait3A_174 = tpu.memref_slice %arg6[%mul3A_140, %dma_wait3A_173] : memref<40x128xi32, #tpu.memory_space<vmem>> -> memref<1x128xi32, #tpu.memory_space<vmem>>
        %dma_wait3A_175 = tpu.memref_squeeze %dma_wait3A_174 : memref<1x128xi32, #tpu.memory_space<vmem>> -> memref<128xi32, #tpu.memory_space<vmem>>
        %dma_wait3A_176 = arith.constant 0 : i32
        %dma_wait3A_177 = arith.constant 0 : i32
        %dma_wait3A_178 = tpu.memref_slice %arg11[%dma_wait3A_176, %dma_wait3A_177] : memref<5632x128xf32, #tpu.memory_space<vmem_shared>> -> memref<5632x128xf32, #tpu.memory_space<vmem_shared>>
        tpu.wait_indirect_dma semaphore(%run_scoped3A_166 : memref<!tpu.dma_semaphore, #tpu.memory_space<semaphore_mem>>) src(%arg8 : memref<128x128xf32, #tpu.memory_space<vmem>>) dst(%dma_wait3A_178 : memref<5632x128xf32, #tpu.memory_space<vmem_shared>>)
        tpu.yield
      }) : () -> ()
      %lt3A = arith.constant 19 : i32
      %lt3A_154 = arith.cmpi slt, %scan3A_138, %lt3A : i32
      %convert_element_type3A = arith.extui %lt3A_154 : i1 to i32
      %cond3A = arith.constant 0 : i32
      %cond3A_155 = arith.cmpi ne, %convert_element_type3A, %cond3A : i32
      scf.if %cond3A_155 {
        %add3A_166 = arith.constant 2 : i32
        %add3A_167 = arith.addi %mul3A_140, %add3A_166 : i32
        %dma_start3A_168 = arith.constant 0 : i32
        %dma_start3A_169 = tpu.memref_slice %arg5[%add3A_167, %dma_start3A_168] : memref<40x128xi32, #tpu.memory_space<vmem>> -> memref<1x128xi32, #tpu.memory_space<vmem>>
        %dma_start3A_170 = tpu.memref_squeeze %dma_start3A_169 : memref<1x128xi32, #tpu.memory_space<vmem>> -> memref<128xi32, #tpu.memory_space<vmem>>
        %dma_start3A_171 = arith.constant 0 : i32
        %dma_start3A_172 = arith.constant 0 : i32
        %dma_start3A_173 = tpu.memref_slice %arg2[%dma_start3A_171, %dma_start3A_172] : memref<10240x128xf32, #tpu.memory_space<hbm>> -> memref<10240x128xf32, #tpu.memory_space<hbm>>
        tpu.enqueue_indirect_dma source(%dma_start3A_173 : memref<10240x128xf32, #tpu.memory_space<hbm>>) target(%arg8 : memref<128x128xf32, #tpu.memory_space<vmem>>) offsets(%dma_start3A_170 : memref<128xi32, #tpu.memory_space<vmem>>) semaphore(%arg12 : memref<!tpu.dma_semaphore, #tpu.memory_space<semaphore_mem>>)
      } else {
      }
      %add3A_156 = arith.constant 1 : i32
      %add3A_157 = arith.addi %mul3A_140, %add3A_156 : i32
      %dma_wait3A_158 = arith.constant 0 : i32
      %dma_wait3A_159 = tpu.memref_slice %arg5[%add3A_157, %dma_wait3A_158] : memref<40x128xi32, #tpu.memory_space<vmem>> -> memref<1x128xi32, #tpu.memory_space<vmem>>
      %dma_wait3A_160 = tpu.memref_squeeze %dma_wait3A_159 : memref<1x128xi32, #tpu.memory_space<vmem>> -> memref<128xi32, #tpu.memory_space<vmem>>
      %dma_wait3A_161 = arith.constant 0 : i32
      %dma_wait3A_162 = arith.constant 0 : i32
      %dma_wait3A_163 = tpu.memref_slice %arg2[%dma_wait3A_161, %dma_wait3A_162] : memref<10240x128xf32, #tpu.memory_space<hbm>> -> memref<10240x128xf32, #tpu.memory_space<hbm>>
      tpu.wait_indirect_dma semaphore(%arg13 : memref<!tpu.dma_semaphore, #tpu.memory_space<semaphore_mem>>) src(%dma_wait3A_163 : memref<10240x128xf32, #tpu.memory_space<hbm>>) dst(%arg9 : memref<128x128xf32, #tpu.memory_space<vmem>>)
      %add3A_164 = arith.constant 1 : i32
      %add3A_165 = arith.addi %mul3A_140, %add3A_164 : i32
      "tpu.region"() ({
        %run_scoped3A_166 = tpu.sem_alloc : memref<!tpu.dma_semaphore, #tpu.memory_space<semaphore_mem>>
        %dma_start3A_167 = arith.constant 0 : i32
        %dma_start3A_168 = tpu.memref_slice %arg6[%add3A_165, %dma_start3A_167] : memref<40x128xi32, #tpu.memory_space<vmem>> -> memref<1x128xi32, #tpu.memory_space<vmem>>
        %dma_start3A_169 = tpu.memref_squeeze %dma_start3A_168 : memref<1x128xi32, #tpu.memory_space<vmem>> -> memref<128xi32, #tpu.memory_space<vmem>>
        %dma_start3A_170 = arith.constant 0 : i32
        %dma_start3A_171 = arith.constant 0 : i32
        %dma_start3A_172 = tpu.memref_slice %arg11[%dma_start3A_170, %dma_start3A_171] : memref<5632x128xf32, #tpu.memory_space<vmem_shared>> -> memref<5632x128xf32, #tpu.memory_space<vmem_shared>>
        tpu.enqueue_indirect_dma source(%arg9 : memref<128x128xf32, #tpu.memory_space<vmem>>) target(%dma_start3A_172 : memref<5632x128xf32, #tpu.memory_space<vmem_shared>>) offsets(%dma_start3A_169 : memref<128xi32, #tpu.memory_space<vmem>>) semaphore(%run_scoped3A_166 : memref<!tpu.dma_semaphore, #tpu.memory_space<semaphore_mem>>) {add = true}
        %dma_wait3A_173 = arith.constant 0 : i32
        %dma_wait3A_174 = tpu.memref_slice %arg6[%add3A_165, %dma_wait3A_173] : memref<40x128xi32, #tpu.memory_space<vmem>> -> memref<1x128xi32, #tpu.memory_space<vmem>>
        %dma_wait3A_175 = tpu.memref_squeeze %dma_wait3A_174 : memref<1x128xi32, #tpu.memory_space<vmem>> -> memref<128xi32, #tpu.memory_space<vmem>>
        %dma_wait3A_176 = arith.constant 0 : i32
        %dma_wait3A_177 = arith.constant 0 : i32
        %dma_wait3A_178 = tpu.memref_slice %arg11[%dma_wait3A_176, %dma_wait3A_177] : memref<5632x128xf32, #tpu.memory_space<vmem_shared>> -> memref<5632x128xf32, #tpu.memory_space<vmem_shared>>
        tpu.wait_indirect_dma semaphore(%run_scoped3A_166 : memref<!tpu.dma_semaphore, #tpu.memory_space<semaphore_mem>>) src(%arg9 : memref<128x128xf32, #tpu.memory_space<vmem>>) dst(%dma_wait3A_178 : memref<5632x128xf32, #tpu.memory_space<vmem_shared>>)
        tpu.yield
      }) : () -> ()
    }
    %scan3A_63 = arith.constant 20 : i32
    %barrier3A_64 = arith.constant 0 : index
    tpu.barrier barrier_id(%barrier3A_64)
    %mul3A_65 = arith.constant 320 : i32
    %mul3A_66 = arith.muli %arg1, %mul3A_65 : i32
    %mul3A_67 = arith.constant 320 : i32
    %mul3A_68 = arith.muli %arg1, %mul3A_67 : i32
    %add3A_69 = arith.constant 0 : i32
    %add3A_70 = arith.addi %add3A_69, %mul3A_68 : i32
    "tpu.region"() ({
      %run_scoped3A_138 = tpu.sem_alloc : memref<!tpu.dma_semaphore, #tpu.memory_space<semaphore_mem>>
      %dma_start3A_139 = arith.constant 0 : i32
      %dma_start3A_140 = tpu.memref_slice %arg4[%arg0, %add3A_70, %dma_start3A_139] : memref<2x10240x128xf32, #tpu.memory_space<hbm>> -> memref<1x320x128xf32, #tpu.memory_space<hbm>>
      %dma_start3A_141 = tpu.memref_squeeze %dma_start3A_140 : memref<1x320x128xf32, #tpu.memory_space<hbm>> -> memref<320x128xf32, #tpu.memory_space<hbm>>
      %dma_start3A_142 = arith.constant 0 : i32
      %dma_start3A_143 = tpu.memref_slice %arg11[%mul3A_66, %dma_start3A_142] : memref<5632x128xf32, #tpu.memory_space<vmem_shared>> -> memref<320x128xf32, #tpu.memory_space<vmem_shared>>
      tpu.enqueue_dma source(%dma_start3A_143 : memref<320x128xf32, #tpu.memory_space<vmem_shared>>) target(%dma_start3A_141 : memref<320x128xf32, #tpu.memory_space<hbm>>) target_semaphore(%run_scoped3A_138 : memref<!tpu.dma_semaphore, #tpu.memory_space<semaphore_mem>>)
      %dma_wait3A = arith.constant 0 : i32
      %dma_wait3A_144 = tpu.memref_slice %arg4[%arg0, %add3A_70, %dma_wait3A] : memref<2x10240x128xf32, #tpu.memory_space<hbm>> -> memref<1x320x128xf32, #tpu.memory_space<hbm>>
      %dma_wait3A_145 = tpu.memref_squeeze %dma_wait3A_144 : memref<1x320x128xf32, #tpu.memory_space<hbm>> -> memref<320x128xf32, #tpu.memory_space<hbm>>
      %dma_wait3A_146 = arith.constant 0 : i32
      %dma_wait3A_147 = tpu.memref_slice %arg11[%mul3A_66, %dma_wait3A_146] : memref<5632x128xf32, #tpu.memory_space<vmem_shared>> -> memref<320x128xf32, #tpu.memory_space<vmem_shared>>
      tpu.wait_dma2 semaphore(%run_scoped3A_138 : memref<!tpu.dma_semaphore, #tpu.memory_space<semaphore_mem>>) src(%dma_wait3A_147 : memref<320x128xf32, #tpu.memory_space<vmem_shared>>) dst(%dma_wait3A_145 : memref<320x128xf32, #tpu.memory_space<hbm>>)
      tpu.yield
    }) : () -> ()
    %barrier3A_71 = arith.constant 0 : index
    tpu.barrier barrier_id(%barrier3A_71)
    %mul3A_72 = arith.constant 352 : i32
    %mul3A_73 = arith.muli %arg1, %mul3A_72 : i32
    %add3A_74 = arith.constant 0 : i32
    %add3A_75 = arith.addi %mul3A_73, %add3A_74 : i32
    "tpu.region"() ({
      %run_scoped3A_138 = tpu.sem_alloc : memref<!tpu.dma_semaphore, #tpu.memory_space<semaphore_mem>>
      %dma_start3A_139 = arith.constant 0 : i32
      %dma_start3A_140 = tpu.memref_slice %arg11[%add3A_75, %dma_start3A_139] : memref<5632x128xf32, #tpu.memory_space<vmem_shared>> -> memref<32x128xf32, #tpu.memory_space<vmem_shared>>
      %dma_start3A_141 = arith.constant 0 : i32
      %dma_start3A_142 = tpu.memref_slice %arg11[%add3A_75, %dma_start3A_141] : memref<5632x128xf32, #tpu.memory_space<vmem_shared>> -> memref<32x128xf32, #tpu.memory_space<vmem_shared>>
      tpu.enqueue_dma source(%arg10 : memref<32x128xf32, #tpu.memory_space<vmem>>) target(%dma_start3A_142 : memref<32x128xf32, #tpu.memory_space<vmem_shared>>) target_semaphore(%run_scoped3A_138 : memref<!tpu.dma_semaphore, #tpu.memory_space<semaphore_mem>>)
      %dma_wait3A = arith.constant 0 : i32
      %dma_wait3A_143 = tpu.memref_slice %arg11[%add3A_75, %dma_wait3A] : memref<5632x128xf32, #tpu.memory_space<vmem_shared>> -> memref<32x128xf32, #tpu.memory_space<vmem_shared>>
      %dma_wait3A_144 = arith.constant 0 : i32
      %dma_wait3A_145 = tpu.memref_slice %arg11[%add3A_75, %dma_wait3A_144] : memref<5632x128xf32, #tpu.memory_space<vmem_shared>> -> memref<32x128xf32, #tpu.memory_space<vmem_shared>>
      tpu.wait_dma2 semaphore(%run_scoped3A_138 : memref<!tpu.dma_semaphore, #tpu.memory_space<semaphore_mem>>) src(%arg10 : memref<32x128xf32, #tpu.memory_space<vmem>>) dst(%dma_wait3A_145 : memref<32x128xf32, #tpu.memory_space<vmem_shared>>)
      tpu.yield
    }) : () -> ()
    %mul3A_76 = arith.constant 352 : i32
    %mul3A_77 = arith.muli %arg1, %mul3A_76 : i32
    %add3A_78 = arith.constant 32 : i32
    %add3A_79 = arith.addi %mul3A_77, %add3A_78 : i32
    "tpu.region"() ({
      %run_scoped3A_138 = tpu.sem_alloc : memref<!tpu.dma_semaphore, #tpu.memory_space<semaphore_mem>>
      %dma_start3A_139 = arith.constant 0 : i32
      %dma_start3A_140 = tpu.memref_slice %arg11[%add3A_79, %dma_start3A_139] : memref<5632x128xf32, #tpu.memory_space<vmem_shared>> -> memref<32x128xf32, #tpu.memory_space<vmem_shared>>
      %dma_start3A_141 = arith.constant 0 : i32
      %dma_start3A_142 = tpu.memref_slice %arg11[%add3A_79, %dma_start3A_141] : memref<5632x128xf32, #tpu.memory_space<vmem_shared>> -> memref<32x128xf32, #tpu.memory_space<vmem_shared>>
      tpu.enqueue_dma source(%arg10 : memref<32x128xf32, #tpu.memory_space<vmem>>) target(%dma_start3A_142 : memref<32x128xf32, #tpu.memory_space<vmem_shared>>) target_semaphore(%run_scoped3A_138 : memref<!tpu.dma_semaphore, #tpu.memory_space<semaphore_mem>>)
      %dma_wait3A = arith.constant 0 : i32
      %dma_wait3A_143 = tpu.memref_slice %arg11[%add3A_79, %dma_wait3A] : memref<5632x128xf32, #tpu.memory_space<vmem_shared>> -> memref<32x128xf32, #tpu.memory_space<vmem_shared>>
      %dma_wait3A_144 = arith.constant 0 : i32
      %dma_wait3A_145 = tpu.memref_slice %arg11[%add3A_79, %dma_wait3A_144] : memref<5632x128xf32, #tpu.memory_space<vmem_shared>> -> memref<32x128xf32, #tpu.memory_space<vmem_shared>>
      tpu.wait_dma2 semaphore(%run_scoped3A_138 : memref<!tpu.dma_semaphore, #tpu.memory_space<semaphore_mem>>) src(%arg10 : memref<32x128xf32, #tpu.memory_space<vmem>>) dst(%dma_wait3A_145 : memref<32x128xf32, #tpu.memory_space<vmem_shared>>)
      tpu.yield
    }) : () -> ()
    %mul3A_80 = arith.constant 352 : i32
    %mul3A_81 = arith.muli %arg1, %mul3A_80 : i32
    %add3A_82 = arith.constant 64 : i32
    %add3A_83 = arith.addi %mul3A_81, %add3A_82 : i32
    "tpu.region"() ({
      %run_scoped3A_138 = tpu.sem_alloc : memref<!tpu.dma_semaphore, #tpu.memory_space<semaphore_mem>>
      %dma_start3A_139 = arith.constant 0 : i32
      %dma_start3A_140 = tpu.memref_slice %arg11[%add3A_83, %dma_start3A_139] : memref<5632x128xf32, #tpu.memory_space<vmem_shared>> -> memref<32x128xf32, #tpu.memory_space<vmem_shared>>
      %dma_start3A_141 = arith.constant 0 : i32
      %dma_start3A_142 = tpu.memref_slice %arg11[%add3A_83, %dma_start3A_141] : memref<5632x128xf32, #tpu.memory_space<vmem_shared>> -> memref<32x128xf32, #tpu.memory_space<vmem_shared>>
      tpu.enqueue_dma source(%arg10 : memref<32x128xf32, #tpu.memory_space<vmem>>) target(%dma_start3A_142 : memref<32x128xf32, #tpu.memory_space<vmem_shared>>) target_semaphore(%run_scoped3A_138 : memref<!tpu.dma_semaphore, #tpu.memory_space<semaphore_mem>>)
      %dma_wait3A = arith.constant 0 : i32
      %dma_wait3A_143 = tpu.memref_slice %arg11[%add3A_83, %dma_wait3A] : memref<5632x128xf32, #tpu.memory_space<vmem_shared>> -> memref<32x128xf32, #tpu.memory_space<vmem_shared>>
      %dma_wait3A_144 = arith.constant 0 : i32
      %dma_wait3A_145 = tpu.memref_slice %arg11[%add3A_83, %dma_wait3A_144] : memref<5632x128xf32, #tpu.memory_space<vmem_shared>> -> memref<32x128xf32, #tpu.memory_space<vmem_shared>>
      tpu.wait_dma2 semaphore(%run_scoped3A_138 : memref<!tpu.dma_semaphore, #tpu.memory_space<semaphore_mem>>) src(%arg10 : memref<32x128xf32, #tpu.memory_space<vmem>>) dst(%dma_wait3A_145 : memref<32x128xf32, #tpu.memory_space<vmem_shared>>)
      tpu.yield
    }) : () -> ()
    %mul3A_84 = arith.constant 352 : i32
    %mul3A_85 = arith.muli %arg1, %mul3A_84 : i32
    %add3A_86 = arith.constant 96 : i32
    %add3A_87 = arith.addi %mul3A_85, %add3A_86 : i32
    "tpu.region"() ({
      %run_scoped3A_138 = tpu.sem_alloc : memref<!tpu.dma_semaphore, #tpu.memory_space<semaphore_mem>>
      %dma_start3A_139 = arith.constant 0 : i32
      %dma_start3A_140 = tpu.memref_slice %arg11[%add3A_87, %dma_start3A_139] : memref<5632x128xf32, #tpu.memory_space<vmem_shared>> -> memref<32x128xf32, #tpu.memory_space<vmem_shared>>
      %dma_start3A_141 = arith.constant 0 : i32
      %dma_start3A_142 = tpu.memref_slice %arg11[%add3A_87, %dma_start3A_141] : memref<5632x128xf32, #tpu.memory_space<vmem_shared>> -> memref<32x128xf32, #tpu.memory_space<vmem_shared>>
      tpu.enqueue_dma source(%arg10 : memref<32x128xf32, #tpu.memory_space<vmem>>) target(%dma_start3A_142 : memref<32x128xf32, #tpu.memory_space<vmem_shared>>) target_semaphore(%run_scoped3A_138 : memref<!tpu.dma_semaphore, #tpu.memory_space<semaphore_mem>>)
      %dma_wait3A = arith.constant 0 : i32
      %dma_wait3A_143 = tpu.memref_slice %arg11[%add3A_87, %dma_wait3A] : memref<5632x128xf32, #tpu.memory_space<vmem_shared>> -> memref<32x128xf32, #tpu.memory_space<vmem_shared>>
      %dma_wait3A_144 = arith.constant 0 : i32
      %dma_wait3A_145 = tpu.memref_slice %arg11[%add3A_87, %dma_wait3A_144] : memref<5632x128xf32, #tpu.memory_space<vmem_shared>> -> memref<32x128xf32, #tpu.memory_space<vmem_shared>>
      tpu.wait_dma2 semaphore(%run_scoped3A_138 : memref<!tpu.dma_semaphore, #tpu.memory_space<semaphore_mem>>) src(%arg10 : memref<32x128xf32, #tpu.memory_space<vmem>>) dst(%dma_wait3A_145 : memref<32x128xf32, #tpu.memory_space<vmem_shared>>)
      tpu.yield
    }) : () -> ()
    %mul3A_88 = arith.constant 352 : i32
    %mul3A_89 = arith.muli %arg1, %mul3A_88 : i32
    %add3A_90 = arith.constant 128 : i32
    %add3A_91 = arith.addi %mul3A_89, %add3A_90 : i32
    "tpu.region"() ({
      %run_scoped3A_138 = tpu.sem_alloc : memref<!tpu.dma_semaphore, #tpu.memory_space<semaphore_mem>>
      %dma_start3A_139 = arith.constant 0 : i32
      %dma_start3A_140 = tpu.memref_slice %arg11[%add3A_91, %dma_start3A_139] : memref<5632x128xf32, #tpu.memory_space<vmem_shared>> -> memref<32x128xf32, #tpu.memory_space<vmem_shared>>
      %dma_start3A_141 = arith.constant 0 : i32
      %dma_start3A_142 = tpu.memref_slice %arg11[%add3A_91, %dma_start3A_141] : memref<5632x128xf32, #tpu.memory_space<vmem_shared>> -> memref<32x128xf32, #tpu.memory_space<vmem_shared>>
      tpu.enqueue_dma source(%arg10 : memref<32x128xf32, #tpu.memory_space<vmem>>) target(%dma_start3A_142 : memref<32x128xf32, #tpu.memory_space<vmem_shared>>) target_semaphore(%run_scoped3A_138 : memref<!tpu.dma_semaphore, #tpu.memory_space<semaphore_mem>>)
      %dma_wait3A = arith.constant 0 : i32
      %dma_wait3A_143 = tpu.memref_slice %arg11[%add3A_91, %dma_wait3A] : memref<5632x128xf32, #tpu.memory_space<vmem_shared>> -> memref<32x128xf32, #tpu.memory_space<vmem_shared>>
      %dma_wait3A_144 = arith.constant 0 : i32
      %dma_wait3A_145 = tpu.memref_slice %arg11[%add3A_91, %dma_wait3A_144] : memref<5632x128xf32, #tpu.memory_space<vmem_shared>> -> memref<32x128xf32, #tpu.memory_space<vmem_shared>>
      tpu.wait_dma2 semaphore(%run_scoped3A_138 : memref<!tpu.dma_semaphore, #tpu.memory_space<semaphore_mem>>) src(%arg10 : memref<32x128xf32, #tpu.memory_space<vmem>>) dst(%dma_wait3A_145 : memref<32x128xf32, #tpu.memory_space<vmem_shared>>)
      tpu.yield
    }) : () -> ()
    %mul3A_92 = arith.constant 352 : i32
    %mul3A_93 = arith.muli %arg1, %mul3A_92 : i32
    %add3A_94 = arith.constant 160 : i32
    %add3A_95 = arith.addi %mul3A_93, %add3A_94 : i32
    "tpu.region"() ({
      %run_scoped3A_138 = tpu.sem_alloc : memref<!tpu.dma_semaphore, #tpu.memory_space<semaphore_mem>>
      %dma_start3A_139 = arith.constant 0 : i32
      %dma_start3A_140 = tpu.memref_slice %arg11[%add3A_95, %dma_start3A_139] : memref<5632x128xf32, #tpu.memory_space<vmem_shared>> -> memref<32x128xf32, #tpu.memory_space<vmem_shared>>
      %dma_start3A_141 = arith.constant 0 : i32
      %dma_start3A_142 = tpu.memref_slice %arg11[%add3A_95, %dma_start3A_141] : memref<5632x128xf32, #tpu.memory_space<vmem_shared>> -> memref<32x128xf32, #tpu.memory_space<vmem_shared>>
      tpu.enqueue_dma source(%arg10 : memref<32x128xf32, #tpu.memory_space<vmem>>) target(%dma_start3A_142 : memref<32x128xf32, #tpu.memory_space<vmem_shared>>) target_semaphore(%run_scoped3A_138 : memref<!tpu.dma_semaphore, #tpu.memory_space<semaphore_mem>>)
      %dma_wait3A = arith.constant 0 : i32
      %dma_wait3A_143 = tpu.memref_slice %arg11[%add3A_95, %dma_wait3A] : memref<5632x128xf32, #tpu.memory_space<vmem_shared>> -> memref<32x128xf32, #tpu.memory_space<vmem_shared>>
      %dma_wait3A_144 = arith.constant 0 : i32
      %dma_wait3A_145 = tpu.memref_slice %arg11[%add3A_95, %dma_wait3A_144] : memref<5632x128xf32, #tpu.memory_space<vmem_shared>> -> memref<32x128xf32, #tpu.memory_space<vmem_shared>>
      tpu.wait_dma2 semaphore(%run_scoped3A_138 : memref<!tpu.dma_semaphore, #tpu.memory_space<semaphore_mem>>) src(%arg10 : memref<32x128xf32, #tpu.memory_space<vmem>>) dst(%dma_wait3A_145 : memref<32x128xf32, #tpu.memory_space<vmem_shared>>)
      tpu.yield
    }) : () -> ()
    %mul3A_96 = arith.constant 352 : i32
    %mul3A_97 = arith.muli %arg1, %mul3A_96 : i32
    %add3A_98 = arith.constant 192 : i32
    %add3A_99 = arith.addi %mul3A_97, %add3A_98 : i32
    "tpu.region"() ({
      %run_scoped3A_138 = tpu.sem_alloc : memref<!tpu.dma_semaphore, #tpu.memory_space<semaphore_mem>>
      %dma_start3A_139 = arith.constant 0 : i32
      %dma_start3A_140 = tpu.memref_slice %arg11[%add3A_99, %dma_start3A_139] : memref<5632x128xf32, #tpu.memory_space<vmem_shared>> -> memref<32x128xf32, #tpu.memory_space<vmem_shared>>
      %dma_start3A_141 = arith.constant 0 : i32
      %dma_start3A_142 = tpu.memref_slice %arg11[%add3A_99, %dma_start3A_141] : memref<5632x128xf32, #tpu.memory_space<vmem_shared>> -> memref<32x128xf32, #tpu.memory_space<vmem_shared>>
      tpu.enqueue_dma source(%arg10 : memref<32x128xf32, #tpu.memory_space<vmem>>) target(%dma_start3A_142 : memref<32x128xf32, #tpu.memory_space<vmem_shared>>) target_semaphore(%run_scoped3A_138 : memref<!tpu.dma_semaphore, #tpu.memory_space<semaphore_mem>>)
      %dma_wait3A = arith.constant 0 : i32
      %dma_wait3A_143 = tpu.memref_slice %arg11[%add3A_99, %dma_wait3A] : memref<5632x128xf32, #tpu.memory_space<vmem_shared>> -> memref<32x128xf32, #tpu.memory_space<vmem_shared>>
      %dma_wait3A_144 = arith.constant 0 : i32
      %dma_wait3A_145 = tpu.memref_slice %arg11[%add3A_99, %dma_wait3A_144] : memref<5632x128xf32, #tpu.memory_space<vmem_shared>> -> memref<32x128xf32, #tpu.memory_space<vmem_shared>>
      tpu.wait_dma2 semaphore(%run_scoped3A_138 : memref<!tpu.dma_semaphore, #tpu.memory_space<semaphore_mem>>) src(%arg10 : memref<32x128xf32, #tpu.memory_space<vmem>>) dst(%dma_wait3A_145 : memref<32x128xf32, #tpu.memory_space<vmem_shared>>)
      tpu.yield
    }) : () -> ()
    %mul3A_100 = arith.constant 352 : i32
    %mul3A_101 = arith.muli %arg1, %mul3A_100 : i32
    %add3A_102 = arith.constant 224 : i32
    %add3A_103 = arith.addi %mul3A_101, %add3A_102 : i32
    "tpu.region"() ({
      %run_scoped3A_138 = tpu.sem_alloc : memref<!tpu.dma_semaphore, #tpu.memory_space<semaphore_mem>>
      %dma_start3A_139 = arith.constant 0 : i32
      %dma_start3A_140 = tpu.memref_slice %arg11[%add3A_103, %dma_start3A_139] : memref<5632x128xf32, #tpu.memory_space<vmem_shared>> -> memref<32x128xf32, #tpu.memory_space<vmem_shared>>
      %dma_start3A_141 = arith.constant 0 : i32
      %dma_start3A_142 = tpu.memref_slice %arg11[%add3A_103, %dma_start3A_141] : memref<5632x128xf32, #tpu.memory_space<vmem_shared>> -> memref<32x128xf32, #tpu.memory_space<vmem_shared>>
      tpu.enqueue_dma source(%arg10 : memref<32x128xf32, #tpu.memory_space<vmem>>) target(%dma_start3A_142 : memref<32x128xf32, #tpu.memory_space<vmem_shared>>) target_semaphore(%run_scoped3A_138 : memref<!tpu.dma_semaphore, #tpu.memory_space<semaphore_mem>>)
      %dma_wait3A = arith.constant 0 : i32
      %dma_wait3A_143 = tpu.memref_slice %arg11[%add3A_103, %dma_wait3A] : memref<5632x128xf32, #tpu.memory_space<vmem_shared>> -> memref<32x128xf32, #tpu.memory_space<vmem_shared>>
      %dma_wait3A_144 = arith.constant 0 : i32
      %dma_wait3A_145 = tpu.memref_slice %arg11[%add3A_103, %dma_wait3A_144] : memref<5632x128xf32, #tpu.memory_space<vmem_shared>> -> memref<32x128xf32, #tpu.memory_space<vmem_shared>>
      tpu.wait_dma2 semaphore(%run_scoped3A_138 : memref<!tpu.dma_semaphore, #tpu.memory_space<semaphore_mem>>) src(%arg10 : memref<32x128xf32, #tpu.memory_space<vmem>>) dst(%dma_wait3A_145 : memref<32x128xf32, #tpu.memory_space<vmem_shared>>)
      tpu.yield
    }) : () -> ()
    %mul3A_104 = arith.constant 352 : i32
    %mul3A_105 = arith.muli %arg1, %mul3A_104 : i32
    %add3A_106 = arith.constant 256 : i32
    %add3A_107 = arith.addi %mul3A_105, %add3A_106 : i32
    "tpu.region"() ({
      %run_scoped3A_138 = tpu.sem_alloc : memref<!tpu.dma_semaphore, #tpu.memory_space<semaphore_mem>>
      %dma_start3A_139 = arith.constant 0 : i32
      %dma_start3A_140 = tpu.memref_slice %arg11[%add3A_107, %dma_start3A_139] : memref<5632x128xf32, #tpu.memory_space<vmem_shared>> -> memref<32x128xf32, #tpu.memory_space<vmem_shared>>
      %dma_start3A_141 = arith.constant 0 : i32
      %dma_start3A_142 = tpu.memref_slice %arg11[%add3A_107, %dma_start3A_141] : memref<5632x128xf32, #tpu.memory_space<vmem_shared>> -> memref<32x128xf32, #tpu.memory_space<vmem_shared>>
      tpu.enqueue_dma source(%arg10 : memref<32x128xf32, #tpu.memory_space<vmem>>) target(%dma_start3A_142 : memref<32x128xf32, #tpu.memory_space<vmem_shared>>) target_semaphore(%run_scoped3A_138 : memref<!tpu.dma_semaphore, #tpu.memory_space<semaphore_mem>>)
      %dma_wait3A = arith.constant 0 : i32
      %dma_wait3A_143 = tpu.memref_slice %arg11[%add3A_107, %dma_wait3A] : memref<5632x128xf32, #tpu.memory_space<vmem_shared>> -> memref<32x128xf32, #tpu.memory_space<vmem_shared>>
      %dma_wait3A_144 = arith.constant 0 : i32
      %dma_wait3A_145 = tpu.memref_slice %arg11[%add3A_107, %dma_wait3A_144] : memref<5632x128xf32, #tpu.memory_space<vmem_shared>> -> memref<32x128xf32, #tpu.memory_space<vmem_shared>>
      tpu.wait_dma2 semaphore(%run_scoped3A_138 : memref<!tpu.dma_semaphore, #tpu.memory_space<semaphore_mem>>) src(%arg10 : memref<32x128xf32, #tpu.memory_space<vmem>>) dst(%dma_wait3A_145 : memref<32x128xf32, #tpu.memory_space<vmem_shared>>)
      tpu.yield
    }) : () -> ()
    %mul3A_108 = arith.constant 352 : i32
    %mul3A_109 = arith.muli %arg1, %mul3A_108 : i32
    %add3A_110 = arith.constant 288 : i32
    %add3A_111 = arith.addi %mul3A_109, %add3A_110 : i32
    "tpu.region"() ({
      %run_scoped3A_138 = tpu.sem_alloc : memref<!tpu.dma_semaphore, #tpu.memory_space<semaphore_mem>>
      %dma_start3A_139 = arith.constant 0 : i32
      %dma_start3A_140 = tpu.memref_slice %arg11[%add3A_111, %dma_start3A_139] : memref<5632x128xf32, #tpu.memory_space<vmem_shared>> -> memref<32x128xf32, #tpu.memory_space<vmem_shared>>
      %dma_start3A_141 = arith.constant 0 : i32
      %dma_start3A_142 = tpu.memref_slice %arg11[%add3A_111, %dma_start3A_141] : memref<5632x128xf32, #tpu.memory_space<vmem_shared>> -> memref<32x128xf32, #tpu.memory_space<vmem_shared>>
      tpu.enqueue_dma source(%arg10 : memref<32x128xf32, #tpu.memory_space<vmem>>) target(%dma_start3A_142 : memref<32x128xf32, #tpu.memory_space<vmem_shared>>) target_semaphore(%run_scoped3A_138 : memref<!tpu.dma_semaphore, #tpu.memory_space<semaphore_mem>>)
      %dma_wait3A = arith.constant 0 : i32
      %dma_wait3A_143 = tpu.memref_slice %arg11[%add3A_111, %dma_wait3A] : memref<5632x128xf32, #tpu.memory_space<vmem_shared>> -> memref<32x128xf32, #tpu.memory_space<vmem_shared>>
      %dma_wait3A_144 = arith.constant 0 : i32
      %dma_wait3A_145 = tpu.memref_slice %arg11[%add3A_111, %dma_wait3A_144] : memref<5632x128xf32, #tpu.memory_space<vmem_shared>> -> memref<32x128xf32, #tpu.memory_space<vmem_shared>>
      tpu.wait_dma2 semaphore(%run_scoped3A_138 : memref<!tpu.dma_semaphore, #tpu.memory_space<semaphore_mem>>) src(%arg10 : memref<32x128xf32, #tpu.memory_space<vmem>>) dst(%dma_wait3A_145 : memref<32x128xf32, #tpu.memory_space<vmem_shared>>)
      tpu.yield
    }) : () -> ()
    %mul3A_112 = arith.constant 352 : i32
    %mul3A_113 = arith.muli %arg1, %mul3A_112 : i32
    %add3A_114 = arith.constant 320 : i32
    %add3A_115 = arith.addi %mul3A_113, %add3A_114 : i32
    "tpu.region"() ({
      %run_scoped3A_138 = tpu.sem_alloc : memref<!tpu.dma_semaphore, #tpu.memory_space<semaphore_mem>>
      %dma_start3A_139 = arith.constant 0 : i32
      %dma_start3A_140 = tpu.memref_slice %arg11[%add3A_115, %dma_start3A_139] : memref<5632x128xf32, #tpu.memory_space<vmem_shared>> -> memref<32x128xf32, #tpu.memory_space<vmem_shared>>
      %dma_start3A_141 = arith.constant 0 : i32
      %dma_start3A_142 = tpu.memref_slice %arg11[%add3A_115, %dma_start3A_141] : memref<5632x128xf32, #tpu.memory_space<vmem_shared>> -> memref<32x128xf32, #tpu.memory_space<vmem_shared>>
      tpu.enqueue_dma source(%arg10 : memref<32x128xf32, #tpu.memory_space<vmem>>) target(%dma_start3A_142 : memref<32x128xf32, #tpu.memory_space<vmem_shared>>) target_semaphore(%run_scoped3A_138 : memref<!tpu.dma_semaphore, #tpu.memory_space<semaphore_mem>>)
      %dma_wait3A = arith.constant 0 : i32
      %dma_wait3A_143 = tpu.memref_slice %arg11[%add3A_115, %dma_wait3A] : memref<5632x128xf32, #tpu.memory_space<vmem_shared>> -> memref<32x128xf32, #tpu.memory_space<vmem_shared>>
      %dma_wait3A_144 = arith.constant 0 : i32
      %dma_wait3A_145 = tpu.memref_slice %arg11[%add3A_115, %dma_wait3A_144] : memref<5632x128xf32, #tpu.memory_space<vmem_shared>> -> memref<32x128xf32, #tpu.memory_space<vmem_shared>>
      tpu.wait_dma2 semaphore(%run_scoped3A_138 : memref<!tpu.dma_semaphore, #tpu.memory_space<semaphore_mem>>) src(%arg10 : memref<32x128xf32, #tpu.memory_space<vmem>>) dst(%dma_wait3A_145 : memref<32x128xf32, #tpu.memory_space<vmem_shared>>)
      tpu.yield
    }) : () -> ()
    %barrier3A_116 = arith.constant 0 : index
    tpu.barrier barrier_id(%barrier3A_116)
    %dma_start3A_117 = arith.constant 0 : i32
    %dma_start3A_118 = arith.constant 0 : i32
    %dma_start3A_119 = tpu.memref_slice %arg5[%dma_start3A_117, %dma_start3A_118] : memref<40x128xi32, #tpu.memory_space<vmem>> -> memref<1x128xi32, #tpu.memory_space<vmem>>
    %dma_start3A_120 = tpu.memref_squeeze %dma_start3A_119 : memref<1x128xi32, #tpu.memory_space<vmem>> -> memref<128xi32, #tpu.memory_space<vmem>>
    %dma_start3A_121 = arith.constant 0 : i32
    %dma_start3A_122 = arith.constant 0 : i32
    %dma_start3A_123 = tpu.memref_slice %arg2[%dma_start3A_121, %dma_start3A_122] : memref<10240x128xf32, #tpu.memory_space<hbm>> -> memref<10240x128xf32, #tpu.memory_space<hbm>>
    tpu.enqueue_indirect_dma source(%dma_start3A_123 : memref<10240x128xf32, #tpu.memory_space<hbm>>) target(%arg8 : memref<128x128xf32, #tpu.memory_space<vmem>>) offsets(%dma_start3A_120 : memref<128xi32, #tpu.memory_space<vmem>>) semaphore(%arg12 : memref<!tpu.dma_semaphore, #tpu.memory_space<semaphore_mem>>)
    %scan3A_124 = arith.constant 0 : i32
    %scan3A_125 = arith.constant 0 : i32
    %scan3A_126 = arith.constant 20 : i32
    %scan3A_127 = arith.addi %scan3A_125, %scan3A_126 : i32
    %scan3A_128 = arith.constant 1 : i32
    scf.for %scan3A_138 = %scan3A_125 to %scan3A_127 step %scan3A_128  : i32 {
      %mul3A_139 = arith.constant 2 : i32
      %mul3A_140 = arith.muli %mul3A_139, %scan3A_138 : i32
      %add3A_141 = arith.constant 1 : i32
      %add3A_142 = arith.addi %mul3A_140, %add3A_141 : i32
      %dma_start3A_143 = arith.constant 0 : i32
      %dma_start3A_144 = tpu.memref_slice %arg5[%add3A_142, %dma_start3A_143] : memref<40x128xi32, #tpu.memory_space<vmem>> -> memref<1x128xi32, #tpu.memory_space<vmem>>
      %dma_start3A_145 = tpu.memref_squeeze %dma_start3A_144 : memref<1x128xi32, #tpu.memory_space<vmem>> -> memref<128xi32, #tpu.memory_space<vmem>>
      %dma_start3A_146 = arith.constant 0 : i32
      %dma_start3A_147 = arith.constant 0 : i32
      %dma_start3A_148 = tpu.memref_slice %arg2[%dma_start3A_146, %dma_start3A_147] : memref<10240x128xf32, #tpu.memory_space<hbm>> -> memref<10240x128xf32, #tpu.memory_space<hbm>>
      tpu.enqueue_indirect_dma source(%dma_start3A_148 : memref<10240x128xf32, #tpu.memory_space<hbm>>) target(%arg9 : memref<128x128xf32, #tpu.memory_space<vmem>>) offsets(%dma_start3A_145 : memref<128xi32, #tpu.memory_space<vmem>>) semaphore(%arg13 : memref<!tpu.dma_semaphore, #tpu.memory_space<semaphore_mem>>)
      %dma_wait3A = arith.constant 0 : i32
      %dma_wait3A_149 = tpu.memref_slice %arg5[%mul3A_140, %dma_wait3A] : memref<40x128xi32, #tpu.memory_space<vmem>> -> memref<1x128xi32, #tpu.memory_space<vmem>>
      %dma_wait3A_150 = tpu.memref_squeeze %dma_wait3A_149 : memref<1x128xi32, #tpu.memory_space<vmem>> -> memref<128xi32, #tpu.memory_space<vmem>>
      %dma_wait3A_151 = arith.constant 0 : i32
      %dma_wait3A_152 = arith.constant 0 : i32
      %dma_wait3A_153 = tpu.memref_slice %arg2[%dma_wait3A_151, %dma_wait3A_152] : memref<10240x128xf32, #tpu.memory_space<hbm>> -> memref<10240x128xf32, #tpu.memory_space<hbm>>
      tpu.wait_indirect_dma semaphore(%arg12 : memref<!tpu.dma_semaphore, #tpu.memory_space<semaphore_mem>>) src(%dma_wait3A_153 : memref<10240x128xf32, #tpu.memory_space<hbm>>) dst(%arg8 : memref<128x128xf32, #tpu.memory_space<vmem>>)
      "tpu.region"() ({
        %run_scoped3A_166 = tpu.sem_alloc : memref<!tpu.dma_semaphore, #tpu.memory_space<semaphore_mem>>
        %dma_start3A_167 = arith.constant 0 : i32
        %dma_start3A_168 = tpu.memref_slice %arg7[%mul3A_140, %dma_start3A_167] : memref<40x128xi32, #tpu.memory_space<vmem>> -> memref<1x128xi32, #tpu.memory_space<vmem>>
        %dma_start3A_169 = tpu.memref_squeeze %dma_start3A_168 : memref<1x128xi32, #tpu.memory_space<vmem>> -> memref<128xi32, #tpu.memory_space<vmem>>
        %dma_start3A_170 = arith.constant 0 : i32
        %dma_start3A_171 = arith.constant 0 : i32
        %dma_start3A_172 = tpu.memref_slice %arg11[%dma_start3A_170, %dma_start3A_171] : memref<5632x128xf32, #tpu.memory_space<vmem_shared>> -> memref<5632x128xf32, #tpu.memory_space<vmem_shared>>
        tpu.enqueue_indirect_dma source(%arg8 : memref<128x128xf32, #tpu.memory_space<vmem>>) target(%dma_start3A_172 : memref<5632x128xf32, #tpu.memory_space<vmem_shared>>) offsets(%dma_start3A_169 : memref<128xi32, #tpu.memory_space<vmem>>) semaphore(%run_scoped3A_166 : memref<!tpu.dma_semaphore, #tpu.memory_space<semaphore_mem>>) {add = true}
        %dma_wait3A_173 = arith.constant 0 : i32
        %dma_wait3A_174 = tpu.memref_slice %arg7[%mul3A_140, %dma_wait3A_173] : memref<40x128xi32, #tpu.memory_space<vmem>> -> memref<1x128xi32, #tpu.memory_space<vmem>>
        %dma_wait3A_175 = tpu.memref_squeeze %dma_wait3A_174 : memref<1x128xi32, #tpu.memory_space<vmem>> -> memref<128xi32, #tpu.memory_space<vmem>>
        %dma_wait3A_176 = arith.constant 0 : i32
        %dma_wait3A_177 = arith.constant 0 : i32
        %dma_wait3A_178 = tpu.memref_slice %arg11[%dma_wait3A_176, %dma_wait3A_177] : memref<5632x128xf32, #tpu.memory_space<vmem_shared>> -> memref<5632x128xf32, #tpu.memory_space<vmem_shared>>
        tpu.wait_indirect_dma semaphore(%run_scoped3A_166 : memref<!tpu.dma_semaphore, #tpu.memory_space<semaphore_mem>>) src(%arg8 : memref<128x128xf32, #tpu.memory_space<vmem>>) dst(%dma_wait3A_178 : memref<5632x128xf32, #tpu.memory_space<vmem_shared>>)
        tpu.yield
      }) : () -> ()
      %lt3A = arith.constant 19 : i32
      %lt3A_154 = arith.cmpi slt, %scan3A_138, %lt3A : i32
      %convert_element_type3A = arith.extui %lt3A_154 : i1 to i32
      %cond3A = arith.constant 0 : i32
      %cond3A_155 = arith.cmpi ne, %convert_element_type3A, %cond3A : i32
      scf.if %cond3A_155 {
        %add3A_166 = arith.constant 2 : i32
        %add3A_167 = arith.addi %mul3A_140, %add3A_166 : i32
        %dma_start3A_168 = arith.constant 0 : i32
        %dma_start3A_169 = tpu.memref_slice %arg5[%add3A_167, %dma_start3A_168] : memref<40x128xi32, #tpu.memory_space<vmem>> -> memref<1x128xi32, #tpu.memory_space<vmem>>
        %dma_start3A_170 = tpu.memref_squeeze %dma_start3A_169 : memref<1x128xi32, #tpu.memory_space<vmem>> -> memref<128xi32, #tpu.memory_space<vmem>>
        %dma_start3A_171 = arith.constant 0 : i32
        %dma_start3A_172 = arith.constant 0 : i32
        %dma_start3A_173 = tpu.memref_slice %arg2[%dma_start3A_171, %dma_start3A_172] : memref<10240x128xf32, #tpu.memory_space<hbm>> -> memref<10240x128xf32, #tpu.memory_space<hbm>>
        tpu.enqueue_indirect_dma source(%dma_start3A_173 : memref<10240x128xf32, #tpu.memory_space<hbm>>) target(%arg8 : memref<128x128xf32, #tpu.memory_space<vmem>>) offsets(%dma_start3A_170 : memref<128xi32, #tpu.memory_space<vmem>>) semaphore(%arg12 : memref<!tpu.dma_semaphore, #tpu.memory_space<semaphore_mem>>)
      } else {
      }
      %add3A_156 = arith.constant 1 : i32
      %add3A_157 = arith.addi %mul3A_140, %add3A_156 : i32
      %dma_wait3A_158 = arith.constant 0 : i32
      %dma_wait3A_159 = tpu.memref_slice %arg5[%add3A_157, %dma_wait3A_158] : memref<40x128xi32, #tpu.memory_space<vmem>> -> memref<1x128xi32, #tpu.memory_space<vmem>>
      %dma_wait3A_160 = tpu.memref_squeeze %dma_wait3A_159 : memref<1x128xi32, #tpu.memory_space<vmem>> -> memref<128xi32, #tpu.memory_space<vmem>>
      %dma_wait3A_161 = arith.constant 0 : i32
      %dma_wait3A_162 = arith.constant 0 : i32
      %dma_wait3A_163 = tpu.memref_slice %arg2[%dma_wait3A_161, %dma_wait3A_162] : memref<10240x128xf32, #tpu.memory_space<hbm>> -> memref<10240x128xf32, #tpu.memory_space<hbm>>
      tpu.wait_indirect_dma semaphore(%arg13 : memref<!tpu.dma_semaphore, #tpu.memory_space<semaphore_mem>>) src(%dma_wait3A_163 : memref<10240x128xf32, #tpu.memory_space<hbm>>) dst(%arg9 : memref<128x128xf32, #tpu.memory_space<vmem>>)
      %add3A_164 = arith.constant 1 : i32
      %add3A_165 = arith.addi %mul3A_140, %add3A_164 : i32
      "tpu.region"() ({
        %run_scoped3A_166 = tpu.sem_alloc : memref<!tpu.dma_semaphore, #tpu.memory_space<semaphore_mem>>
        %dma_start3A_167 = arith.constant 0 : i32
        %dma_start3A_168 = tpu.memref_slice %arg7[%add3A_165, %dma_start3A_167] : memref<40x128xi32, #tpu.memory_space<vmem>> -> memref<1x128xi32, #tpu.memory_space<vmem>>
        %dma_start3A_169 = tpu.memref_squeeze %dma_start3A_168 : memref<1x128xi32, #tpu.memory_space<vmem>> -> memref<128xi32, #tpu.memory_space<vmem>>
        %dma_start3A_170 = arith.constant 0 : i32
        %dma_start3A_171 = arith.constant 0 : i32
        %dma_start3A_172 = tpu.memref_slice %arg11[%dma_start3A_170, %dma_start3A_171] : memref<5632x128xf32, #tpu.memory_space<vmem_shared>> -> memref<5632x128xf32, #tpu.memory_space<vmem_shared>>
        tpu.enqueue_indirect_dma source(%arg9 : memref<128x128xf32, #tpu.memory_space<vmem>>) target(%dma_start3A_172 : memref<5632x128xf32, #tpu.memory_space<vmem_shared>>) offsets(%dma_start3A_169 : memref<128xi32, #tpu.memory_space<vmem>>) semaphore(%run_scoped3A_166 : memref<!tpu.dma_semaphore, #tpu.memory_space<semaphore_mem>>) {add = true}
        %dma_wait3A_173 = arith.constant 0 : i32
        %dma_wait3A_174 = tpu.memref_slice %arg7[%add3A_165, %dma_wait3A_173] : memref<40x128xi32, #tpu.memory_space<vmem>> -> memref<1x128xi32, #tpu.memory_space<vmem>>
        %dma_wait3A_175 = tpu.memref_squeeze %dma_wait3A_174 : memref<1x128xi32, #tpu.memory_space<vmem>> -> memref<128xi32, #tpu.memory_space<vmem>>
        %dma_wait3A_176 = arith.constant 0 : i32
        %dma_wait3A_177 = arith.constant 0 : i32
        %dma_wait3A_178 = tpu.memref_slice %arg11[%dma_wait3A_176, %dma_wait3A_177] : memref<5632x128xf32, #tpu.memory_space<vmem_shared>> -> memref<5632x128xf32, #tpu.memory_space<vmem_shared>>
        tpu.wait_indirect_dma semaphore(%run_scoped3A_166 : memref<!tpu.dma_semaphore, #tpu.memory_space<semaphore_mem>>) src(%arg9 : memref<128x128xf32, #tpu.memory_space<vmem>>) dst(%dma_wait3A_178 : memref<5632x128xf32, #tpu.memory_space<vmem_shared>>)
        tpu.yield
      }) : () -> ()
    }
    %scan3A_129 = arith.constant 20 : i32
    %barrier3A_130 = arith.constant 0 : index
    tpu.barrier barrier_id(%barrier3A_130)
    %mul3A_131 = arith.constant 320 : i32
    %mul3A_132 = arith.muli %arg1, %mul3A_131 : i32
    %mul3A_133 = arith.constant 320 : i32
    %mul3A_134 = arith.muli %arg1, %mul3A_133 : i32
    %add3A_135 = arith.constant 5120 : i32
    %add3A_136 = arith.addi %add3A_135, %mul3A_134 : i32
    "tpu.region"() ({
      %run_scoped3A_138 = tpu.sem_alloc : memref<!tpu.dma_semaphore, #tpu.memory_space<semaphore_mem>>
      %dma_start3A_139 = arith.constant 0 : i32
      %dma_start3A_140 = tpu.memref_slice %arg4[%arg0, %add3A_136, %dma_start3A_139] : memref<2x10240x128xf32, #tpu.memory_space<hbm>> -> memref<1x320x128xf32, #tpu.memory_space<hbm>>
      %dma_start3A_141 = tpu.memref_squeeze %dma_start3A_140 : memref<1x320x128xf32, #tpu.memory_space<hbm>> -> memref<320x128xf32, #tpu.memory_space<hbm>>
      %dma_start3A_142 = arith.constant 0 : i32
      %dma_start3A_143 = tpu.memref_slice %arg11[%mul3A_132, %dma_start3A_142] : memref<5632x128xf32, #tpu.memory_space<vmem_shared>> -> memref<320x128xf32, #tpu.memory_space<vmem_shared>>
      tpu.enqueue_dma source(%dma_start3A_143 : memref<320x128xf32, #tpu.memory_space<vmem_shared>>) target(%dma_start3A_141 : memref<320x128xf32, #tpu.memory_space<hbm>>) target_semaphore(%run_scoped3A_138 : memref<!tpu.dma_semaphore, #tpu.memory_space<semaphore_mem>>)
      %dma_wait3A = arith.constant 0 : i32
      %dma_wait3A_144 = tpu.memref_slice %arg4[%arg0, %add3A_136, %dma_wait3A] : memref<2x10240x128xf32, #tpu.memory_space<hbm>> -> memref<1x320x128xf32, #tpu.memory_space<hbm>>
      %dma_wait3A_145 = tpu.memref_squeeze %dma_wait3A_144 : memref<1x320x128xf32, #tpu.memory_space<hbm>> -> memref<320x128xf32, #tpu.memory_space<hbm>>
      %dma_wait3A_146 = arith.constant 0 : i32
      %dma_wait3A_147 = tpu.memref_slice %arg11[%mul3A_132, %dma_wait3A_146] : memref<5632x128xf32, #tpu.memory_space<vmem_shared>> -> memref<320x128xf32, #tpu.memory_space<vmem_shared>>
      tpu.wait_dma2 semaphore(%run_scoped3A_138 : memref<!tpu.dma_semaphore, #tpu.memory_space<semaphore_mem>>) src(%dma_wait3A_147 : memref<320x128xf32, #tpu.memory_space<vmem_shared>>) dst(%dma_wait3A_145 : memref<320x128xf32, #tpu.memory_space<hbm>>)
      tpu.yield
    }) : () -> ()
    %barrier3A_137 = arith.constant 0 : index
    tpu.barrier barrier_id(%barrier3A_137)
    return
  }
}

module attributes {stable_mosaic.version = 14 : i64} {
  func.func @body(%arg0: i32, %arg1: memref<2048x2xf32, #tpu.memory_space<vmem>>, %arg2: memref<2048x256xf32, #tpu.memory_space<vmem>>, %arg3: memref<2x2048x128xf32, #tpu.memory_space<vmem>>, %arg4: memref<2048x2xf32, #tpu.memory_space<vmem>>) attributes {dimension_semantics = [#tpu.dimension_semantics<arbitrary>], iteration_bounds = array<i64: 5>, scalar_prefetch = 0 : i64, scratch_operands = 0 : i64, tpu.core_type = #tpu.core_type<tc>, window_params = [{transform_indices = @transform_0, window_bounds = array<i64: 2048, 2>}, {transform_indices = @transform_1, window_bounds = array<i64: 2048, 256>}, {transform_indices = @transform_2, window_bounds = array<i64: 2, 2048, 128>}, {transform_indices = @transform_3, window_bounds = array<i64: 2048, 2>}]} {
    %get3A = arith.constant 0 : index
    %get3A_0 = arith.constant 0 : index
    %get3A_1 = vector.load %arg1[%get3A, %get3A_0] : memref<2048x2xf32, #tpu.memory_space<vmem>>, vector<2048x2xf32>
    %gt3A = arith.constant 0.000000e+00 : f32
    %gt3A_2 = vector.broadcast %gt3A : f32 to vector<2048x2xf32>
    %gt3A_3 = arith.cmpf ogt, %get3A_1, %gt3A_2 : vector<2048x2xf32>
    %max3A = arith.constant 1.000000e+00 : f32
    %max3A_4 = vector.broadcast %max3A : f32 to vector<2048x2xf32>
    %max3A_5 = arith.maximumf %get3A_1, %max3A_4 : vector<2048x2xf32>
    %rsqrt3A = math.rsqrt %max3A_5 : vector<2048x2xf32>
    %jit3A = arith.constant 0.000000e+00 : f32
    %broadcast_in_dim3A = vector.broadcast %jit3A : f32 to vector<2048x2xf32>
    %select_n3A = arith.select %gt3A_3, %rsqrt3A, %broadcast_in_dim3A : vector<2048x2xi1>, vector<2048x2xf32>
    %swap3A = arith.constant 0 : index
    %swap3A_6 = arith.constant 0 : index
    %swap3A_7 = vector.load %arg4[%swap3A, %swap3A_6] : memref<2048x2xf32, #tpu.memory_space<vmem>>, vector<2048x2xf32>
    tpu.vector_store %arg4[%swap3A, %swap3A_6], %select_n3A {strides = array<i32>} : memref<2048x2xf32, #tpu.memory_space<vmem>>, vector<2048x2xf32>,
    %slice3A = vector.extract_strided_slice %select_n3A {offsets = [0, 0], sizes = [2048, 1], strides = [1, 1]} : vector<2048x2xf32> to vector<2048x1xf32>
    %get3A_8 = arith.constant 0 : index
    %get3A_9 = arith.constant 0 : index
    %get3A_10 = vector.load %arg2[%get3A_8, %get3A_9] : memref<2048x256xf32, #tpu.memory_space<vmem>>, vector<2048x256xf32>
    %slice3A_11 = vector.extract_strided_slice %get3A_10 {offsets = [0, 0], sizes = [2048, 128], strides = [1, 1]} : vector<2048x256xf32> to vector<2048x128xf32>
    %mul3A = vector.broadcast %slice3A : vector<2048x1xf32> to vector<2048x128xf32>
    %mul3A_12 = arith.mulf %slice3A_11, %mul3A : vector<2048x128xf32>
    %swap3A_13 = arith.constant 0 : index
    %swap3A_14 = arith.constant 0 : index
    %swap3A_15 = arith.constant 0 : index
    %swap3A_16 = vector.load %arg3[%swap3A_13, %swap3A_14, %swap3A_15] : memref<2x2048x128xf32, #tpu.memory_space<vmem>>, vector<1x2048x128xf32>
    %swap3A_17 = vector.shape_cast %swap3A_16 : vector<1x2048x128xf32> to vector<2048x128xf32>
    %swap3A_18 = vector.shape_cast %mul3A_12 : vector<2048x128xf32> to vector<1x2048x128xf32>
    tpu.vector_store %arg3[%swap3A_13, %swap3A_14, %swap3A_15], %swap3A_18 {strides = array<i32>} : memref<2x2048x128xf32, #tpu.memory_space<vmem>>, vector<1x2048x128xf32>,
    %slice3A_19 = vector.extract_strided_slice %get3A_10 {offsets = [0, 128], sizes = [2048, 128], strides = [1, 1]} : vector<2048x256xf32> to vector<2048x128xf32>
    %mul3A_20 = vector.broadcast %slice3A : vector<2048x1xf32> to vector<2048x128xf32>
    %mul3A_21 = arith.mulf %slice3A_19, %mul3A_20 : vector<2048x128xf32>
    %swap3A_22 = arith.constant 1 : index
    %swap3A_23 = arith.constant 0 : index
    %swap3A_24 = arith.constant 0 : index
    %swap3A_25 = vector.load %arg3[%swap3A_22, %swap3A_23, %swap3A_24] : memref<2x2048x128xf32, #tpu.memory_space<vmem>>, vector<1x2048x128xf32>
    %swap3A_26 = vector.shape_cast %swap3A_25 : vector<1x2048x128xf32> to vector<2048x128xf32>
    %swap3A_27 = vector.shape_cast %mul3A_21 : vector<2048x128xf32> to vector<1x2048x128xf32>
    tpu.vector_store %arg3[%swap3A_22, %swap3A_23, %swap3A_24], %swap3A_27 {strides = array<i32>} : memref<2x2048x128xf32, #tpu.memory_space<vmem>>, vector<1x2048x128xf32>,
    return
  }
  func.func @transform_0(%arg0: i32) -> (i32, i32) {
    %c0_i32 = arith.constant 0 : i32
    %c0_i32_0 = arith.constant 0 : i32
    return %arg0, %c0_i32 : i32, i32
  }
  func.func @transform_1(%arg0: i32) -> (i32, i32) {
    %c0_i32 = arith.constant 0 : i32
    %c0_i32_0 = arith.constant 0 : i32
    return %arg0, %c0_i32 : i32, i32
  }
  func.func @transform_2(%arg0: i32) -> (i32, i32, i32) {
    %c0_i32 = arith.constant 0 : i32
    %c0_i32_0 = arith.constant 0 : i32
    %c0_i32_1 = arith.constant 0 : i32
    return %c0_i32, %arg0, %c0_i32_0 : i32, i32, i32
  }
  func.func @transform_3(%arg0: i32) -> (i32, i32) {
    %c0_i32 = arith.constant 0 : i32
    %c0_i32_0 = arith.constant 0 : i32
    return %arg0, %c0_i32 : i32, i32
  }
}

module attributes {stable_mosaic.version = 14 : i64} {
  func.func @body(%arg0: i32, %arg1: memref<2x2048x128xf32, #tpu.memory_space<vmem>>, %arg2: memref<2048x2xf32, #tpu.memory_space<vmem>>, %arg3: memref<128x256xf32, #tpu.memory_space<vmem>>, %arg4: memref<128x256xf32, #tpu.memory_space<vmem>>, %arg5: memref<1x256xf32, #tpu.memory_space<vmem>>, %arg6: memref<256x128xf32, #tpu.memory_space<vmem>>, %arg7: memref<2048x128xf32, #tpu.memory_space<vmem>>) attributes {dimension_semantics = [#tpu.dimension_semantics<arbitrary>], iteration_bounds = array<i64: 5>, scalar_prefetch = 0 : i64, scratch_operands = 0 : i64, tpu.core_type = #tpu.core_type<tc>, window_params = [{transform_indices = @transform_0, window_bounds = array<i64: 2, 2048, 128>}, {transform_indices = @transform_1, window_bounds = array<i64: 2048, 2>}, {pipeline_mode = #tpu.pipeline_mode<synchronous>, transform_indices = @transform_2, window_bounds = array<i64: 128, 256>}, {pipeline_mode = #tpu.pipeline_mode<synchronous>, transform_indices = @transform_3, window_bounds = array<i64: 128, 256>}, {pipeline_mode = #tpu.pipeline_mode<synchronous>, transform_indices = @transform_4, window_bounds = array<i64: 1, 256>}, {pipeline_mode = #tpu.pipeline_mode<synchronous>, transform_indices = @transform_5, window_bounds = array<i64: 256, 128>}, {transform_indices = @transform_6, window_bounds = array<i64: 2048, 128>}]} {
    %get3A = arith.constant 0 : index
    %get3A_0 = arith.constant 0 : index
    %get3A_1 = vector.load %arg2[%get3A, %get3A_0] : memref<2048x2xf32, #tpu.memory_space<vmem>>, vector<2048x2xf32>
    %slice3A = vector.extract_strided_slice %get3A_1 {offsets = [0, 0], sizes = [2048, 1], strides = [1, 1]} : vector<2048x2xf32> to vector<2048x1xf32>
    %slice3A_2 = vector.extract_strided_slice %get3A_1 {offsets = [0, 1], sizes = [2048, 1], strides = [1, 1]} : vector<2048x2xf32> to vector<2048x1xf32>
    %get3A_3 = arith.constant 0 : index
    %get3A_4 = arith.constant 0 : index
    %get3A_5 = arith.constant 0 : index
    %get3A_6 = vector.load %arg1[%get3A_3, %get3A_4, %get3A_5] : memref<2x2048x128xf32, #tpu.memory_space<vmem>>, vector<1x2048x128xf32>
    %get3A_7 = vector.shape_cast %get3A_6 : vector<1x2048x128xf32> to vector<2048x128xf32>
    %mul3A = vector.broadcast %slice3A_2 : vector<2048x1xf32> to vector<2048x128xf32>
    %mul3A_8 = arith.mulf %get3A_7, %mul3A : vector<2048x128xf32>
    %get3A_9 = arith.constant 0 : index
    %get3A_10 = arith.constant 0 : index
    %get3A_11 = vector.load %arg3[%get3A_9, %get3A_10] : memref<128x256xf32, #tpu.memory_space<vmem>>, vector<128x256xf32>
    %dot_general3A = arith.constant dense<0.000000e+00> : vector<2048x256xf32>
    %dot_general3A_12 = tpu.matmul %mul3A_8, %get3A_11, %dot_general3A {dimension_numbers = #tpu.dot_dimension_numbers<[1], [0], [0], [1], [0, 0, 1, 1], [], []>, transpose_lhs_hint = false} : vector<2048x128xf32>, vector<128x256xf32>, vector<2048x256xf32> -> vector<2048x256xf32>
    %get3A_13 = arith.constant 1 : index
    %get3A_14 = arith.constant 0 : index
    %get3A_15 = arith.constant 0 : index
    %get3A_16 = vector.load %arg1[%get3A_13, %get3A_14, %get3A_15] : memref<2x2048x128xf32, #tpu.memory_space<vmem>>, vector<1x2048x128xf32>
    %get3A_17 = vector.shape_cast %get3A_16 : vector<1x2048x128xf32> to vector<2048x128xf32>
    %mul3A_18 = vector.broadcast %slice3A_2 : vector<2048x1xf32> to vector<2048x128xf32>
    %mul3A_19 = arith.mulf %get3A_17, %mul3A_18 : vector<2048x128xf32>
    %get3A_20 = arith.constant 0 : index
    %get3A_21 = arith.constant 0 : index
    %get3A_22 = vector.load %arg4[%get3A_20, %get3A_21] : memref<128x256xf32, #tpu.memory_space<vmem>>, vector<128x256xf32>
    %dot_general3A_23 = arith.constant dense<0.000000e+00> : vector<2048x256xf32>
    %dot_general3A_24 = tpu.matmul %mul3A_19, %get3A_22, %dot_general3A_23 {dimension_numbers = #tpu.dot_dimension_numbers<[1], [0], [0], [1], [0, 0, 1, 1], [], []>, transpose_lhs_hint = false} : vector<2048x128xf32>, vector<128x256xf32>, vector<2048x256xf32> -> vector<2048x256xf32>
    %add3A = arith.addf %dot_general3A_12, %dot_general3A_24 : vector<2048x256xf32>
    %get3A_25 = arith.constant 0 : index
    %get3A_26 = arith.constant 0 : index
    %get3A_27 = vector.load %arg5[%get3A_25, %get3A_26] : memref<1x256xf32, #tpu.memory_space<vmem>>, vector<1x256xf32>
    %add3A_28 = vector.broadcast %get3A_27 : vector<1x256xf32> to vector<2048x256xf32>
    %add3A_29 = arith.addf %add3A, %add3A_28 : vector<2048x256xf32>
    %max3A = arith.constant 0.000000e+00 : f32
    %max3A_30 = vector.broadcast %max3A : f32 to vector<2048x256xf32>
    %max3A_31 = arith.maximumf %add3A_29, %max3A_30 : vector<2048x256xf32>
    %mul3A_32 = vector.broadcast %slice3A : vector<2048x1xf32> to vector<2048x256xf32>
    %mul3A_33 = arith.mulf %max3A_31, %mul3A_32 : vector<2048x256xf32>
    %get3A_34 = arith.constant 0 : index
    %get3A_35 = arith.constant 0 : index
    %get3A_36 = vector.load %arg6[%get3A_34, %get3A_35] : memref<256x128xf32, #tpu.memory_space<vmem>>, vector<256x128xf32>
    %dot_general3A_37 = arith.constant dense<0.000000e+00> : vector<2048x128xf32>
    %dot_general3A_38 = tpu.matmul %mul3A_33, %get3A_36, %dot_general3A_37 {dimension_numbers = #tpu.dot_dimension_numbers<[1], [0], [0], [1], [0, 0, 1, 1], [], []>, transpose_lhs_hint = false} : vector<2048x256xf32>, vector<256x128xf32>, vector<2048x128xf32> -> vector<2048x128xf32>
    %swap3A = arith.constant 0 : index
    %swap3A_39 = arith.constant 0 : index
    %swap3A_40 = vector.load %arg7[%swap3A, %swap3A_39] : memref<2048x128xf32, #tpu.memory_space<vmem>>, vector<2048x128xf32>
    tpu.vector_store %arg7[%swap3A, %swap3A_39], %dot_general3A_38 {strides = array<i32>} : memref<2048x128xf32, #tpu.memory_space<vmem>>, vector<2048x128xf32>,
    return
  }
  func.func @transform_0(%arg0: i32) -> (i32, i32, i32) {
    %c0_i32 = arith.constant 0 : i32
    %c0_i32_0 = arith.constant 0 : i32
    %c0_i32_1 = arith.constant 0 : i32
    return %c0_i32, %arg0, %c0_i32_0 : i32, i32, i32
  }
  func.func @transform_1(%arg0: i32) -> (i32, i32) {
    %c0_i32 = arith.constant 0 : i32
    %c0_i32_0 = arith.constant 0 : i32
    return %arg0, %c0_i32 : i32, i32
  }
  func.func @transform_2(%arg0: i32) -> (i32, i32) {
    %c0_i32 = arith.constant 0 : i32
    %c0_i32_0 = arith.constant 0 : i32
    %c0_i32_1 = arith.constant 0 : i32
    return %c0_i32, %c0_i32_0 : i32, i32
  }
  func.func @transform_3(%arg0: i32) -> (i32, i32) {
    %c0_i32 = arith.constant 0 : i32
    %c0_i32_0 = arith.constant 0 : i32
    %c0_i32_1 = arith.constant 0 : i32
    return %c0_i32, %c0_i32_0 : i32, i32
  }
  func.func @transform_4(%arg0: i32) -> (i32, i32) {
    %c0_i32 = arith.constant 0 : i32
    %c0_i32_0 = arith.constant 0 : i32
    %c0_i32_1 = arith.constant 0 : i32
    return %c0_i32, %c0_i32_0 : i32, i32
  }
  func.func @transform_5(%arg0: i32) -> (i32, i32) {
    %c0_i32 = arith.constant 0 : i32
    %c0_i32_0 = arith.constant 0 : i32
    %c0_i32_1 = arith.constant 0 : i32
    return %c0_i32, %c0_i32_0 : i32, i32
  }
  func.func @transform_6(%arg0: i32) -> (i32, i32) {
    %c0_i32 = arith.constant 0 : i32
    %c0_i32_0 = arith.constant 0 : i32
    return %arg0, %c0_i32 : i32, i32
  }
}

module attributes {stable_mosaic.version = 14 : i64} {
  func.func @body(%arg0: i32, %arg1: memref<2x2048x128xf32, #tpu.memory_space<vmem>>, %arg2: memref<2048x2xf32, #tpu.memory_space<vmem>>, %arg3: memref<1x128xf32, #tpu.memory_space<vmem>>, %arg4: memref<2048x128xf32, #tpu.memory_space<vmem>>) attributes {dimension_semantics = [#tpu.dimension_semantics<arbitrary>], iteration_bounds = array<i64: 5>, scalar_prefetch = 0 : i64, scratch_operands = 0 : i64, tpu.core_type = #tpu.core_type<tc>, window_params = [{transform_indices = @transform_0, window_bounds = array<i64: 2, 2048, 128>}, {transform_indices = @transform_1, window_bounds = array<i64: 2048, 2>}, {pipeline_mode = #tpu.pipeline_mode<synchronous>, transform_indices = @transform_2, window_bounds = array<i64: 1, 128>}, {transform_indices = @transform_3, window_bounds = array<i64: 2048, 128>}]} {
    %get3A = arith.constant 0 : index
    %get3A_0 = arith.constant 0 : index
    %get3A_1 = vector.load %arg2[%get3A, %get3A_0] : memref<2048x2xf32, #tpu.memory_space<vmem>>, vector<2048x2xf32>
    %slice3A = vector.extract_strided_slice %get3A_1 {offsets = [0, 1], sizes = [2048, 1], strides = [1, 1]} : vector<2048x2xf32> to vector<2048x1xf32>
    %get3A_2 = arith.constant 0 : index
    %get3A_3 = arith.constant 0 : index
    %get3A_4 = arith.constant 0 : index
    %get3A_5 = vector.load %arg1[%get3A_2, %get3A_3, %get3A_4] : memref<2x2048x128xf32, #tpu.memory_space<vmem>>, vector<1x2048x128xf32>
    %get3A_6 = vector.shape_cast %get3A_5 : vector<1x2048x128xf32> to vector<2048x128xf32>
    %get3A_7 = arith.constant 1 : index
    %get3A_8 = arith.constant 0 : index
    %get3A_9 = arith.constant 0 : index
    %get3A_10 = vector.load %arg1[%get3A_7, %get3A_8, %get3A_9] : memref<2x2048x128xf32, #tpu.memory_space<vmem>>, vector<1x2048x128xf32>
    %get3A_11 = vector.shape_cast %get3A_10 : vector<1x2048x128xf32> to vector<2048x128xf32>
    %add3A = arith.addf %get3A_6, %get3A_11 : vector<2048x128xf32>
    %mul3A = vector.broadcast %slice3A : vector<2048x1xf32> to vector<2048x128xf32>
    %mul3A_12 = arith.mulf %add3A, %mul3A : vector<2048x128xf32>
    %get3A_13 = arith.constant 0 : index
    %get3A_14 = arith.constant 0 : index
    %get3A_15 = vector.load %arg3[%get3A_13, %get3A_14] : memref<1x128xf32, #tpu.memory_space<vmem>>, vector<1x128xf32>
    %add3A_16 = vector.broadcast %get3A_15 : vector<1x128xf32> to vector<2048x128xf32>
    %add3A_17 = arith.addf %mul3A_12, %add3A_16 : vector<2048x128xf32>
    %swap3A = arith.constant 0 : index
    %swap3A_18 = arith.constant 0 : index
    %swap3A_19 = vector.load %arg4[%swap3A, %swap3A_18] : memref<2048x128xf32, #tpu.memory_space<vmem>>, vector<2048x128xf32>
    tpu.vector_store %arg4[%swap3A, %swap3A_18], %add3A_17 {strides = array<i32>} : memref<2048x128xf32, #tpu.memory_space<vmem>>, vector<2048x128xf32>,
    return
  }
  func.func @transform_0(%arg0: i32) -> (i32, i32, i32) {
    %c0_i32 = arith.constant 0 : i32
    %c0_i32_0 = arith.constant 0 : i32
    %c0_i32_1 = arith.constant 0 : i32
    return %c0_i32, %arg0, %c0_i32_0 : i32, i32, i32
  }
  func.func @transform_1(%arg0: i32) -> (i32, i32) {
    %c0_i32 = arith.constant 0 : i32
    %c0_i32_0 = arith.constant 0 : i32
    return %arg0, %c0_i32 : i32, i32
  }
  func.func @transform_2(%arg0: i32) -> (i32, i32) {
    %c0_i32 = arith.constant 0 : i32
    %c0_i32_0 = arith.constant 0 : i32
    %c0_i32_1 = arith.constant 0 : i32
    return %c0_i32, %c0_i32_0 : i32, i32
  }
  func.func @transform_3(%arg0: i32) -> (i32, i32) {
    %c0_i32 = arith.constant 0 : i32
    %c0_i32_0 = arith.constant 0 : i32
    return %arg0, %c0_i32 : i32, i32
  }
}

module attributes {stable_mosaic.version = 14 : i64} {
  func.func @body(%arg0: i32, %arg1: i32, %arg2: memref<2048x128xf32, #tpu.memory_space<vmem>>, %arg3: memref<2048x128xf32, #tpu.memory_space<vmem>>, %arg4: memref<2048x2048xf32, #tpu.memory_space<vmem>>) attributes {dimension_semantics = [#tpu.dimension_semantics<arbitrary>, #tpu.dimension_semantics<arbitrary>], iteration_bounds = array<i64: 5, 5>, scalar_prefetch = 0 : i64, scratch_operands = 0 : i64, tpu.core_type = #tpu.core_type<tc>, window_params = [{transform_indices = @transform_0, window_bounds = array<i64: 2048, 128>}, {transform_indices = @transform_1, window_bounds = array<i64: 2048, 128>}, {transform_indices = @transform_2, window_bounds = array<i64: 2048, 2048>}]} {
    %get3A = arith.constant 0 : index
    %get3A_0 = arith.constant 0 : index
    %get3A_1 = vector.load %arg2[%get3A, %get3A_0] : memref<2048x128xf32, #tpu.memory_space<vmem>>, vector<2048x128xf32>
    %get3A_2 = arith.constant 0 : index
    %get3A_3 = arith.constant 0 : index
    %get3A_4 = vector.load %arg3[%get3A_2, %get3A_3] : memref<2048x128xf32, #tpu.memory_space<vmem>>, vector<2048x128xf32>
    %dot_general3A = arith.constant dense<0.000000e+00> : vector<2048x2048xf32>
    %dot_general3A_5 = tpu.matmul %get3A_1, %get3A_4, %dot_general3A {dimension_numbers = #tpu.dot_dimension_numbers<[1], [1], [0], [0], [0, 0, 1, 0], [], []>, transpose_lhs_hint = false} : vector<2048x128xf32>, vector<2048x128xf32>, vector<2048x2048xf32> -> vector<2048x2048xf32>
    %swap3A = arith.constant 0 : index
    %swap3A_6 = arith.constant 0 : index
    %swap3A_7 = vector.load %arg4[%swap3A, %swap3A_6] : memref<2048x2048xf32, #tpu.memory_space<vmem>>, vector<2048x2048xf32>
    tpu.vector_store %arg4[%swap3A, %swap3A_6], %dot_general3A_5 {strides = array<i32>} : memref<2048x2048xf32, #tpu.memory_space<vmem>>, vector<2048x2048xf32>,
    return
  }
  func.func @transform_0(%arg0: i32, %arg1: i32) -> (i32, i32) {
    %c0_i32 = arith.constant 0 : i32
    %c0_i32_0 = arith.constant 0 : i32
    return %arg0, %c0_i32 : i32, i32
  }
  func.func @transform_1(%arg0: i32, %arg1: i32) -> (i32, i32) {
    %c0_i32 = arith.constant 0 : i32
    %c0_i32_0 = arith.constant 0 : i32
    return %arg1, %c0_i32 : i32, i32
  }
  func.func @transform_2(%arg0: i32, %arg1: i32) -> (i32, i32) {
    %c0_i32 = arith.constant 0 : i32
    return %arg0, %arg1 : i32, i32
  }
}

</mosaic_0001>

<sc_bundles>
// kernel: kernel.12.cloned.1.call-start
scs
__scs_entry_jumppad:
0x0: {  	(pc) =	sbr.rel $0x88, $3  }
0x1: {  	(tag) =	ssettag $0x0;
	lr =	simm.s32 $0x1  }
0x2: {  	[smem:$0x3F9B] =	sst lr;
	_ =	strace $0xD0000000  }
0x3: {  	_ = 	snop  }
0x4: {  	_ = 	snop  }
0x5: {  	_ = 	snop  }
0x6: {  	_ = 	snop  }
0x7: {  	_ = 	snop  }
__scs_overlays_trampoline_lowered:
0x8: {  	[smem:$0x3FAA] =	sst s0  }
0x9: {  	[smem:$0x3FAB] =	sst s1  }
0xa: {  	[smem:$0x3FAC] =	sst s2  }
0xb: {  	[smem:$0x3FAD] =	sst s3  }
0xc: {  	[smem:$0x3FAE] =	sst s4  }
0xd: {  	[smem:$0x3FAF] =	sst s5  }
0xe: {  	[smem:$0x3FB0] =	sst s6  }
0xf: {  	[smem:$0x3FB1] =	sst s7  }
0x10: {  	[smem:$0x3FB2] =	sst s8  }
0x11: {  	[smem:$0x3FB3] =	sst s9;
	s0 =	simm.s32 @!p0 $0x0  }
0x12: {  	s1 =	sld [smem:$0x3F99];
	s0 =	simm.s32 @p0 $0x1  }
0x13: {  	[smem:$0x3FB4] =	sst s0;
	s0 =	simm.s32 @!p1 $0x0  }
0x14: {  	s2 =	sld [smem:$0x3F98];
	s0 =	simm.s32 @p1 $0x1  }
0x15: {  	[smem:$0x3FB5] =	sst s0;
	s0 =	simm.s32 @!p2 $0x0  }
0x16: {  	s3 =	sld [smem:$0x3FDB];
	s0 =	simm.s32 @p2 $0x1  }
0x17: {  	s4 =	simm.s32 $0x1BF5;
	[smem:$0x3FB7] =	sst s0  }
0x18: {  	s0 =	sld [smem:$0x3F9A];
	_ =	swait.ge [sflag:s4], $0x0  }
0x19: {  	s7 =	sld [smem:$0x3F9B]  }
0x1a: {  	s8 =	sadd.s32 $0xFFFFE003, lr  }
0x1b: {  	s9 =	sadd.s32 $0xFFFFFEF7, lr;
	s5 =	simm.s32 $0xFFFFFFFF;
	p2 =	slt.u32 s8, $0xFFFFF086  }
0x1c: {  	p1 =	slt.u32 s9, $0xF7A;
	s5 =	simm.s32 @!p2 $0x0  }
0x1d: {  	s5 =	simm.s32 @p1 $0x1;
	p0 =	seq.s32 s7, s2  }
0x1e: {  	s7 =	smul.u32 @!p0 $0xF7A, s2;
	p2 =	seq.s32 @!p0 s5, $0x0  }
0x1f: {  	s9 =	smul.u32 $0xF7A, s1;
	s8 =	simm.s32 @!p0 $0x1BF5;
	p2 =	por !p2, p0  }
0x20: {  	[sflag:s8] =	ssyncset.s32 @!p0 $0xFFFFF086;
	s6 =	sadd.s32 @!p0 s3, s7;
	s7 =	simm.s32 @!p0 $0x108  }
0x21: {  	s3 =	sadd.s32 s3, s9;
	s6 =	sadd.s32 @!p0 $0x88, s6;
	s7 =	simm.s32 @p2 $0x1082  }
0x22: {  	[simem:s7], [sflag:s8] =	dma.local @!p0 [hbm:s6], $0xF7A  }
0x23: {  	s9 =	sor.u32 $0xD0000000, s2;
	s6 =	simm.s32 $0x108;
	_ =	swait.ge @!p0 [sflag:s8], $0x0  }
0x24: {  	s3 =	sadd.s32 $0x88, s3;
	s6 =	simm.s32 @!p1 $0x1082;
	[sflag:s4] =	ssyncset.s32 $0xFFFFF086  }
0x25: {  	[simem:s6], [sflag:s4] =	dma.local [hbm:s3], $0xF7A  }
0x26: {  	[smem:$0x3F9B] =	sst s1;
	(tag) =	ssettag s2;
	_ =	strace s9  }
0x27: {  	s1 =	sld [smem:$0x3FAB]  }
0x28: {  	s2 =	sld [smem:$0x3FAC]  }
0x29: {  	s4 =	sld [smem:$0x3FAE]  }
0x2a: {  	p0 =	seq.s32 s5, $0x0;
	s5 =	sld [smem:$0x3FAF]  }
0x2b: {  	s6 =	sld [smem:$0x3FB0]  }
0x2c: {  	s7 =	sld [smem:$0x3FB1]  }
0x2d: {  	s3 =	simm.s32 $0x108;
	s8 =	sld [smem:$0x3FB2]  }
0x2e: {  	s3 =	simm.s32 @!p0 $0x1082;
	s9 =	sld [smem:$0x3FB3]  }
0x2f: {  	lr =	sadd.s32 s0, s3;
	s0 =	sld [smem:$0x3FAA]  }
0x30: {  	s3 =	sld [smem:$0x3FAD]  }
0x31: {  	[smem:$0x3FB6] =	sst s10  }
0x32: {  	s10 =	sld [smem:$0x3FB4];
	_ =	sdelay $0x3  }
0x33: {  	p0 =	seq.s32 s10, $0x1;
	s10 =	sld [smem:$0x3FB6];
	_ =	sdelay $0x3  }
0x34: {  	[smem:$0x3FB6] =	sst s10  }
0x35: {  	s10 =	sld [smem:$0x3FB5];
	_ =	sdelay $0x3  }
0x36: {  	p1 =	seq.s32 s10, $0x1;
	s10 =	sld [smem:$0x3FB6];
	_ =	sdelay $0x3  }
0x37: {  	[smem:$0x3FB6] =	sst s10  }
0x38: {  	s10 =	sld [smem:$0x3FB7]  }
0x39: {  	_ = 	snop;
	(pc) =	sbr.ind lr, $3  }
0x3a: {  	_ = 	snop  }
0x3b: {  	_ = 	snop  }
0x3c: {  	p2 =	seq.s32 s10, $0x1;
	s10 =	sld [smem:$0x3FB6]  }
0x3d: {  	_ =	shalt  }
0x3e: {  	_ =	shalt  }
0x3f: {  	_ =	shalt  }
0x40: {  	_ =	shalt  }
0x41: {  	_ =	shalt  }
0x42: {  	_ =	shalt  }
0x43: {  	_ =	shalt  }
0x44: {  	_ =	shalt  }
0x45: {  	_ =	shalt  }
0x46: {  	_ =	shalt  }
0x47: {  	_ =	shalt  }
0x48: {  	_ =	shalt  }
0x49: {  	_ =	shalt  }
0x4a: {  	_ =	shalt  }
0x4b: {  	_ =	shalt  }
0x4c: {  	_ =	shalt  }
0x4d: {  	_ =	shalt  }
0x4e: {  	_ =	shalt  }
0x4f: {  	_ =	shalt  }
0x50: {  	_ =	shalt  }
0x51: {  	_ =	shalt  }
0x52: {  	_ =	shalt  }
0x53: {  	_ =	shalt  }
0x54: {  	_ =	shalt  }
0x55: {  	_ =	shalt  }
0x56: {  	_ =	shalt  }
0x57: {  	_ =	shalt  }
0x58: {  	_ =	shalt  }
0x59: {  	_ =	shalt  }
0x5a: {  	_ =	shalt  }
0x5b: {  	_ =	shalt  }
0x5c: {  	_ =	shalt  }
0x5d: {  	_ =	shalt  }
0x5e: {  	_ =	shalt  }
0x5f: {  	_ =	shalt  }
0x60: {  	_ =	shalt  }
0x61: {  	_ =	shalt  }
0x62: {  	_ =	shalt  }
0x63: {  	_ =	shalt  }
0x64: {  	_ =	shalt  }
0x65: {  	_ =	shalt  }
0x66: {  	_ =	shalt  }
0x67: {  	_ =	shalt  }
0x68: {  	_ =	shalt  }
0x69: {  	_ =	shalt  }
0x6a: {  	_ =	shalt  }
0x6b: {  	_ =	shalt  }
0x6c: {  	_ =	shalt  }
0x6d: {  	_ =	shalt  }
0x6e: {  	_ =	shalt  }
0x6f: {  	_ =	shalt  }
0x70: {  	_ =	shalt  }
0x71: {  	_ =	shalt  }
0x72: {  	_ =	shalt  }
0x73: {  	_ =	shalt  }
0x74: {  	_ =	shalt  }
0x75: {  	_ =	shalt  }
0x76: {  	_ =	shalt  }
0x77: {  	_ =	shalt  }
0x78: {  	_ =	shalt  }
0x79: {  	_ =	shalt  }
0x7a: {  	_ =	shalt  }
0x7b: {  	_ =	shalt  }
0x7c: {  	_ =	shalt  }
0x7d: {  	_ =	shalt  }
0x7e: {  	_ =	shalt  }
0x7f: {  	_ =	shalt  }
0x80: {  	_ =	shalt  }
0x81: {  	_ =	shalt  }
0x82: {  	_ =	shalt  }
0x83: {  	_ =	shalt  }
0x84: {  	_ =	shalt  }
0x85: {  	_ =	shalt  }
0x86: {  	_ =	shalt  }
0x87: {  	_ =	shalt  }
.Lfunc_end0:
.L_simem_size_0:
called_computation.1_lowered:
.L_overlay_start_0:
0x88: {  	s2 =	sld [smem:$0x3FD9]  }
0x89: {  	s3 =	sld [smem:$0x3FFE];
	_ =	sdelay $0x1  }
0x8a: {  	s1 =	srdreg.scid  }
0x8b: {  	s0 =	sand.u32 $0x1, s1  }
0x8c: {  	s17 =	sshll.u32 s0, $0xA;
	s2 =	sadd.s32 s3, s2  }
0x8d: {  	s2 =	sadd.s32 s2, s17  }
0x8e: {  	[smem:$0x3FC2] =	sst s2  }
0x8f: {  	_ = 	snop  }
0x90: {  	s2 =	sld [smem:$0x3FD0];
	(tm) =	ssettm $0x1  }
0x91: {  	s18 =	sld [smem:$0x3FFB];
	_ =	sdelay $0x3  }
0x92: {  	_ =	strace s18  }
0x93: {  	s3 =	sld [smem:$0x3FFC];
	_ =	sdelay $0x3  }
0x94: {  	_ =	strace s3  }
0x95: {  	s3 =	sld [smem:$0x3FFD];
	_ =	sdelay $0x3  }
0x96: {  	_ =	strace s3  }
0x97: {  	_ =	strace $0x8FFFFFFF  }
0x98: {  	s19 =	sld [smem:$0x3FDB];
	_ =	sdelay $0x1  }
0x99: {  	s4 =	simm.s32 $_scs_section_size  }
0x9a: {  	s5 =	simm.s32 $_size__tile_overlayer_lowered;
	s6 =	simm.s32 $_tile_overlayer_lowered  }
0x9b: {  	s22 =	simm.s32 $0x1BFF;
	s21 =	sshll.u32 s6, $0x1;
	s3 =	sadd.s32 s4, s19  }
0x9c: {  	s7 =	simm.s32 $0x0;
	s20 =	sshll.u32 s5, $0x1;
	s5 =	sadd.s32 s21, s3  }
0x9d: {  	[timem:s7], [sflag:s22] =	dma.local [hbm:s5], s20  }
0x9e: {  	_ =	swait.ge [sflag:s22], s20  }
0x9f: {  	s4 =	ssub.s32 $0x0, s20;
	[sflag:s22] =	ssyncset.done $0x0  }
0xa0: {  	[sflag:s22] =	ssyncadd.s32 s4;
	_ =	sdelay $0x1  }
0xa1: {  	s23 =	simm.s32 $0x1B8B  }
0xa2: {  	_ =	swait.ge [sflag:s23], $0x1  }
0xa3: {  	[sflag:s23] =	ssyncset.done $0x0  }
0xa4: {  	s25 =	simm.s32 $0x1B8E;
	s24 =	sld [smem:$0x3FFE];
	[sflag:s23] =	ssyncadd.s32 $0xFFFFFFFF  }
0xa5: {  	s26 =	simm.s32 $execute0_lowered;
	[smem:$0x3FD2] =	sst s25  }
0xa6: {  	s5 =	sshll.u32 s26, $0x1;
	_ =	strace $0x80000049;
	[dreg:$0x1] =	wrdreg $0xFFFFFFFF  }
0xa7: {  	s28 =	simm.s32 $_size_execute0_lowered;
	s3 =	sadd.s32 s3, s5;
	[dreg:$0x0] =	wrdreg $0x0  }
0xa8: {  	s5 =	sshll.u32 s28, $0x1;
	[dreg:$0x2] =	wrdreg s3  }
0xa9: {  	[dreg:$0x3] =	wrdreg s5  }
0xaa: {  	[dreg:$0x4] =	wrdreg $0xC0  }
0xab: {  	_ =	task [dreg:s7], $0x5FFFF  }
0xac: {  	[dreg:$0x1] =	wrdreg $0xFFFFFFFF  }
0xad: {  	[dreg:$0x0] =	wrdreg $0x60  }
0xae: {  	[dreg:$0x2] =	wrdreg s2  }
0xaf: {  	[dreg:$0x3] =	wrdreg s24  }
0xb0: {  	[dreg:$0x4] =	wrdreg $0x108000  }
0xb1: {  	[dreg:$0x5] =	wrdreg $0x9  }
0xb2: {  	_ =	task.clear_ibuf [dreg:s7], $0x6FFFF;
	_ =	strace $0x90000049  }
0xb3: {  	s29 =	simm.s32 $0x9;
	_ =	strace $0x8000004B  }
0xb4: {  	_ =	swait.ge [sflag:s29], $0x1  }
0xb5: {  	[sflag:s29] =	ssyncadd.s32 $0xFFFFFFFF  }
0xb6: {  	_ =	strace $0x9000004B  }
0xb7: {  	_ =	sfence  }
0xb8: {  	s30 =	sld [smem:$0x0];
	_ =	sdelay $0x2  }
0xb9: {  	s31 =	sshll.u32 s1, $0xD;
	s1 =	sshrl.u32 s1, $0x2  }
0xba: {  	s3 =	sand.u32 $0x4000, s31;
	s1 =	sadd.s32 s1, s30  }
0xbb: {  	s0 =	sor.u32 s3, s0;
	s1 =	sshll.u32 s1, $0x11  }
0xbc: {  	s0 =	sor.u32 s1, s0  }
0xbd: {  	s0 =	sadd.s32 $0x8F2B, s0  }
0xbe: {  	[sflag:s0] =	ssyncadd.remote.s32 $0x1  }
0xbf: {  	_ =	sfence.sel $0xFFFF  }
0xc0: {  	[dreg:$0x0] =	wrdreg $0xFFFFFFFF;
	(pc) =	sbr.abs _section_cstart, $3  }
0xc1: {  	[dreg:$0x1] =	wrdreg $0xFFFFFFFF  }
0xc2: {  	_ =	task.clear_ibuf [dreg:s7], $0x2FFFF;
	_ =	strace $0x9FFFFFFF  }
0xc3: {  	(tm) =	ssettm $0x7FFFFFFF  }
tec
execute0_lowered:
.L_overlay_start_1:
0x0: {  	(tag) =	ssettag $0x1  }
0x1: {  	s1 =	rddreg [dreg:$0x0]  }
0x2: {  	s0 =	rddreg [dreg:$0x1]  }
0x3: {  	s15 =	stileid.u32;
	s2 =	srdreg.scid  }
0x4: {  	s3 =	rddreg [dreg:$0x2];
	s4 =	simm.s32 $0x0;
	s5 =	smul.u32 $0x2800, s15  }
0x5: {  	s28 =	simm.s32 $0x80;
	s29 =	simm.s32 $0x7800;
	s7 =	smul.u32 $0xA000, s15  }
0x6: {  	s30 =	simm.s32 $0xB800;
	s31 =	simm.s32 $0x1;
	s8 =	smul.u32 $0x2C000, s15  }
0x7: {  	s2 =	sand.u32 $0x1, s2;
	[smem:$0x7FF] =	sst s4;
	s25 =	smul.u32 $0x28000, s15  }
0x8: {  	s6 =	smul.u32 $0x140000, s2;
	_ =	strace $0x8000004A;
	s23 =	ssub.s32 $0x2, s2  }
0x9: {  	s21 =	smul.u32 $0x2800, s2;
	s5 =	sshrl.u32 s5, $0x3;
	s9 =	sshrl.u32 s23, $0x1  }
0xa: {  	s18 =	sshrl.u32 s8, $0x2;
	s2 =	sshrl.u32 s25, $0x2;
	s25 =	simm.s32 $0x0  }
0xb: {  	s6 =	sadd.s32 s7, s6;
	s5 =	sadd.s32 s5, s0;
	s24 =	ssub.s32 s23, s9  }
0xc: {  	s7 =	sadd.s32 s18, s3;
	s2 =	sadd.s32 s2, s3;
	s23 =	simm.s32 $0x3  }
0xd: {  	s6 =	sshrl.u32 s6, $0x3;
	s19 =	sadd.s32 $0xCA00, s5;
	s20 =	sadd.s32 $0x11A00, s5  }
0xe: {  	s5 =	sadd.s32 $0x16A00, s5;
	s9 =	sadd.s32 $0x1000, s7;
	s10 =	sadd.s32 $0x2000, s7  }
0xf: {  	s11 =	sadd.s32 $0x3000, s7;
	s12 =	sadd.s32 $0x4000, s7;
	s13 =	sadd.s32 $0x5000, s7  }
0x10: {  	s14 =	sadd.s32 $0x6000, s7;
	s15 =	sadd.s32 $0x7000, s7;
	[dreg:$0x8] =	wrdreg s2  }
0x11: {  	s16 =	sadd.s32 $0x8000, s7;
	s17 =	sadd.s32 $0x9000, s7;
	[dreg:$0x4] =	wrdreg s19  }
0x12: {  	s18 =	sadd.s32 $0xA000, s7;
	s0 =	sadd.s32 s6, s0;
	[dreg:$0x5] =	wrdreg s20  }
0x13: {  	s22 =	smax.u32 s24, $0x1;
	[dreg:$0x6] =	wrdreg s5;
	s26 =	sadd.s32 $0x1BA00, s0  }
0x14: {  	s2 =	simm.s32 $0x2;
	s0 =	sadd.s32 $0x2FA00, s0;
	[dreg:$0x7] =	wrdreg s26  }
0x15: {  	v1 =	vimm.f32 $0.0e+00;
	v0 =	vmov s21;
	s24 =	simm.s32 $0x2780;
	[dreg:$0x9] =	wrdreg s0;
	s26 =	simm.s32 $0xF800  }
.LBB2_1:
0x16: {  	s0 =	rddreg [dreg:$0x4]  }
0x17: {  	[tilespmem:s4], [sflag:$0x3] =	stream.linear.gather [hbm4b:s0+s4], $0x2800, $0x38;
	[tilespmem:$0x1B800] =	vst v63  }
0x18: {  	_ =	swait.ge [sflag:s23], $0x2800  }
0x19: {  	[sflag:s23] =	ssyncset.done $0x0  }
0x1a: {  	s5 =	simm.s32 $0x2800;
	s19 =	rddreg [dreg:$0x5];
	[sflag:s23] =	ssyncadd.s32 $0xFFFFD800  }
0x1b: {  	[tilespmem:s5], [sflag:$0x3] =	stream.linear.gather [hbm4b:s19+s4], $0x2800, $0x38;
	[tilespmem:$0x1B800] =	vst v63  }
0x1c: {  	_ =	swait.ge [sflag:s23], $0x2800  }
0x1d: {  	[sflag:s23] =	ssyncset.done $0x0  }
0x1e: {  	s21 =	simm.s32 $0x5000;
	s20 =	rddreg [dreg:$0x6];
	[sflag:s23] =	ssyncadd.s32 $0xFFFFD800  }
0x1f: {  	[tilespmem:s21], [sflag:$0x3] =	stream.linear.gather [hbm4b:s20+s4], $0x2800, $0x38;
	[tilespmem:$0x1B800] =	vst v63  }
0x20: {  	_ =	swait.ge [sflag:s23], $0x2800  }
0x21: {  	[sflag:s23] =	ssyncset.done $0x0  }
0x22: {  	s0 =	simm.s32 $0x0;
	[sflag:s23] =	ssyncadd.s32 $0xFFFFD800  }
0x23: {  	v4 =	vld [tilespmem:s0+$0x0]  }
0x24: {  	v6 =	vld [tilespmem:s0+$0x10]  }
0x25: {  	v5 =	vld [tilespmem:s0+$0x20]  }
0x26: {  	v3 =	vld [tilespmem:s0+$0x30]  }
0x27: {  	v2 =	vld [tilespmem:s0+$0x40]  }
0x28: {  	v7 =	vadd.s32 v0, v4;
	v4 =	vld [tilespmem:s0+$0x50]  }
0x29: {  	s5 =	simm.s32 $0x200;
	[tilespmem:s0+$0x0] =	vst v7;
	v7 =	vadd.s32 v0, v6;
	v6 =	vld [tilespmem:s0+$0x60]  }
.LBB2_2:
0x2a: {  	s6 =	sshra.s32 s5, $0x2;
	p0 =	sne.s32 s5, $0x9E00;
	[tilespmem:s0+$0x10] =	vst v7;
	v5 =	vadd.s32 v0, v5;
	v7 =	vld [tilespmem:s0+$0x70]  }
0x2b: {  	v8 =	vld [tilespmem:s6+$0x0];
	[tilespmem:s0+$0x20] =	vst v5;
	v3 =	vadd.s32 v0, v3  }
0x2c: {  	v9 =	vld [tilespmem:s6+$0x10];
	[tilespmem:s0+$0x30] =	vst v3;
	v2 =	vadd.s32 v0, v2  }
.Ltmp0:
0x2d: {  	v5 =	vld [tilespmem:s6+$0x20];
	[tilespmem:s0+$0x40] =	vst v2;
	v2 =	vadd.s32 v0, v4;
	(pc) =	sbr.rel @p0 .LBB2_2-.Ltmp0, $4  }
0x2e: {  	v3 =	vld [tilespmem:s6+$0x30];
	[tilespmem:s0+$0x50] =	vst v2;
	v4 =	vadd.s32 v0, v6  }
0x2f: {  	v2 =	vld [tilespmem:s6+$0x40];
	[tilespmem:s0+$0x60] =	vst v4;
	v6 =	vadd.s32 v0, v7  }
0x30: {  	v7 =	vadd.s32 v0, v8;
	v4 =	vld [tilespmem:s6+$0x50];
	[tilespmem:s0+$0x70] =	vst v6;
	s0 =	smov.u32 s6  }
0x31: {  	s5 =	sadd.s32 $0x200, s5;
	[tilespmem:s0+$0x0] =	vst v7;
	v7 =	vadd.s32 v0, v9;
	v6 =	vld [tilespmem:s0+$0x60]  }
0x32: {  	[tilespmem:s0+$0x10] =	vst v7;
	v5 =	vadd.s32 v0, v5;
	v63 =	vld [tilespmem:s0+$0x70]  }
0x33: {  	[tilespmem:s0+$0x20] =	vst v5;
	v3 =	vadd.s32 v0, v3  }
0x34: {  	[tilespmem:s0+$0x30] =	vst v3;
	v2 =	vadd.s32 v0, v2  }
0x35: {  	[tilespmem:s0+$0x40] =	vst v2;
	v2 =	vadd.s32 v0, v4  }
0x36: {  	[tilespmem:s0+$0x50] =	vst v2;
	v2 =	vadd.s32 v0, v6  }
0x37: {  	[tilespmem:s0+$0x60] =	vst v2;
	v2 =	vadd.s32 v0, v63  }
0x38: {  	s5 =	simm.s32 $0x200;
	[tilespmem:s0+$0x70] =	vst v2;
	s0 =	simm.s32 $0x0  }
.LBB2_4:
0x39: {  	p0 =	sne.s32 s5, $0x3E00;
	[tilespmem:s0+$0xF870] =	vst v1  }
0x3a: {  	[tilespmem:s0+$0xF800] =	vst v1  }
0x3b: {  	[tilespmem:s0+$0xF810] =	vst v1  }
.Ltmp1:
0x3c: {  	[tilespmem:s0+$0xF820] =	vst v1;
	(pc) =	sbr.rel @p0 .LBB2_4-.Ltmp1, $4  }
0x3d: {  	[tilespmem:s0+$0xF830] =	vst v1  }
0x3e: {  	[tilespmem:s0+$0xF840] =	vst v1  }
0x3f: {  	[tilespmem:s0+$0xF850] =	vst v1  }
0x40: {  	[tilespmem:s0+$0xF860] =	vst v1;
	s0 =	sshra.s32 s5, $0x2;
	s5 =	sadd.s32 $0x200, s5  }
0x41: {  	[tilespmem:s0+$0xF870] =	vst v1  }
0x42: {  	[tilespmem:s0+$0xF800] =	vst v1  }
0x43: {  	[tilespmem:s0+$0xF810] =	vst v1  }
0x44: {  	[tilespmem:s0+$0xF820] =	vst v1  }
0x45: {  	[tilespmem:s0+$0xF830] =	vst v1  }
0x46: {  	[tilespmem:s0+$0xF840] =	vst v1  }
0x47: {  	[tilespmem:s0+$0xF850] =	vst v1  }
0x48: {  	[tilespmem:s0+$0xF860] =	vst v1  }
0x49: {  	[spmem:s7] =	stream.linear.scatter [tilespmem:s26], [sflag:$0x3], $0x1000, $0x38;
	[tilespmem:$0x1B800] =	vst v63  }
0x4a: {  	_ =	swait.ge [sflag:s23], $0x1000  }
0x4b: {  	[sflag:s23] =	ssyncset.done $0x0  }
0x4c: {  	[sflag:s23] =	ssyncadd.s32 $0xFFFFF000  }
0x4d: {  	[spmem:s9] =	stream.linear.scatter [tilespmem:s26], [sflag:$0x3], $0x1000, $0x38;
	[tilespmem:$0x1B800] =	vst v63  }
0x4e: {  	_ =	swait.ge [sflag:s23], $0x1000  }
0x4f: {  	[sflag:s23] =	ssyncset.done $0x0  }
0x50: {  	[sflag:s23] =	ssyncadd.s32 $0xFFFFF000  }
0x51: {  	[spmem:s10] =	stream.linear.scatter [tilespmem:s26], [sflag:$0x3], $0x1000, $0x38;
	[tilespmem:$0x1B800] =	vst v63  }
0x52: {  	_ =	swait.ge [sflag:s23], $0x1000  }
0x53: {  	[sflag:s23] =	ssyncset.done $0x0  }
0x54: {  	[sflag:s23] =	ssyncadd.s32 $0xFFFFF000  }
0x55: {  	[spmem:s11] =	stream.linear.scatter [tilespmem:s26], [sflag:$0x3], $0x1000, $0x38;
	[tilespmem:$0x1B800] =	vst v63  }
0x56: {  	_ =	swait.ge [sflag:s23], $0x1000  }
0x57: {  	[sflag:s23] =	ssyncset.done $0x0  }
0x58: {  	[sflag:s23] =	ssyncadd.s32 $0xFFFFF000  }
0x59: {  	[spmem:s12] =	stream.linear.scatter [tilespmem:s26], [sflag:$0x3], $0x1000, $0x38;
	[tilespmem:$0x1B800] =	vst v63  }
0x5a: {  	_ =	swait.ge [sflag:s23], $0x1000  }
0x5b: {  	[sflag:s23] =	ssyncset.done $0x0  }
0x5c: {  	[sflag:s23] =	ssyncadd.s32 $0xFFFFF000  }
0x5d: {  	[spmem:s13] =	stream.linear.scatter [tilespmem:s26], [sflag:$0x3], $0x1000, $0x38;
	[tilespmem:$0x1B800] =	vst v63  }
0x5e: {  	_ =	swait.ge [sflag:s23], $0x1000  }
0x5f: {  	[sflag:s23] =	ssyncset.done $0x0  }
0x60: {  	[sflag:s23] =	ssyncadd.s32 $0xFFFFF000  }
0x61: {  	[spmem:s14] =	stream.linear.scatter [tilespmem:s26], [sflag:$0x3], $0x1000, $0x38;
	[tilespmem:$0x1B800] =	vst v63  }
0x62: {  	_ =	swait.ge [sflag:s23], $0x1000  }
0x63: {  	[sflag:s23] =	ssyncset.done $0x0  }
0x64: {  	[sflag:s23] =	ssyncadd.s32 $0xFFFFF000  }
0x65: {  	[spmem:s15] =	stream.linear.scatter [tilespmem:s26], [sflag:$0x3], $0x1000, $0x38;
	[tilespmem:$0x1B800] =	vst v63  }
0x66: {  	_ =	swait.ge [sflag:s23], $0x1000  }
0x67: {  	[sflag:s23] =	ssyncset.done $0x0  }
0x68: {  	[sflag:s23] =	ssyncadd.s32 $0xFFFFF000  }
0x69: {  	[spmem:s16] =	stream.linear.scatter [tilespmem:s26], [sflag:$0x3], $0x1000, $0x38;
	[tilespmem:$0x1B800] =	vst v63  }
0x6a: {  	_ =	swait.ge [sflag:s23], $0x1000  }
0x6b: {  	[sflag:s23] =	ssyncset.done $0x0  }
0x6c: {  	[sflag:s23] =	ssyncadd.s32 $0xFFFFF000  }
0x6d: {  	[spmem:s17] =	stream.linear.scatter [tilespmem:s26], [sflag:$0x3], $0x1000, $0x38;
	[tilespmem:$0x1B800] =	vst v63  }
0x6e: {  	_ =	swait.ge [sflag:s23], $0x1000  }
0x6f: {  	[sflag:s23] =	ssyncset.done $0x0  }
0x70: {  	[sflag:s23] =	ssyncadd.s32 $0xFFFFF000  }
0x71: {  	[spmem:s18] =	stream.linear.scatter [tilespmem:s26], [sflag:$0x3], $0x1000, $0x38;
	[tilespmem:$0x1B800] =	vst v63  }
0x72: {  	_ =	swait.ge [sflag:s23], $0x1000  }
0x73: {  	[sflag:s23] =	ssyncset.done $0x0  }
0x74: {  	[sflag:s23] =	ssyncadd.s32 $0xFFFFF000  }
0x75: {  	s6 =	simm.s32 $0x0;
	[bflag:$0x0] =	sbarrier.arrive $0xFFFF  }
0x76: {  	[tilespmem:s29], [sflag:$0x1] =	stream.indirect.gather [hbm4b:s1+s28], $0x80, s6, s28, $0xb8;
	[tilespmem:$0x1B800] =	vst v63  }
0x77: {  	s8 =	simm.s32 $0x80  }
0x78: {  	[tilespmem:s30], [sflag:$0x2] =	stream.indirect.gather [hbm4b:s1+s28], $0x80, s8, s28, $0xb8;
	[tilespmem:$0x1B800] =	vst v63  }
0x79: {  	_ =	swait.ge [sflag:s31], $0x4000  }
0x7a: {  	[sflag:s31] =	ssyncset.done $0x0  }
0x7b: {  	s19 =	simm.s32 $0x2800;
	[sflag:s31] =	ssyncadd.s32 $0xFFFFC000  }
0x7c: {  	[spmem:s3] =	stream.indirect.scatter.add.f32 [tilespmem:s29], [sflag:$0x3], $0x80, s19, s28, $0xb8;
	[tilespmem:$0x1B800] =	vst v63  }
0x7d: {  	_ =	swait.ge [sflag:s23], $0x4000  }
0x7e: {  	[sflag:s23] =	ssyncset.done $0x0  }
0x7f: {  	s20 =	simm.s32 $0x100;
	[sflag:s23] =	ssyncadd.s32 $0xFFFFC000  }
0x80: {  	[tilespmem:s29], [sflag:$0x1] =	stream.indirect.gather [hbm4b:s1+s28], $0x80, s20, s28, $0xb8;
	[tilespmem:$0x1B800] =	vst v63  }
0x81: {  	_ =	swait.ge [sflag:s2], $0x4000  }
0x82: {  	[sflag:s2] =	ssyncset.done $0x0  }
0x83: {  	s21 =	simm.s32 $0x2880;
	[sflag:s2] =	ssyncadd.s32 $0xFFFFC000  }
0x84: {  	[spmem:s3] =	stream.indirect.scatter.add.f32 [tilespmem:s30], [sflag:$0x3], $0x80, s21, s28, $0xb8;
	[tilespmem:$0x1B800] =	vst v63  }
0x85: {  	_ =	swait.ge [sflag:s23], $0x4000  }
0x86: {  	s5 =	simm.s32 $0x800;
	s0 =	simm.s32 $0x100;
	[sflag:s23] =	ssyncset.done $0x0  }
.LBB2_6:
0x87: {  	s6 =	sadd.s32 $0x80, s0  }
0x88: {  	[sflag:s23] =	ssyncadd.s32 $0xFFFFC000;
	s8 =	smov.u32 s5;
	s19 =	sadd.s32 $0x400, s5  }
0x89: {  	[tilespmem:s30], [sflag:$0x2] =	stream.indirect.gather [hbm4b:s1+s28], $0x80, s6, s28, $0xb8;
	[tilespmem:$0x1B800] =	vst v63  }
0x8a: {  	p0 =	sne.s32 s5, $0x9800;
	_ =	swait.ge [sflag:s31], $0x4000  }
0x8b: {  	[sflag:s31] =	ssyncset.done $0x0  }
0x8c: {  	s5 =	sadd.s32 $0x2800, s0;
	[sflag:s31] =	ssyncadd.s32 $0xFFFFC000  }
0x8d: {  	[spmem:s3] =	stream.indirect.scatter.add.f32 [tilespmem:s29], [sflag:$0x3], $0x80, s5, s28, $0xb8;
	[tilespmem:$0x1B800] =	vst v63  }
0x8e: {  	_ =	swait.ge [sflag:s23], $0x4000  }
0x8f: {  	[sflag:s23] =	ssyncset.done $0x0  }
0x90: {  	s5 =	sadd.s32 $0x100, s0;
	[sflag:s23] =	ssyncadd.s32 $0xFFFFC000  }
0x91: {  	[tilespmem:s29], [sflag:$0x1] =	stream.indirect.gather [hbm4b:s1+s28], $0x80, s5, s28, $0xb8;
	[tilespmem:$0x1B800] =	vst v63  }
0x92: {  	_ =	swait.ge [sflag:s2], $0x4000  }
.Ltmp2:
0x93: {  	[sflag:s2] =	ssyncset.done $0x0;
	(pc) =	sbr.rel @p0 .LBB2_6-.Ltmp2, $4  }
0x94: {  	s0 =	sadd.s32 $0x2880, s0;
	[sflag:s2] =	ssyncadd.s32 $0xFFFFC000  }
0x95: {  	[spmem:s3] =	stream.indirect.scatter.add.f32 [tilespmem:s30], [sflag:$0x3], $0x80, s0, s28, $0xb8;
	[tilespmem:$0x1B800] =	vst v63  }
0x96: {  	_ =	swait.ge [sflag:s23], $0x4000  }
0x97: {  	s5 =	smov.u32 s19;
	s0 =	sshra.s32 s8, $0x2;
	[sflag:s23] =	ssyncset.done $0x0  }
0x98: {  	s5 =	sadd.s32 $0x80, s0;
	[sflag:s23] =	ssyncadd.s32 $0xFFFFC000  }
0x99: {  	[tilespmem:s30], [sflag:$0x2] =	stream.indirect.gather [hbm4b:s1+s28], $0x80, s5, s28, $0xb8;
	[tilespmem:$0x1B800] =	vst v63  }
0x9a: {  	_ =	swait.ge [sflag:s31], $0x4000  }
0x9b: {  	[sflag:s31] =	ssyncset.done $0x0  }
0x9c: {  	s20 =	sadd.s32 $0x2800, s0;
	[sflag:s31] =	ssyncadd.s32 $0xFFFFC000  }
0x9d: {  	[spmem:s3] =	stream.indirect.scatter.add.f32 [tilespmem:s29], [sflag:$0x3], $0x80, s20, s28, $0xb8;
	[tilespmem:$0x1B800] =	vst v63  }
0x9e: {  	_ =	swait.ge [sflag:s23], $0x4000  }
0x9f: {  	[sflag:s23] =	ssyncset.done $0x0  }
0xa0: {  	s21 =	sadd.s32 $0x100, s0;
	[sflag:s23] =	ssyncadd.s32 $0xFFFFC000  }
0xa1: {  	[tilespmem:s29], [sflag:$0x1] =	stream.indirect.gather [hbm4b:s1+s28], $0x80, s21, s28, $0xb8;
	[tilespmem:$0x1B800] =	vst v63  }
0xa2: {  	_ =	swait.ge [sflag:s2], $0x4000  }
0xa3: {  	[sflag:s2] =	ssyncset.done $0x0  }
0xa4: {  	s5 =	sadd.s32 $0x2880, s0;
	[sflag:s2] =	ssyncadd.s32 $0xFFFFC000  }
0xa5: {  	[spmem:s3] =	stream.indirect.scatter.add.f32 [tilespmem:s30], [sflag:$0x3], $0x80, s5, s28, $0xb8;
	[tilespmem:$0x1B800] =	vst v63  }
0xa6: {  	_ =	swait.ge [sflag:s23], $0x4000  }
0xa7: {  	[sflag:s23] =	ssyncset.done $0x0  }
0xa8: {  	[sflag:s23] =	ssyncadd.s32 $0xFFFFC000  }
0xa9: {  	[tilespmem:s30], [sflag:$0x2] =	stream.indirect.gather [hbm4b:s1+s28], $0x80, s24, s28, $0xb8;
	[tilespmem:$0x1B800] =	vst v63  }
0xaa: {  	_ =	swait.ge [sflag:s31], $0x4000  }
0xab: {  	[sflag:s31] =	ssyncset.done $0x0  }
0xac: {  	s6 =	simm.s32 $0x4F00;
	[sflag:s31] =	ssyncadd.s32 $0xFFFFC000  }
0xad: {  	[spmem:s3] =	stream.indirect.scatter.add.f32 [tilespmem:s29], [sflag:$0x3], $0x80, s6, s28, $0xb8;
	[tilespmem:$0x1B800] =	vst v63  }
0xae: {  	_ =	swait.ge [sflag:s23], $0x4000  }
0xaf: {  	[sflag:s23] =	ssyncset.done $0x0  }
0xb0: {  	[sflag:s23] =	ssyncadd.s32 $0xFFFFC000  }
0xb1: {  	_ =	swait.ge [sflag:s2], $0x4000  }
0xb2: {  	[sflag:s2] =	ssyncset.done $0x0  }
0xb3: {  	s8 =	simm.s32 $0x4F80;
	[sflag:s2] =	ssyncadd.s32 $0xFFFFC000  }
0xb4: {  	[spmem:s3] =	stream.indirect.scatter.add.f32 [tilespmem:s30], [sflag:$0x3], $0x80, s8, s28, $0xb8;
	[tilespmem:$0x1B800] =	vst v63  }
0xb5: {  	_ =	swait.ge [sflag:s23], $0x4000  }
0xb6: {  	[sflag:s23] =	ssyncset.done $0x0  }
0xb7: {  	[sflag:s23] =	ssyncadd.s32 $0xFFFFC000  }
0xb8: {  	s19 =	stileid.u32;
	[bflag:$0x0] =	sbarrier.arrive $0xFFFF  }
0xb9: {  	s0 =	sshll.u32 s19, $0x6;
	s20 =	rddreg [dreg:$0x8]  }
0xba: {  	s0 =	sor.u32 $0x1C03, s0;
	s6 =	rddreg [dreg:$0x7];
	s5 =	sshrl.u32 s20, $0x3  }
0xbb: {  	[hbm:s6], [sflag:s0] =	dma.local [spmem:s5], $0x1400  }
0xbc: {  	_ =	swait.ge [sflag:s23], $0x1400  }
0xbd: {  	[sflag:s23] =	ssyncset.done $0x0  }
0xbe: {  	[sflag:s23] =	ssyncadd.s32 $0xFFFFEC00  }
0xbf: {  	[bflag:$0x0] =	sbarrier.arrive $0xFFFF  }
0xc0: {  	[spmem:s7] =	stream.linear.scatter [tilespmem:s26], [sflag:$0x3], $0x1000, $0x38;
	[tilespmem:$0x1B800] =	vst v63  }
0xc1: {  	_ =	swait.ge [sflag:s23], $0x1000  }
0xc2: {  	[sflag:s23] =	ssyncset.done $0x0  }
0xc3: {  	[sflag:s23] =	ssyncadd.s32 $0xFFFFF000  }
0xc4: {  	[spmem:s9] =	stream.linear.scatter [tilespmem:s26], [sflag:$0x3], $0x1000, $0x38;
	[tilespmem:$0x1B800] =	vst v63  }
0xc5: {  	_ =	swait.ge [sflag:s23], $0x1000  }
0xc6: {  	[sflag:s23] =	ssyncset.done $0x0  }
0xc7: {  	[sflag:s23] =	ssyncadd.s32 $0xFFFFF000  }
0xc8: {  	[spmem:s10] =	stream.linear.scatter [tilespmem:s26], [sflag:$0x3], $0x1000, $0x38;
	[tilespmem:$0x1B800] =	vst v63  }
0xc9: {  	_ =	swait.ge [sflag:s23], $0x1000  }
0xca: {  	[sflag:s23] =	ssyncset.done $0x0  }
0xcb: {  	[sflag:s23] =	ssyncadd.s32 $0xFFFFF000  }
0xcc: {  	[spmem:s11] =	stream.linear.scatter [tilespmem:s26], [sflag:$0x3], $0x1000, $0x38;
	[tilespmem:$0x1B800] =	vst v63  }
0xcd: {  	_ =	swait.ge [sflag:s23], $0x1000  }
0xce: {  	[sflag:s23] =	ssyncset.done $0x0  }
0xcf: {  	[sflag:s23] =	ssyncadd.s32 $0xFFFFF000  }
0xd0: {  	[spmem:s12] =	stream.linear.scatter [tilespmem:s26], [sflag:$0x3], $0x1000, $0x38;
	[tilespmem:$0x1B800] =	vst v63  }
0xd1: {  	_ =	swait.ge [sflag:s23], $0x1000  }
0xd2: {  	[sflag:s23] =	ssyncset.done $0x0  }
0xd3: {  	[sflag:s23] =	ssyncadd.s32 $0xFFFFF000  }
0xd4: {  	[spmem:s13] =	stream.linear.scatter [tilespmem:s26], [sflag:$0x3], $0x1000, $0x38;
	[tilespmem:$0x1B800] =	vst v63  }
0xd5: {  	_ =	swait.ge [sflag:s23], $0x1000  }
0xd6: {  	[sflag:s23] =	ssyncset.done $0x0  }
0xd7: {  	[sflag:s23] =	ssyncadd.s32 $0xFFFFF000  }
0xd8: {  	[spmem:s14] =	stream.linear.scatter [tilespmem:s26], [sflag:$0x3], $0x1000, $0x38;
	[tilespmem:$0x1B800] =	vst v63  }
0xd9: {  	_ =	swait.ge [sflag:s23], $0x1000  }
0xda: {  	[sflag:s23] =	ssyncset.done $0x0  }
0xdb: {  	[sflag:s23] =	ssyncadd.s32 $0xFFFFF000  }
0xdc: {  	[spmem:s15] =	stream.linear.scatter [tilespmem:s26], [sflag:$0x3], $0x1000, $0x38;
	[tilespmem:$0x1B800] =	vst v63  }
0xdd: {  	_ =	swait.ge [sflag:s23], $0x1000  }
0xde: {  	[sflag:s23] =	ssyncset.done $0x0  }
0xdf: {  	[sflag:s23] =	ssyncadd.s32 $0xFFFFF000  }
0xe0: {  	[spmem:s16] =	stream.linear.scatter [tilespmem:s26], [sflag:$0x3], $0x1000, $0x38;
	[tilespmem:$0x1B800] =	vst v63  }
0xe1: {  	_ =	swait.ge [sflag:s23], $0x1000  }
0xe2: {  	[sflag:s23] =	ssyncset.done $0x0  }
0xe3: {  	[sflag:s23] =	ssyncadd.s32 $0xFFFFF000  }
0xe4: {  	[spmem:s17] =	stream.linear.scatter [tilespmem:s26], [sflag:$0x3], $0x1000, $0x38;
	[tilespmem:$0x1B800] =	vst v63  }
0xe5: {  	_ =	swait.ge [sflag:s23], $0x1000  }
0xe6: {  	[sflag:s23] =	ssyncset.done $0x0  }
0xe7: {  	[sflag:s23] =	ssyncadd.s32 $0xFFFFF000  }
0xe8: {  	[spmem:s18] =	stream.linear.scatter [tilespmem:s26], [sflag:$0x3], $0x1000, $0x38;
	[tilespmem:$0x1B800] =	vst v63  }
0xe9: {  	_ =	swait.ge [sflag:s23], $0x1000  }
0xea: {  	[sflag:s23] =	ssyncset.done $0x0  }
0xeb: {  	[sflag:s23] =	ssyncadd.s32 $0xFFFFF000  }
0xec: {  	s21 =	simm.s32 $0x0;
	[bflag:$0x0] =	sbarrier.arrive $0xFFFF  }
0xed: {  	[tilespmem:s29], [sflag:$0x1] =	stream.indirect.gather [hbm4b:s1+s28], $0x80, s21, s28, $0xb8;
	[tilespmem:$0x1B800] =	vst v63  }
0xee: {  	s8 =	simm.s32 $0x80  }
0xef: {  	[tilespmem:s30], [sflag:$0x2] =	stream.indirect.gather [hbm4b:s1+s28], $0x80, s8, s28, $0xb8;
	[tilespmem:$0x1B800] =	vst v63  }
0xf0: {  	_ =	swait.ge [sflag:s31], $0x4000  }
0xf1: {  	[sflag:s31] =	ssyncset.done $0x0  }
0xf2: {  	s19 =	simm.s32 $0x5000;
	[sflag:s31] =	ssyncadd.s32 $0xFFFFC000  }
0xf3: {  	[spmem:s3] =	stream.indirect.scatter.add.f32 [tilespmem:s29], [sflag:$0x3], $0x80, s19, s28, $0xb8;
	[tilespmem:$0x1B800] =	vst v63  }
0xf4: {  	_ =	swait.ge [sflag:s23], $0x4000  }
0xf5: {  	[sflag:s23] =	ssyncset.done $0x0  }
0xf6: {  	s20 =	simm.s32 $0x100;
	[sflag:s23] =	ssyncadd.s32 $0xFFFFC000  }
0xf7: {  	[tilespmem:s29], [sflag:$0x1] =	stream.indirect.gather [hbm4b:s1+s28], $0x80, s20, s28, $0xb8;
	[tilespmem:$0x1B800] =	vst v63  }
0xf8: {  	_ =	swait.ge [sflag:s2], $0x4000  }
0xf9: {  	[sflag:s2] =	ssyncset.done $0x0  }
0xfa: {  	s21 =	simm.s32 $0x5080;
	[sflag:s2] =	ssyncadd.s32 $0xFFFFC000  }
0xfb: {  	[spmem:s3] =	stream.indirect.scatter.add.f32 [tilespmem:s30], [sflag:$0x3], $0x80, s21, s28, $0xb8;
	[tilespmem:$0x1B800] =	vst v63  }
0xfc: {  	_ =	swait.ge [sflag:s23], $0x4000  }
0xfd: {  	s6 =	simm.s32 $0x100;
	s8 =	simm.s32 $0x800;
	[sflag:s23] =	ssyncset.done $0x0  }
.LBB2_8:
0xfe: {  	s19 =	sadd.s32 $0x80, s6  }
0xff: {  	[sflag:s23] =	ssyncadd.s32 $0xFFFFC000;
	s20 =	smov.u32 s8;
	s21 =	sadd.s32 $0x400, s8  }
0x100: {  	[tilespmem:s30], [sflag:$0x2] =	stream.indirect.gather [hbm4b:s1+s28], $0x80, s19, s28, $0xb8;
	[tilespmem:$0x1B800] =	vst v63  }
0x101: {  	p0 =	sne.s32 s8, $0x9800;
	_ =	swait.ge [sflag:s31], $0x4000  }
0x102: {  	[sflag:s31] =	ssyncset.done $0x0  }
0x103: {  	s8 =	sadd.s32 $0x5000, s6;
	[sflag:s31] =	ssyncadd.s32 $0xFFFFC000  }
0x104: {  	[spmem:s3] =	stream.indirect.scatter.add.f32 [tilespmem:s29], [sflag:$0x3], $0x80, s8, s28, $0xb8;
	[tilespmem:$0x1B800] =	vst v63  }
0x105: {  	_ =	swait.ge [sflag:s23], $0x4000  }
0x106: {  	[sflag:s23] =	ssyncset.done $0x0  }
0x107: {  	s8 =	sadd.s32 $0x100, s6;
	[sflag:s23] =	ssyncadd.s32 $0xFFFFC000  }
0x108: {  	[tilespmem:s29], [sflag:$0x1] =	stream.indirect.gather [hbm4b:s1+s28], $0x80, s8, s28, $0xb8;
	[tilespmem:$0x1B800] =	vst v63  }
0x109: {  	_ =	swait.ge [sflag:s2], $0x4000  }
.Ltmp3:
0x10a: {  	[sflag:s2] =	ssyncset.done $0x0;
	(pc) =	sbr.rel @p0 .LBB2_8-.Ltmp3, $4  }
0x10b: {  	s6 =	sadd.s32 $0x5080, s6;
	[sflag:s2] =	ssyncadd.s32 $0xFFFFC000  }
0x10c: {  	[spmem:s3] =	stream.indirect.scatter.add.f32 [tilespmem:s30], [sflag:$0x3], $0x80, s6, s28, $0xb8;
	[tilespmem:$0x1B800] =	vst v63  }
0x10d: {  	_ =	swait.ge [sflag:s23], $0x4000  }
0x10e: {  	s8 =	smov.u32 s21;
	s6 =	sshra.s32 s20, $0x2;
	[sflag:s23] =	ssyncset.done $0x0  }
0x10f: {  	s8 =	sadd.s32 $0x80, s6;
	[sflag:s23] =	ssyncadd.s32 $0xFFFFC000  }
0x110: {  	[tilespmem:s30], [sflag:$0x2] =	stream.indirect.gather [hbm4b:s1+s28], $0x80, s8, s28, $0xb8;
	[tilespmem:$0x1B800] =	vst v63  }
0x111: {  	_ =	swait.ge [sflag:s31], $0x4000  }
0x112: {  	[sflag:s31] =	ssyncset.done $0x0  }
0x113: {  	s20 =	sadd.s32 $0x5000, s6;
	[sflag:s31] =	ssyncadd.s32 $0xFFFFC000  }
0x114: {  	[spmem:s3] =	stream.indirect.scatter.add.f32 [tilespmem:s29], [sflag:$0x3], $0x80, s20, s28, $0xb8;
	[tilespmem:$0x1B800] =	vst v63  }
0x115: {  	_ =	swait.ge [sflag:s23], $0x4000  }
0x116: {  	[sflag:s23] =	ssyncset.done $0x0  }
0x117: {  	s21 =	sadd.s32 $0x100, s6;
	[sflag:s23] =	ssyncadd.s32 $0xFFFFC000  }
0x118: {  	[tilespmem:s29], [sflag:$0x1] =	stream.indirect.gather [hbm4b:s1+s28], $0x80, s21, s28, $0xb8;
	[tilespmem:$0x1B800] =	vst v63  }
0x119: {  	_ =	swait.ge [sflag:s2], $0x4000  }
0x11a: {  	[sflag:s2] =	ssyncset.done $0x0  }
0x11b: {  	s8 =	sadd.s32 $0x5080, s6;
	[sflag:s2] =	ssyncadd.s32 $0xFFFFC000  }
0x11c: {  	[spmem:s3] =	stream.indirect.scatter.add.f32 [tilespmem:s30], [sflag:$0x3], $0x80, s8, s28, $0xb8;
	[tilespmem:$0x1B800] =	vst v63  }
0x11d: {  	_ =	swait.ge [sflag:s23], $0x4000  }
0x11e: {  	[sflag:s23] =	ssyncset.done $0x0  }
0x11f: {  	[sflag:s23] =	ssyncadd.s32 $0xFFFFC000  }
0x120: {  	[tilespmem:s30], [sflag:$0x2] =	stream.indirect.gather [hbm4b:s1+s28], $0x80, s24, s28, $0xb8;
	[tilespmem:$0x1B800] =	vst v63  }
0x121: {  	_ =	swait.ge [sflag:s31], $0x4000  }
0x122: {  	[sflag:s31] =	ssyncset.done $0x0  }
0x123: {  	s19 =	simm.s32 $0x7700;
	[sflag:s31] =	ssyncadd.s32 $0xFFFFC000  }
0x124: {  	[spmem:s3] =	stream.indirect.scatter.add.f32 [tilespmem:s29], [sflag:$0x3], $0x80, s19, s28, $0xb8;
	[tilespmem:$0x1B800] =	vst v63  }
0x125: {  	_ =	swait.ge [sflag:s23], $0x4000  }
0x126: {  	[sflag:s23] =	ssyncset.done $0x0  }
0x127: {  	[sflag:s23] =	ssyncadd.s32 $0xFFFFC000  }
0x128: {  	_ =	swait.ge [sflag:s2], $0x4000  }
0x129: {  	[sflag:s2] =	ssyncset.done $0x0  }
0x12a: {  	s20 =	simm.s32 $0x7780;
	[sflag:s2] =	ssyncadd.s32 $0xFFFFC000  }
0x12b: {  	[spmem:s3] =	stream.indirect.scatter.add.f32 [tilespmem:s30], [sflag:$0x3], $0x80, s20, s28, $0xb8;
	[tilespmem:$0x1B800] =	vst v63  }
0x12c: {  	_ =	swait.ge [sflag:s23], $0x4000  }
0x12d: {  	[sflag:s23] =	ssyncset.done $0x0  }
0x12e: {  	[sflag:s23] =	ssyncadd.s32 $0xFFFFC000  }
0x12f: {  	s25 =	sadd.s32 $0x1, s25;
	[bflag:$0x0] =	sbarrier.arrive $0xFFFF  }
0x130: {  	p0 =	sne.s32 s25, s22;
	s21 =	rddreg [dreg:$0x9]  }
0x131: {  	[hbm:s21], [sflag:s0] =	dma.local [spmem:s5], $0x1400  }
.Ltmp4:
0x132: {  	_ =	swait.ge [sflag:s23], $0x1400;
	(pc) =	sbr.rel @p0 .LBB2_1-.Ltmp4, $3  }
0x133: {  	[sflag:s23] =	ssyncset.done $0x0  }
0x134: {  	[sflag:s23] =	ssyncadd.s32 $0xFFFFEC00  }
0x135: {  	[bflag:$0x0] =	sbarrier.arrive $0xFFFF;
	_ =	sdelay $0x1  }
0x136: {  	_ =	sfence.sel $0x180000  }
0x137: {  	[bflag:$0x0] =	sbarrier.arrive $0xFFFF  }
0x138: {  	_ =	strace $0x9000004A  }
0x139: {  	s0 =	stileid.u32;
	[bflag:$0x2] =	sbarrier.arrive $0xFFFF  }
0x13a: {  	p0 =	sne.s32 s0, $0x0;
	s0 =	rddreg [dreg:$0x3]  }
0x13b: {  	s0 =	sadd.s32 @!p0 $0x100000, s0  }
0x13c: {  	[sflag:s0] =	ssyncadd.tile.s32 @!p0 $0x1;
	_ =	shalt  }
.Lfunc_end2:
_tile_overlayer_lowered:
.L_overlay_start_2:
0x13d: {  	(tag) =	ssettag $0x2  }
0x13e: {  	s0 =	rddreg [dreg:$0x0];
	s2 =	stileid.u32  }
0x13f: {  	s1 =	rddreg [dreg:$0x1];
	p0 =	sne.s32 s2, $0x0  }
0x140: {  	s3 =	rddreg [dreg:$0x2];
	[bflag:$0x3] =	sbarrier.arrive $0xFFFF;
	s2 =	simm.s32 @!p0 $0x1C03  }
0x141: {  	[timem:s3], [sflag:s2] =	dma.local @!p0 [hbm:s0], s1  }
0x142: {  	s0 =	simm.s32 @!p0 $0x3  }
0x143: {  	_ =	swait.ge @!p0 [sflag:s0], s1  }
0x144: {  	s1 =	ssub.s32 @!p0 $0x0, s1;
	[sflag:s0] =	ssyncset.done @!p0 $0x0  }
0x145: {  	[sflag:s0] =	ssyncadd.s32 @!p0 s1  }
0x146: {  	[bflag:$0x3] =	sbarrier.arrive $0xFFFF  }
0x147: {  	_ =	shalt  }

// kernel: kernel.15.cloned.1.call-start
scs
__scs_entry_jumppad:
0x0: {  	(pc) =	sbr.rel $0x88, $3  }
0x1: {  	(tag) =	ssettag $0x0;
	lr =	simm.s32 $0x1  }
0x2: {  	[smem:$0x3F9B] =	sst lr;
	_ =	strace $0xD0000000  }
0x3: {  	_ = 	snop  }
0x4: {  	_ = 	snop  }
0x5: {  	_ = 	snop  }
0x6: {  	_ = 	snop  }
0x7: {  	_ = 	snop  }
__scs_overlays_trampoline_lowered:
0x8: {  	[smem:$0x3FAA] =	sst s0  }
0x9: {  	[smem:$0x3FAB] =	sst s1  }
0xa: {  	[smem:$0x3FAC] =	sst s2  }
0xb: {  	[smem:$0x3FAD] =	sst s3  }
0xc: {  	[smem:$0x3FAE] =	sst s4  }
0xd: {  	[smem:$0x3FAF] =	sst s5  }
0xe: {  	[smem:$0x3FB0] =	sst s6  }
0xf: {  	[smem:$0x3FB1] =	sst s7  }
0x10: {  	[smem:$0x3FB2] =	sst s8  }
0x11: {  	[smem:$0x3FB3] =	sst s9;
	s0 =	simm.s32 @!p0 $0x0  }
0x12: {  	s1 =	sld [smem:$0x3F99];
	s0 =	simm.s32 @p0 $0x1  }
0x13: {  	[smem:$0x3FB4] =	sst s0;
	s0 =	simm.s32 @!p1 $0x0  }
0x14: {  	s2 =	sld [smem:$0x3F98];
	s0 =	simm.s32 @p1 $0x1  }
0x15: {  	[smem:$0x3FB5] =	sst s0;
	s0 =	simm.s32 @!p2 $0x0  }
0x16: {  	s3 =	sld [smem:$0x3FDB];
	s0 =	simm.s32 @p2 $0x1  }
0x17: {  	s4 =	simm.s32 $0x1BF5;
	[smem:$0x3FB7] =	sst s0  }
0x18: {  	s0 =	sld [smem:$0x3F9A];
	_ =	swait.ge [sflag:s4], $0x0  }
0x19: {  	s7 =	sld [smem:$0x3F9B]  }
0x1a: {  	s8 =	sadd.s32 $0xFFFFE003, lr  }
0x1b: {  	s9 =	sadd.s32 $0xFFFFFEF7, lr;
	s5 =	simm.s32 $0xFFFFFFFF;
	p2 =	slt.u32 s8, $0xFFFFF086  }
0x1c: {  	p1 =	slt.u32 s9, $0xF7A;
	s5 =	simm.s32 @!p2 $0x0  }
0x1d: {  	s5 =	simm.s32 @p1 $0x1;
	p0 =	seq.s32 s7, s2  }
0x1e: {  	s7 =	smul.u32 @!p0 $0xF7A, s2;
	p2 =	seq.s32 @!p0 s5, $0x0  }
0x1f: {  	s9 =	smul.u32 $0xF7A, s1;
	s8 =	simm.s32 @!p0 $0x1BF5;
	p2 =	por !p2, p0  }
0x20: {  	[sflag:s8] =	ssyncset.s32 @!p0 $0xFFFFF086;
	s6 =	sadd.s32 @!p0 s3, s7;
	s7 =	simm.s32 @!p0 $0x108  }
0x21: {  	s3 =	sadd.s32 s3, s9;
	s6 =	sadd.s32 @!p0 $0x88, s6;
	s7 =	simm.s32 @p2 $0x1082  }
0x22: {  	[simem:s7], [sflag:s8] =	dma.local @!p0 [hbm:s6], $0xF7A  }
0x23: {  	s9 =	sor.u32 $0xD0000000, s2;
	s6 =	simm.s32 $0x108;
	_ =	swait.ge @!p0 [sflag:s8], $0x0  }
0x24: {  	s3 =	sadd.s32 $0x88, s3;
	s6 =	simm.s32 @!p1 $0x1082;
	[sflag:s4] =	ssyncset.s32 $0xFFFFF086  }
0x25: {  	[simem:s6], [sflag:s4] =	dma.local [hbm:s3], $0xF7A  }
0x26: {  	[smem:$0x3F9B] =	sst s1;
	(tag) =	ssettag s2;
	_ =	strace s9  }
0x27: {  	s1 =	sld [smem:$0x3FAB]  }
0x28: {  	s2 =	sld [smem:$0x3FAC]  }
0x29: {  	s4 =	sld [smem:$0x3FAE]  }
0x2a: {  	p0 =	seq.s32 s5, $0x0;
	s5 =	sld [smem:$0x3FAF]  }
0x2b: {  	s6 =	sld [smem:$0x3FB0]  }
0x2c: {  	s7 =	sld [smem:$0x3FB1]  }
0x2d: {  	s3 =	simm.s32 $0x108;
	s8 =	sld [smem:$0x3FB2]  }
0x2e: {  	s3 =	simm.s32 @!p0 $0x1082;
	s9 =	sld [smem:$0x3FB3]  }
0x2f: {  	lr =	sadd.s32 s0, s3;
	s0 =	sld [smem:$0x3FAA]  }
0x30: {  	s3 =	sld [smem:$0x3FAD]  }
0x31: {  	[smem:$0x3FB6] =	sst s10  }
0x32: {  	s10 =	sld [smem:$0x3FB4];
	_ =	sdelay $0x3  }
0x33: {  	p0 =	seq.s32 s10, $0x1;
	s10 =	sld [smem:$0x3FB6];
	_ =	sdelay $0x3  }
0x34: {  	[smem:$0x3FB6] =	sst s10  }
0x35: {  	s10 =	sld [smem:$0x3FB5];
	_ =	sdelay $0x3  }
0x36: {  	p1 =	seq.s32 s10, $0x1;
	s10 =	sld [smem:$0x3FB6];
	_ =	sdelay $0x3  }
0x37: {  	[smem:$0x3FB6] =	sst s10  }
0x38: {  	s10 =	sld [smem:$0x3FB7]  }
0x39: {  	_ = 	snop;
	(pc) =	sbr.ind lr, $3  }
0x3a: {  	_ = 	snop  }
0x3b: {  	_ = 	snop  }
0x3c: {  	p2 =	seq.s32 s10, $0x1;
	s10 =	sld [smem:$0x3FB6]  }
0x3d: {  	_ =	shalt  }
0x3e: {  	_ =	shalt  }
0x3f: {  	_ =	shalt  }
0x40: {  	_ =	shalt  }
0x41: {  	_ =	shalt  }
0x42: {  	_ =	shalt  }
0x43: {  	_ =	shalt  }
0x44: {  	_ =	shalt  }
0x45: {  	_ =	shalt  }
0x46: {  	_ =	shalt  }
0x47: {  	_ =	shalt  }
0x48: {  	_ =	shalt  }
0x49: {  	_ =	shalt  }
0x4a: {  	_ =	shalt  }
0x4b: {  	_ =	shalt  }
0x4c: {  	_ =	shalt  }
0x4d: {  	_ =	shalt  }
0x4e: {  	_ =	shalt  }
0x4f: {  	_ =	shalt  }
0x50: {  	_ =	shalt  }
0x51: {  	_ =	shalt  }
0x52: {  	_ =	shalt  }
0x53: {  	_ =	shalt  }
0x54: {  	_ =	shalt  }
0x55: {  	_ =	shalt  }
0x56: {  	_ =	shalt  }
0x57: {  	_ =	shalt  }
0x58: {  	_ =	shalt  }
0x59: {  	_ =	shalt  }
0x5a: {  	_ =	shalt  }
0x5b: {  	_ =	shalt  }
0x5c: {  	_ =	shalt  }
0x5d: {  	_ =	shalt  }
0x5e: {  	_ =	shalt  }
0x5f: {  	_ =	shalt  }
0x60: {  	_ =	shalt  }
0x61: {  	_ =	shalt  }
0x62: {  	_ =	shalt  }
0x63: {  	_ =	shalt  }
0x64: {  	_ =	shalt  }
0x65: {  	_ =	shalt  }
0x66: {  	_ =	shalt  }
0x67: {  	_ =	shalt  }
0x68: {  	_ =	shalt  }
0x69: {  	_ =	shalt  }
0x6a: {  	_ =	shalt  }
0x6b: {  	_ =	shalt  }
0x6c: {  	_ =	shalt  }
0x6d: {  	_ =	shalt  }
0x6e: {  	_ =	shalt  }
0x6f: {  	_ =	shalt  }
0x70: {  	_ =	shalt  }
0x71: {  	_ =	shalt  }
0x72: {  	_ =	shalt  }
0x73: {  	_ =	shalt  }
0x74: {  	_ =	shalt  }
0x75: {  	_ =	shalt  }
0x76: {  	_ =	shalt  }
0x77: {  	_ =	shalt  }
0x78: {  	_ =	shalt  }
0x79: {  	_ =	shalt  }
0x7a: {  	_ =	shalt  }
0x7b: {  	_ =	shalt  }
0x7c: {  	_ =	shalt  }
0x7d: {  	_ =	shalt  }
0x7e: {  	_ =	shalt  }
0x7f: {  	_ =	shalt  }
0x80: {  	_ =	shalt  }
0x81: {  	_ =	shalt  }
0x82: {  	_ =	shalt  }
0x83: {  	_ =	shalt  }
0x84: {  	_ =	shalt  }
0x85: {  	_ =	shalt  }
0x86: {  	_ =	shalt  }
0x87: {  	_ =	shalt  }
.Lfunc_end0:
.L_simem_size_0:
called_computation.2_lowered:
.L_overlay_start_0:
0x88: {  	s2 =	sld [smem:$0x3FD9]  }
0x89: {  	s3 =	sld [smem:$0x3FFE];
	_ =	sdelay $0x1  }
0x8a: {  	s1 =	srdreg.scid  }
0x8b: {  	s0 =	sand.u32 $0x1, s1  }
0x8c: {  	s17 =	sshll.u32 s0, $0xA;
	s2 =	sadd.s32 s3, s2  }
0x8d: {  	s2 =	sadd.s32 s2, s17  }
0x8e: {  	[smem:$0x3FC2] =	sst s2  }
0x8f: {  	_ = 	snop  }
0x90: {  	s2 =	sld [smem:$0x3FD0];
	(tm) =	ssettm $0x1  }
0x91: {  	s18 =	sld [smem:$0x3FFB];
	_ =	sdelay $0x3  }
0x92: {  	_ =	strace s18  }
0x93: {  	s3 =	sld [smem:$0x3FFC];
	_ =	sdelay $0x3  }
0x94: {  	_ =	strace s3  }
0x95: {  	s3 =	sld [smem:$0x3FFD];
	_ =	sdelay $0x3  }
0x96: {  	_ =	strace s3  }
0x97: {  	_ =	strace $0x8FFFFFFF  }
0x98: {  	s19 =	sld [smem:$0x3FDB];
	_ =	sdelay $0x1  }
0x99: {  	s4 =	simm.s32 $_scs_section_size  }
0x9a: {  	s5 =	simm.s32 $_size__tile_overlayer_lowered;
	s6 =	simm.s32 $_tile_overlayer_lowered  }
0x9b: {  	s22 =	simm.s32 $0x1BFF;
	s21 =	sshll.u32 s6, $0x1;
	s3 =	sadd.s32 s4, s19  }
0x9c: {  	s7 =	simm.s32 $0x0;
	s20 =	sshll.u32 s5, $0x1;
	s5 =	sadd.s32 s21, s3  }
0x9d: {  	[timem:s7], [sflag:s22] =	dma.local [hbm:s5], s20  }
0x9e: {  	_ =	swait.ge [sflag:s22], s20  }
0x9f: {  	s4 =	ssub.s32 $0x0, s20;
	[sflag:s22] =	ssyncset.done $0x0  }
0xa0: {  	[sflag:s22] =	ssyncadd.s32 s4;
	_ =	sdelay $0x1  }
0xa1: {  	s23 =	simm.s32 $0x1B8B  }
0xa2: {  	_ =	swait.ge [sflag:s23], $0x1  }
0xa3: {  	[sflag:s23] =	ssyncset.done $0x0  }
0xa4: {  	s25 =	simm.s32 $0x1B8E;
	s24 =	sld [smem:$0x3FFE];
	[sflag:s23] =	ssyncadd.s32 $0xFFFFFFFF  }
0xa5: {  	s26 =	simm.s32 $execute0_lowered;
	[smem:$0x3FD2] =	sst s25  }
0xa6: {  	s5 =	sshll.u32 s26, $0x1;
	_ =	strace $0x8000004C;
	[dreg:$0x1] =	wrdreg $0xFFFFFFFF  }
0xa7: {  	s28 =	simm.s32 $_size_execute0_lowered;
	s3 =	sadd.s32 s3, s5;
	[dreg:$0x0] =	wrdreg $0x0  }
0xa8: {  	s5 =	sshll.u32 s28, $0x1;
	[dreg:$0x2] =	wrdreg s3  }
0xa9: {  	[dreg:$0x3] =	wrdreg s5  }
0xaa: {  	[dreg:$0x4] =	wrdreg $0xC0  }
0xab: {  	_ =	task [dreg:s7], $0x5FFFF  }
0xac: {  	[dreg:$0x1] =	wrdreg $0xFFFFFFFF  }
0xad: {  	[dreg:$0x0] =	wrdreg $0x60  }
0xae: {  	[dreg:$0x2] =	wrdreg s24  }
0xaf: {  	[dreg:$0x3] =	wrdreg s2  }
0xb0: {  	[dreg:$0x4] =	wrdreg $0xCC000  }
0xb1: {  	[dreg:$0x5] =	wrdreg $0x9  }
0xb2: {  	_ =	task.clear_ibuf [dreg:s7], $0x6FFFF;
	_ =	strace $0x9000004C  }
0xb3: {  	s29 =	simm.s32 $0x9;
	_ =	strace $0x8000004E  }
0xb4: {  	_ =	swait.ge [sflag:s29], $0x1  }
0xb5: {  	[sflag:s29] =	ssyncadd.s32 $0xFFFFFFFF  }
0xb6: {  	_ =	strace $0x9000004E  }
0xb7: {  	_ =	sfence  }
0xb8: {  	s30 =	sld [smem:$0x0];
	_ =	sdelay $0x2  }
0xb9: {  	s31 =	sshll.u32 s1, $0xD;
	s1 =	sshrl.u32 s1, $0x2  }
0xba: {  	s3 =	sand.u32 $0x4000, s31;
	s1 =	sadd.s32 s1, s30  }
0xbb: {  	s0 =	sor.u32 s3, s0;
	s1 =	sshll.u32 s1, $0x11  }
0xbc: {  	s0 =	sor.u32 s1, s0  }
0xbd: {  	s0 =	sadd.s32 $0x8F2B, s0  }
0xbe: {  	[sflag:s0] =	ssyncadd.remote.s32 $0x1  }
0xbf: {  	_ =	sfence.sel $0xFFFF  }
0xc0: {  	[dreg:$0x0] =	wrdreg $0xFFFFFFFF;
	(pc) =	sbr.abs _section_cstart, $3  }
0xc1: {  	[dreg:$0x1] =	wrdreg $0xFFFFFFFF  }
0xc2: {  	_ =	task.clear_ibuf [dreg:s7], $0x2FFFF;
	_ =	strace $0x9FFFFFFF  }
0xc3: {  	(tm) =	ssettm $0x7FFFFFFF  }
tec
execute0_lowered:
.L_overlay_start_1:
0x0: {  	(tag) =	ssettag $0x1  }
0x1: {  	s0 =	rddreg [dreg:$0x0]  }
0x2: {  	s1 =	srdreg.scid;
	s5 =	rddreg [dreg:$0x1]  }
0x3: {  	s2 =	rddreg [dreg:$0x2];
	s16 =	stileid.u32  }
0x4: {  	s3 =	simm.s32 $0x0;
	s28 =	simm.s32 $0x80;
	s29 =	simm.s32 $0x3C00  }
0x5: {  	s30 =	simm.s32 $0x7C00;
	s31 =	simm.s32 $0x1;
	s8 =	smul.u32 $0x2C000, s16  }
0x6: {  	s1 =	sand.u32 $0x1, s1;
	[smem:$0x7FF] =	sst s3;
	s22 =	smul.u32 $0xA000, s16  }
0x7: {  	s23 =	smul.u32 $0x28000, s16;
	s4 =	sshll.u32 s1, $0x4;
	_ =	strace $0x8000004D  }
0x8: {  	s7 =	ssub.s32 $0x2, s1;
	s21 =	smul.u32 $0x140000, s1;
	s4 =	sor.u32 s16, s4  }
0x9: {  	s9 =	sshrl.u32 s7, $0x1;
	s18 =	sshrl.u32 s8, $0x2;
	s24 =	sshrl.u32 s23, $0x2  }
0xa: {  	s23 =	simm.s32 $0x3;
	s26 =	ssub.s32 s7, s9;
	s7 =	sadd.s32 s18, s2  }
0xb: {  	s6 =	smul.u32 $0x1400, s4;
	s4 =	sadd.s32 $0x2000, s0;
	s9 =	sadd.s32 $0x1000, s7  }
0xc: {  	s10 =	sadd.s32 $0x2000, s7;
	s11 =	sadd.s32 $0x3000, s7;
	s12 =	sadd.s32 $0x4000, s7  }
0xd: {  	s13 =	sadd.s32 $0x5000, s7;
	s14 =	sadd.s32 $0x6000, s7;
	s15 =	sadd.s32 $0x7000, s7  }
0xe: {  	s16 =	sadd.s32 $0x8000, s7;
	s26 =	smax.u32 s26, $0x1;
	s6 =	sshrl.u32 s6, $0x3  }
0xf: {  	s17 =	sadd.s32 $0x9000, s7;
	[dreg:$0x9] =	wrdreg s26;
	s0 =	sadd.s32 s6, s0  }
0x10: {  	s19 =	sadd.s32 $0x6BA00, s0;
	s20 =	sadd.s32 $0x70A00, s0;
	s0 =	sadd.s32 $0x75A00, s0  }
0x11: {  	s18 =	sadd.s32 $0xA000, s7;
	[dreg:$0x6] =	wrdreg s0;
	s0 =	sadd.s32 s22, s21  }
0x12: {  	s26 =	simm.s32 $0xBC00;
	[dreg:$0x4] =	wrdreg s19;
	s0 =	sshrl.u32 s0, $0x3  }
0x13: {  	[dreg:$0x5] =	wrdreg s20;
	s19 =	sadd.s32 s5, s0;
	s0 =	sadd.s32 s24, s2  }
0x14: {  	s24 =	simm.s32 $0x1380;
	[dreg:$0x7] =	wrdreg s0;
	s25 =	sadd.s32 $0x14000, s19  }
0x15: {  	v0 =	vimm.f32 $0.0e+00;
	s0 =	simm.s32 $0x2;
	[dreg:$0x8] =	wrdreg s25;
	s25 =	simm.s32 $0x0  }
.LBB2_1:
0x16: {  	s1 =	rddreg [dreg:$0x4]  }
0x17: {  	[tilespmem:s3], [sflag:$0x3] =	stream.linear.gather [hbm4b:s1+s3], $0x1400, $0x38;
	[tilespmem:$0x17C00] =	vst v63  }
0x18: {  	_ =	swait.ge [sflag:s23], $0x1400  }
0x19: {  	[sflag:s23] =	ssyncset.done $0x0  }
0x1a: {  	s5 =	simm.s32 $0x1400;
	s20 =	rddreg [dreg:$0x5];
	[sflag:s23] =	ssyncadd.s32 $0xFFFFEC00  }
0x1b: {  	[tilespmem:s5], [sflag:$0x3] =	stream.linear.gather [hbm4b:s20+s3], $0x1400, $0x38;
	[tilespmem:$0x17C00] =	vst v63  }
0x1c: {  	_ =	swait.ge [sflag:s23], $0x1400  }
0x1d: {  	[sflag:s23] =	ssyncset.done $0x0  }
0x1e: {  	s22 =	simm.s32 $0x2800;
	s21 =	rddreg [dreg:$0x6];
	[sflag:s23] =	ssyncadd.s32 $0xFFFFEC00  }
0x1f: {  	[tilespmem:s22], [sflag:$0x3] =	stream.linear.gather [hbm4b:s21+s3], $0x1400, $0x38;
	[tilespmem:$0x17C00] =	vst v63  }
0x20: {  	_ =	swait.ge [sflag:s23], $0x1400  }
0x21: {  	[sflag:s23] =	ssyncset.done $0x0  }
0x22: {  	s1 =	simm.s32 $0x0;
	s5 =	simm.s32 $0x200;
	[sflag:s23] =	ssyncadd.s32 $0xFFFFEC00  }
.LBB2_2:
0x23: {  	p0 =	sne.s32 s5, $0x3E00;
	[tilespmem:s1+$0xBC70] =	vst v0  }
0x24: {  	[tilespmem:s1+$0xBC00] =	vst v0  }
0x25: {  	[tilespmem:s1+$0xBC10] =	vst v0  }
.Ltmp0:
0x26: {  	[tilespmem:s1+$0xBC20] =	vst v0;
	(pc) =	sbr.rel @p0 .LBB2_2-.Ltmp0, $4  }
0x27: {  	[tilespmem:s1+$0xBC30] =	vst v0  }
0x28: {  	[tilespmem:s1+$0xBC40] =	vst v0  }
0x29: {  	[tilespmem:s1+$0xBC50] =	vst v0  }
0x2a: {  	[tilespmem:s1+$0xBC60] =	vst v0;
	s1 =	sshra.s32 s5, $0x2;
	s5 =	sadd.s32 $0x200, s5  }
0x2b: {  	[tilespmem:s1+$0xBC70] =	vst v0  }
0x2c: {  	[tilespmem:s1+$0xBC00] =	vst v0  }
0x2d: {  	[tilespmem:s1+$0xBC10] =	vst v0  }
0x2e: {  	[tilespmem:s1+$0xBC20] =	vst v0  }
0x2f: {  	[tilespmem:s1+$0xBC30] =	vst v0  }
0x30: {  	[tilespmem:s1+$0xBC40] =	vst v0  }
0x31: {  	[tilespmem:s1+$0xBC50] =	vst v0  }
0x32: {  	[tilespmem:s1+$0xBC60] =	vst v0  }
0x33: {  	[spmem:s7] =	stream.linear.scatter [tilespmem:s26], [sflag:$0x3], $0x1000, $0x38;
	[tilespmem:$0x17C00] =	vst v63  }
0x34: {  	_ =	swait.ge [sflag:s23], $0x1000  }
0x35: {  	[sflag:s23] =	ssyncset.done $0x0  }
0x36: {  	[sflag:s23] =	ssyncadd.s32 $0xFFFFF000  }
0x37: {  	[spmem:s9] =	stream.linear.scatter [tilespmem:s26], [sflag:$0x3], $0x1000, $0x38;
	[tilespmem:$0x17C00] =	vst v63  }
0x38: {  	_ =	swait.ge [sflag:s23], $0x1000  }
0x39: {  	[sflag:s23] =	ssyncset.done $0x0  }
0x3a: {  	[sflag:s23] =	ssyncadd.s32 $0xFFFFF000  }
0x3b: {  	[spmem:s10] =	stream.linear.scatter [tilespmem:s26], [sflag:$0x3], $0x1000, $0x38;
	[tilespmem:$0x17C00] =	vst v63  }
0x3c: {  	_ =	swait.ge [sflag:s23], $0x1000  }
0x3d: {  	[sflag:s23] =	ssyncset.done $0x0  }
0x3e: {  	[sflag:s23] =	ssyncadd.s32 $0xFFFFF000  }
0x3f: {  	[spmem:s11] =	stream.linear.scatter [tilespmem:s26], [sflag:$0x3], $0x1000, $0x38;
	[tilespmem:$0x17C00] =	vst v63  }
0x40: {  	_ =	swait.ge [sflag:s23], $0x1000  }
0x41: {  	[sflag:s23] =	ssyncset.done $0x0  }
0x42: {  	[sflag:s23] =	ssyncadd.s32 $0xFFFFF000  }
0x43: {  	[spmem:s12] =	stream.linear.scatter [tilespmem:s26], [sflag:$0x3], $0x1000, $0x38;
	[tilespmem:$0x17C00] =	vst v63  }
0x44: {  	_ =	swait.ge [sflag:s23], $0x1000  }
0x45: {  	[sflag:s23] =	ssyncset.done $0x0  }
0x46: {  	[sflag:s23] =	ssyncadd.s32 $0xFFFFF000  }
0x47: {  	[spmem:s13] =	stream.linear.scatter [tilespmem:s26], [sflag:$0x3], $0x1000, $0x38;
	[tilespmem:$0x17C00] =	vst v63  }
0x48: {  	_ =	swait.ge [sflag:s23], $0x1000  }
0x49: {  	[sflag:s23] =	ssyncset.done $0x0  }
0x4a: {  	[sflag:s23] =	ssyncadd.s32 $0xFFFFF000  }
0x4b: {  	[spmem:s14] =	stream.linear.scatter [tilespmem:s26], [sflag:$0x3], $0x1000, $0x38;
	[tilespmem:$0x17C00] =	vst v63  }
0x4c: {  	_ =	swait.ge [sflag:s23], $0x1000  }
0x4d: {  	[sflag:s23] =	ssyncset.done $0x0  }
0x4e: {  	[sflag:s23] =	ssyncadd.s32 $0xFFFFF000  }
0x4f: {  	[spmem:s15] =	stream.linear.scatter [tilespmem:s26], [sflag:$0x3], $0x1000, $0x38;
	[tilespmem:$0x17C00] =	vst v63  }
0x50: {  	_ =	swait.ge [sflag:s23], $0x1000  }
0x51: {  	[sflag:s23] =	ssyncset.done $0x0  }
0x52: {  	[sflag:s23] =	ssyncadd.s32 $0xFFFFF000  }
0x53: {  	[spmem:s16] =	stream.linear.scatter [tilespmem:s26], [sflag:$0x3], $0x1000, $0x38;
	[tilespmem:$0x17C00] =	vst v63  }
0x54: {  	_ =	swait.ge [sflag:s23], $0x1000  }
0x55: {  	[sflag:s23] =	ssyncset.done $0x0  }
0x56: {  	[sflag:s23] =	ssyncadd.s32 $0xFFFFF000  }
0x57: {  	[spmem:s17] =	stream.linear.scatter [tilespmem:s26], [sflag:$0x3], $0x1000, $0x38;
	[tilespmem:$0x17C00] =	vst v63  }
0x58: {  	_ =	swait.ge [sflag:s23], $0x1000  }
0x59: {  	[sflag:s23] =	ssyncset.done $0x0  }
0x5a: {  	[sflag:s23] =	ssyncadd.s32 $0xFFFFF000  }
0x5b: {  	[spmem:s18] =	stream.linear.scatter [tilespmem:s26], [sflag:$0x3], $0x1000, $0x38;
	[tilespmem:$0x17C00] =	vst v63  }
0x5c: {  	_ =	swait.ge [sflag:s23], $0x1000  }
0x5d: {  	[sflag:s23] =	ssyncset.done $0x0  }
0x5e: {  	[sflag:s23] =	ssyncadd.s32 $0xFFFFF000  }
0x5f: {  	s6 =	simm.s32 $0x0;
	[bflag:$0x0] =	sbarrier.arrive $0xFFFF  }
0x60: {  	[tilespmem:s29], [sflag:$0x1] =	stream.indirect.gather [hbm4b:s4+s28], $0x80, s6, s28, $0xb8;
	[tilespmem:$0x17C00] =	vst v63  }
0x61: {  	s8 =	simm.s32 $0x80  }
0x62: {  	[tilespmem:s30], [sflag:$0x2] =	stream.indirect.gather [hbm4b:s4+s28], $0x80, s8, s28, $0xb8;
	[tilespmem:$0x17C00] =	vst v63  }
0x63: {  	_ =	swait.ge [sflag:s31], $0x4000  }
0x64: {  	[sflag:s31] =	ssyncset.done $0x0  }
0x65: {  	s20 =	simm.s32 $0x1400;
	[sflag:s31] =	ssyncadd.s32 $0xFFFFC000  }
0x66: {  	[spmem:s2] =	stream.indirect.scatter.add.f32 [tilespmem:s29], [sflag:$0x3], $0x80, s20, s28, $0xb8;
	[tilespmem:$0x17C00] =	vst v63  }
0x67: {  	_ =	swait.ge [sflag:s23], $0x4000  }
0x68: {  	[sflag:s23] =	ssyncset.done $0x0  }
0x69: {  	s21 =	simm.s32 $0x100;
	[sflag:s23] =	ssyncadd.s32 $0xFFFFC000  }
0x6a: {  	[tilespmem:s29], [sflag:$0x1] =	stream.indirect.gather [hbm4b:s4+s28], $0x80, s21, s28, $0xb8;
	[tilespmem:$0x17C00] =	vst v63  }
0x6b: {  	_ =	swait.ge [sflag:s0], $0x4000  }
0x6c: {  	[sflag:s0] =	ssyncset.done $0x0  }
0x6d: {  	s22 =	simm.s32 $0x1480;
	[sflag:s0] =	ssyncadd.s32 $0xFFFFC000  }
0x6e: {  	[spmem:s2] =	stream.indirect.scatter.add.f32 [tilespmem:s30], [sflag:$0x3], $0x80, s22, s28, $0xb8;
	[tilespmem:$0x17C00] =	vst v63  }
0x6f: {  	_ =	swait.ge [sflag:s23], $0x4000  }
0x70: {  	s5 =	simm.s32 $0x800;
	s1 =	simm.s32 $0x100;
	[sflag:s23] =	ssyncset.done $0x0  }
.LBB2_4:
0x71: {  	s6 =	sadd.s32 $0x80, s1  }
0x72: {  	[sflag:s23] =	ssyncadd.s32 $0xFFFFC000;
	s8 =	smov.u32 s5;
	s20 =	sadd.s32 $0x400, s5  }
0x73: {  	[tilespmem:s30], [sflag:$0x2] =	stream.indirect.gather [hbm4b:s4+s28], $0x80, s6, s28, $0xb8;
	[tilespmem:$0x17C00] =	vst v63  }
0x74: {  	p0 =	sne.s32 s5, $0x4800;
	_ =	swait.ge [sflag:s31], $0x4000  }
0x75: {  	[sflag:s31] =	ssyncset.done $0x0  }
0x76: {  	s5 =	sadd.s32 $0x1400, s1;
	[sflag:s31] =	ssyncadd.s32 $0xFFFFC000  }
0x77: {  	[spmem:s2] =	stream.indirect.scatter.add.f32 [tilespmem:s29], [sflag:$0x3], $0x80, s5, s28, $0xb8;
	[tilespmem:$0x17C00] =	vst v63  }
0x78: {  	_ =	swait.ge [sflag:s23], $0x4000  }
0x79: {  	[sflag:s23] =	ssyncset.done $0x0  }
0x7a: {  	s5 =	sadd.s32 $0x100, s1;
	[sflag:s23] =	ssyncadd.s32 $0xFFFFC000  }
0x7b: {  	[tilespmem:s29], [sflag:$0x1] =	stream.indirect.gather [hbm4b:s4+s28], $0x80, s5, s28, $0xb8;
	[tilespmem:$0x17C00] =	vst v63  }
0x7c: {  	_ =	swait.ge [sflag:s0], $0x4000  }
.Ltmp1:
0x7d: {  	[sflag:s0] =	ssyncset.done $0x0;
	(pc) =	sbr.rel @p0 .LBB2_4-.Ltmp1, $4  }
0x7e: {  	s1 =	sadd.s32 $0x1480, s1;
	[sflag:s0] =	ssyncadd.s32 $0xFFFFC000  }
0x7f: {  	[spmem:s2] =	stream.indirect.scatter.add.f32 [tilespmem:s30], [sflag:$0x3], $0x80, s1, s28, $0xb8;
	[tilespmem:$0x17C00] =	vst v63  }
0x80: {  	_ =	swait.ge [sflag:s23], $0x4000  }
0x81: {  	s5 =	smov.u32 s20;
	s1 =	sshra.s32 s8, $0x2;
	[sflag:s23] =	ssyncset.done $0x0  }
0x82: {  	s5 =	sadd.s32 $0x80, s1;
	[sflag:s23] =	ssyncadd.s32 $0xFFFFC000  }
0x83: {  	[tilespmem:s30], [sflag:$0x2] =	stream.indirect.gather [hbm4b:s4+s28], $0x80, s5, s28, $0xb8;
	[tilespmem:$0x17C00] =	vst v63  }
0x84: {  	_ =	swait.ge [sflag:s31], $0x4000  }
0x85: {  	[sflag:s31] =	ssyncset.done $0x0  }
0x86: {  	s6 =	sadd.s32 $0x1400, s1;
	[sflag:s31] =	ssyncadd.s32 $0xFFFFC000  }
0x87: {  	[spmem:s2] =	stream.indirect.scatter.add.f32 [tilespmem:s29], [sflag:$0x3], $0x80, s6, s28, $0xb8;
	[tilespmem:$0x17C00] =	vst v63  }
0x88: {  	_ =	swait.ge [sflag:s23], $0x4000  }
0x89: {  	[sflag:s23] =	ssyncset.done $0x0  }
0x8a: {  	s8 =	sadd.s32 $0x100, s1;
	[sflag:s23] =	ssyncadd.s32 $0xFFFFC000  }
0x8b: {  	[tilespmem:s29], [sflag:$0x1] =	stream.indirect.gather [hbm4b:s4+s28], $0x80, s8, s28, $0xb8;
	[tilespmem:$0x17C00] =	vst v63  }
0x8c: {  	_ =	swait.ge [sflag:s0], $0x4000  }
0x8d: {  	[sflag:s0] =	ssyncset.done $0x0  }
0x8e: {  	s20 =	sadd.s32 $0x1480, s1;
	[sflag:s0] =	ssyncadd.s32 $0xFFFFC000  }
0x8f: {  	[spmem:s2] =	stream.indirect.scatter.add.f32 [tilespmem:s30], [sflag:$0x3], $0x80, s20, s28, $0xb8;
	[tilespmem:$0x17C00] =	vst v63  }
0x90: {  	_ =	swait.ge [sflag:s23], $0x4000  }
0x91: {  	[sflag:s23] =	ssyncset.done $0x0  }
0x92: {  	[sflag:s23] =	ssyncadd.s32 $0xFFFFC000  }
0x93: {  	[tilespmem:s30], [sflag:$0x2] =	stream.indirect.gather [hbm4b:s4+s28], $0x80, s24, s28, $0xb8;
	[tilespmem:$0x17C00] =	vst v63  }
0x94: {  	_ =	swait.ge [sflag:s31], $0x4000  }
0x95: {  	[sflag:s31] =	ssyncset.done $0x0  }
0x96: {  	s21 =	simm.s32 $0x2700;
	[sflag:s31] =	ssyncadd.s32 $0xFFFFC000  }
0x97: {  	[spmem:s2] =	stream.indirect.scatter.add.f32 [tilespmem:s29], [sflag:$0x3], $0x80, s21, s28, $0xb8;
	[tilespmem:$0x17C00] =	vst v63  }
0x98: {  	_ =	swait.ge [sflag:s23], $0x4000  }
0x99: {  	[sflag:s23] =	ssyncset.done $0x0  }
0x9a: {  	[sflag:s23] =	ssyncadd.s32 $0xFFFFC000  }
0x9b: {  	_ =	swait.ge [sflag:s0], $0x4000  }
0x9c: {  	[sflag:s0] =	ssyncset.done $0x0  }
0x9d: {  	s22 =	simm.s32 $0x2780;
	[sflag:s0] =	ssyncadd.s32 $0xFFFFC000  }
0x9e: {  	[spmem:s2] =	stream.indirect.scatter.add.f32 [tilespmem:s30], [sflag:$0x3], $0x80, s22, s28, $0xb8;
	[tilespmem:$0x17C00] =	vst v63  }
0x9f: {  	_ =	swait.ge [sflag:s23], $0x4000  }
0xa0: {  	[sflag:s23] =	ssyncset.done $0x0  }
0xa1: {  	[sflag:s23] =	ssyncadd.s32 $0xFFFFC000  }
0xa2: {  	s5 =	stileid.u32;
	[bflag:$0x0] =	sbarrier.arrive $0xFFFF  }
0xa3: {  	s1 =	sshll.u32 s5, $0x6;
	s6 =	rddreg [dreg:$0x7]  }
0xa4: {  	s1 =	sor.u32 $0x1C03, s1;
	s5 =	sshrl.u32 s6, $0x3  }
0xa5: {  	[hbm:s19], [sflag:s1] =	dma.local [spmem:s5], $0x1400  }
0xa6: {  	_ =	swait.ge [sflag:s23], $0x1400  }
0xa7: {  	[sflag:s23] =	ssyncset.done $0x0  }
0xa8: {  	[sflag:s23] =	ssyncadd.s32 $0xFFFFEC00  }
0xa9: {  	[bflag:$0x0] =	sbarrier.arrive $0xFFFF  }
0xaa: {  	[spmem:s7] =	stream.linear.scatter [tilespmem:s26], [sflag:$0x3], $0x1000, $0x38;
	[tilespmem:$0x17C00] =	vst v63  }
0xab: {  	_ =	swait.ge [sflag:s23], $0x1000  }
0xac: {  	[sflag:s23] =	ssyncset.done $0x0  }
0xad: {  	[sflag:s23] =	ssyncadd.s32 $0xFFFFF000  }
0xae: {  	[spmem:s9] =	stream.linear.scatter [tilespmem:s26], [sflag:$0x3], $0x1000, $0x38;
	[tilespmem:$0x17C00] =	vst v63  }
0xaf: {  	_ =	swait.ge [sflag:s23], $0x1000  }
0xb0: {  	[sflag:s23] =	ssyncset.done $0x0  }
0xb1: {  	[sflag:s23] =	ssyncadd.s32 $0xFFFFF000  }
0xb2: {  	[spmem:s10] =	stream.linear.scatter [tilespmem:s26], [sflag:$0x3], $0x1000, $0x38;
	[tilespmem:$0x17C00] =	vst v63  }
0xb3: {  	_ =	swait.ge [sflag:s23], $0x1000  }
0xb4: {  	[sflag:s23] =	ssyncset.done $0x0  }
0xb5: {  	[sflag:s23] =	ssyncadd.s32 $0xFFFFF000  }
0xb6: {  	[spmem:s11] =	stream.linear.scatter [tilespmem:s26], [sflag:$0x3], $0x1000, $0x38;
	[tilespmem:$0x17C00] =	vst v63  }
0xb7: {  	_ =	swait.ge [sflag:s23], $0x1000  }
0xb8: {  	[sflag:s23] =	ssyncset.done $0x0  }
0xb9: {  	[sflag:s23] =	ssyncadd.s32 $0xFFFFF000  }
0xba: {  	[spmem:s12] =	stream.linear.scatter [tilespmem:s26], [sflag:$0x3], $0x1000, $0x38;
	[tilespmem:$0x17C00] =	vst v63  }
0xbb: {  	_ =	swait.ge [sflag:s23], $0x1000  }
0xbc: {  	[sflag:s23] =	ssyncset.done $0x0  }
0xbd: {  	[sflag:s23] =	ssyncadd.s32 $0xFFFFF000  }
0xbe: {  	[spmem:s13] =	stream.linear.scatter [tilespmem:s26], [sflag:$0x3], $0x1000, $0x38;
	[tilespmem:$0x17C00] =	vst v63  }
0xbf: {  	_ =	swait.ge [sflag:s23], $0x1000  }
0xc0: {  	[sflag:s23] =	ssyncset.done $0x0  }
0xc1: {  	[sflag:s23] =	ssyncadd.s32 $0xFFFFF000  }
0xc2: {  	[spmem:s14] =	stream.linear.scatter [tilespmem:s26], [sflag:$0x3], $0x1000, $0x38;
	[tilespmem:$0x17C00] =	vst v63  }
0xc3: {  	_ =	swait.ge [sflag:s23], $0x1000  }
0xc4: {  	[sflag:s23] =	ssyncset.done $0x0  }
0xc5: {  	[sflag:s23] =	ssyncadd.s32 $0xFFFFF000  }
0xc6: {  	[spmem:s15] =	stream.linear.scatter [tilespmem:s26], [sflag:$0x3], $0x1000, $0x38;
	[tilespmem:$0x17C00] =	vst v63  }
0xc7: {  	_ =	swait.ge [sflag:s23], $0x1000  }
0xc8: {  	[sflag:s23] =	ssyncset.done $0x0  }
0xc9: {  	[sflag:s23] =	ssyncadd.s32 $0xFFFFF000  }
0xca: {  	[spmem:s16] =	stream.linear.scatter [tilespmem:s26], [sflag:$0x3], $0x1000, $0x38;
	[tilespmem:$0x17C00] =	vst v63  }
0xcb: {  	_ =	swait.ge [sflag:s23], $0x1000  }
0xcc: {  	[sflag:s23] =	ssyncset.done $0x0  }
0xcd: {  	[sflag:s23] =	ssyncadd.s32 $0xFFFFF000  }
0xce: {  	[spmem:s17] =	stream.linear.scatter [tilespmem:s26], [sflag:$0x3], $0x1000, $0x38;
	[tilespmem:$0x17C00] =	vst v63  }
0xcf: {  	_ =	swait.ge [sflag:s23], $0x1000  }
0xd0: {  	[sflag:s23] =	ssyncset.done $0x0  }
0xd1: {  	[sflag:s23] =	ssyncadd.s32 $0xFFFFF000  }
0xd2: {  	[spmem:s18] =	stream.linear.scatter [tilespmem:s26], [sflag:$0x3], $0x1000, $0x38;
	[tilespmem:$0x17C00] =	vst v63  }
0xd3: {  	_ =	swait.ge [sflag:s23], $0x1000  }
0xd4: {  	[sflag:s23] =	ssyncset.done $0x0  }
0xd5: {  	[sflag:s23] =	ssyncadd.s32 $0xFFFFF000  }
0xd6: {  	s6 =	simm.s32 $0x0;
	[bflag:$0x0] =	sbarrier.arrive $0xFFFF  }
0xd7: {  	[tilespmem:s29], [sflag:$0x1] =	stream.indirect.gather [hbm4b:s4+s28], $0x80, s6, s28, $0xb8;
	[tilespmem:$0x17C00] =	vst v63  }
0xd8: {  	s8 =	simm.s32 $0x80  }
0xd9: {  	[tilespmem:s30], [sflag:$0x2] =	stream.indirect.gather [hbm4b:s4+s28], $0x80, s8, s28, $0xb8;
	[tilespmem:$0x17C00] =	vst v63  }
0xda: {  	_ =	swait.ge [sflag:s31], $0x4000  }
0xdb: {  	[sflag:s31] =	ssyncset.done $0x0  }
0xdc: {  	s20 =	simm.s32 $0x2800;
	[sflag:s31] =	ssyncadd.s32 $0xFFFFC000  }
0xdd: {  	[spmem:s2] =	stream.indirect.scatter.add.f32 [tilespmem:s29], [sflag:$0x3], $0x80, s20, s28, $0xb8;
	[tilespmem:$0x17C00] =	vst v63  }
0xde: {  	_ =	swait.ge [sflag:s23], $0x4000  }
0xdf: {  	[sflag:s23] =	ssyncset.done $0x0  }
0xe0: {  	s21 =	simm.s32 $0x100;
	[sflag:s23] =	ssyncadd.s32 $0xFFFFC000  }
0xe1: {  	[tilespmem:s29], [sflag:$0x1] =	stream.indirect.gather [hbm4b:s4+s28], $0x80, s21, s28, $0xb8;
	[tilespmem:$0x17C00] =	vst v63  }
0xe2: {  	_ =	swait.ge [sflag:s0], $0x4000  }
0xe3: {  	[sflag:s0] =	ssyncset.done $0x0  }
0xe4: {  	s22 =	simm.s32 $0x2880;
	[sflag:s0] =	ssyncadd.s32 $0xFFFFC000  }
0xe5: {  	[spmem:s2] =	stream.indirect.scatter.add.f32 [tilespmem:s30], [sflag:$0x3], $0x80, s22, s28, $0xb8;
	[tilespmem:$0x17C00] =	vst v63  }
0xe6: {  	_ =	swait.ge [sflag:s23], $0x4000  }
0xe7: {  	s6 =	simm.s32 $0x100;
	s8 =	simm.s32 $0x800;
	[sflag:s23] =	ssyncset.done $0x0  }
.LBB2_6:
0xe8: {  	s20 =	sadd.s32 $0x80, s6  }
0xe9: {  	[sflag:s23] =	ssyncadd.s32 $0xFFFFC000;
	s21 =	smov.u32 s8;
	s22 =	sadd.s32 $0x400, s8  }
0xea: {  	[tilespmem:s30], [sflag:$0x2] =	stream.indirect.gather [hbm4b:s4+s28], $0x80, s20, s28, $0xb8;
	[tilespmem:$0x17C00] =	vst v63  }
0xeb: {  	p0 =	sne.s32 s8, $0x4800;
	_ =	swait.ge [sflag:s31], $0x4000  }
0xec: {  	[sflag:s31] =	ssyncset.done $0x0  }
0xed: {  	s8 =	sadd.s32 $0x2800, s6;
	[sflag:s31] =	ssyncadd.s32 $0xFFFFC000  }
0xee: {  	[spmem:s2] =	stream.indirect.scatter.add.f32 [tilespmem:s29], [sflag:$0x3], $0x80, s8, s28, $0xb8;
	[tilespmem:$0x17C00] =	vst v63  }
0xef: {  	_ =	swait.ge [sflag:s23], $0x4000  }
0xf0: {  	[sflag:s23] =	ssyncset.done $0x0  }
0xf1: {  	s8 =	sadd.s32 $0x100, s6;
	[sflag:s23] =	ssyncadd.s32 $0xFFFFC000  }
0xf2: {  	[tilespmem:s29], [sflag:$0x1] =	stream.indirect.gather [hbm4b:s4+s28], $0x80, s8, s28, $0xb8;
	[tilespmem:$0x17C00] =	vst v63  }
0xf3: {  	_ =	swait.ge [sflag:s0], $0x4000  }
.Ltmp2:
0xf4: {  	[sflag:s0] =	ssyncset.done $0x0;
	(pc) =	sbr.rel @p0 .LBB2_6-.Ltmp2, $4  }
0xf5: {  	s6 =	sadd.s32 $0x2880, s6;
	[sflag:s0] =	ssyncadd.s32 $0xFFFFC000  }
0xf6: {  	[spmem:s2] =	stream.indirect.scatter.add.f32 [tilespmem:s30], [sflag:$0x3], $0x80, s6, s28, $0xb8;
	[tilespmem:$0x17C00] =	vst v63  }
0xf7: {  	_ =	swait.ge [sflag:s23], $0x4000  }
0xf8: {  	s8 =	smov.u32 s22;
	s6 =	sshra.s32 s21, $0x2;
	[sflag:s23] =	ssyncset.done $0x0  }
0xf9: {  	s8 =	sadd.s32 $0x80, s6;
	[sflag:s23] =	ssyncadd.s32 $0xFFFFC000  }
0xfa: {  	[tilespmem:s30], [sflag:$0x2] =	stream.indirect.gather [hbm4b:s4+s28], $0x80, s8, s28, $0xb8;
	[tilespmem:$0x17C00] =	vst v63  }
0xfb: {  	_ =	swait.ge [sflag:s31], $0x4000  }
0xfc: {  	[sflag:s31] =	ssyncset.done $0x0  }
0xfd: {  	s20 =	sadd.s32 $0x2800, s6;
	[sflag:s31] =	ssyncadd.s32 $0xFFFFC000  }
0xfe: {  	[spmem:s2] =	stream.indirect.scatter.add.f32 [tilespmem:s29], [sflag:$0x3], $0x80, s20, s28, $0xb8;
	[tilespmem:$0x17C00] =	vst v63  }
0xff: {  	_ =	swait.ge [sflag:s23], $0x4000  }
0x100: {  	[sflag:s23] =	ssyncset.done $0x0  }
0x101: {  	s21 =	sadd.s32 $0x100, s6;
	[sflag:s23] =	ssyncadd.s32 $0xFFFFC000  }
0x102: {  	[tilespmem:s29], [sflag:$0x1] =	stream.indirect.gather [hbm4b:s4+s28], $0x80, s21, s28, $0xb8;
	[tilespmem:$0x17C00] =	vst v63  }
0x103: {  	_ =	swait.ge [sflag:s0], $0x4000  }
0x104: {  	[sflag:s0] =	ssyncset.done $0x0  }
0x105: {  	s22 =	sadd.s32 $0x2880, s6;
	[sflag:s0] =	ssyncadd.s32 $0xFFFFC000  }
0x106: {  	[spmem:s2] =	stream.indirect.scatter.add.f32 [tilespmem:s30], [sflag:$0x3], $0x80, s22, s28, $0xb8;
	[tilespmem:$0x17C00] =	vst v63  }
0x107: {  	_ =	swait.ge [sflag:s23], $0x4000  }
0x108: {  	[sflag:s23] =	ssyncset.done $0x0  }
0x109: {  	[sflag:s23] =	ssyncadd.s32 $0xFFFFC000  }
0x10a: {  	[tilespmem:s30], [sflag:$0x2] =	stream.indirect.gather [hbm4b:s4+s28], $0x80, s24, s28, $0xb8;
	[tilespmem:$0x17C00] =	vst v63  }
0x10b: {  	_ =	swait.ge [sflag:s31], $0x4000  }
0x10c: {  	[sflag:s31] =	ssyncset.done $0x0  }
0x10d: {  	s8 =	simm.s32 $0x3B00;
	[sflag:s31] =	ssyncadd.s32 $0xFFFFC000  }
0x10e: {  	[spmem:s2] =	stream.indirect.scatter.add.f32 [tilespmem:s29], [sflag:$0x3], $0x80, s8, s28, $0xb8;
	[tilespmem:$0x17C00] =	vst v63  }
0x10f: {  	_ =	swait.ge [sflag:s23], $0x4000  }
0x110: {  	[sflag:s23] =	ssyncset.done $0x0  }
0x111: {  	[sflag:s23] =	ssyncadd.s32 $0xFFFFC000  }
0x112: {  	_ =	swait.ge [sflag:s0], $0x4000  }
0x113: {  	[sflag:s0] =	ssyncset.done $0x0  }
0x114: {  	s20 =	simm.s32 $0x3B80;
	[sflag:s0] =	ssyncadd.s32 $0xFFFFC000  }
0x115: {  	[spmem:s2] =	stream.indirect.scatter.add.f32 [tilespmem:s30], [sflag:$0x3], $0x80, s20, s28, $0xb8;
	[tilespmem:$0x17C00] =	vst v63  }
0x116: {  	_ =	swait.ge [sflag:s23], $0x4000  }
0x117: {  	[sflag:s23] =	ssyncset.done $0x0  }
0x118: {  	[sflag:s23] =	ssyncadd.s32 $0xFFFFC000  }
0x119: {  	[bflag:$0x0] =	sbarrier.arrive $0xFFFF  }
0x11a: {  	s21 =	rddreg [dreg:$0x8]  }
0x11b: {  	[hbm:s21], [sflag:s1] =	dma.local [spmem:s5], $0x1400  }
0x11c: {  	_ =	swait.ge [sflag:s23], $0x1400  }
0x11d: {  	s25 =	sadd.s32 $0x1, s25;
	s22 =	rddreg [dreg:$0x9]  }
0x11e: {  	p0 =	sne.s32 s25, s22  }
.Ltmp3:
0x11f: {  	_ = 	snop;
	(pc) =	sbr.rel @p0 .LBB2_1-.Ltmp3, $3  }
0x120: {  	[sflag:s23] =	ssyncset.done $0x0  }
0x121: {  	[sflag:s23] =	ssyncadd.s32 $0xFFFFEC00  }
0x122: {  	[bflag:$0x0] =	sbarrier.arrive $0xFFFF;
	_ =	sdelay $0x1  }
0x123: {  	_ =	sfence.sel $0x180000  }
0x124: {  	[bflag:$0x0] =	sbarrier.arrive $0xFFFF  }
0x125: {  	_ =	strace $0x9000004D  }
0x126: {  	s0 =	stileid.u32;
	[bflag:$0x2] =	sbarrier.arrive $0xFFFF  }
0x127: {  	p0 =	sne.s32 s0, $0x0;
	s0 =	rddreg [dreg:$0x3]  }
0x128: {  	s0 =	sadd.s32 @!p0 $0x100000, s0  }
0x129: {  	[sflag:s0] =	ssyncadd.tile.s32 @!p0 $0x1;
	_ =	shalt  }
.Lfunc_end2:
_tile_overlayer_lowered:
.L_overlay_start_2:
0x12a: {  	(tag) =	ssettag $0x2  }
0x12b: {  	s0 =	rddreg [dreg:$0x0];
	s2 =	stileid.u32  }
0x12c: {  	s1 =	rddreg [dreg:$0x1];
	p0 =	sne.s32 s2, $0x0  }
0x12d: {  	s3 =	rddreg [dreg:$0x2];
	[bflag:$0x3] =	sbarrier.arrive $0xFFFF;
	s2 =	simm.s32 @!p0 $0x1C03  }
0x12e: {  	[timem:s3], [sflag:s2] =	dma.local @!p0 [hbm:s0], s1  }
0x12f: {  	s0 =	simm.s32 @!p0 $0x3  }
0x130: {  	_ =	swait.ge @!p0 [sflag:s0], s1  }
0x131: {  	s1 =	ssub.s32 @!p0 $0x0, s1;
	[sflag:s0] =	ssyncset.done @!p0 $0x0  }
0x132: {  	[sflag:s0] =	ssyncadd.s32 @!p0 s1  }
0x133: {  	[bflag:$0x3] =	sbarrier.arrive $0xFFFF  }
0x134: {  	_ =	shalt  }

// kernel: kernel.9.cloned.1.call-start
scs
__scs_entry_jumppad:
0x0: {  	(pc) =	sbr.rel $0x88, $3  }
0x1: {  	(tag) =	ssettag $0x0;
	lr =	simm.s32 $0x1  }
0x2: {  	[smem:$0x3F9B] =	sst lr;
	_ =	strace $0xD0000000  }
0x3: {  	_ = 	snop  }
0x4: {  	_ = 	snop  }
0x5: {  	_ = 	snop  }
0x6: {  	_ = 	snop  }
0x7: {  	_ = 	snop  }
__scs_overlays_trampoline_lowered:
0x8: {  	[smem:$0x3FAA] =	sst s0  }
0x9: {  	[smem:$0x3FAB] =	sst s1  }
0xa: {  	[smem:$0x3FAC] =	sst s2  }
0xb: {  	[smem:$0x3FAD] =	sst s3  }
0xc: {  	[smem:$0x3FAE] =	sst s4  }
0xd: {  	[smem:$0x3FAF] =	sst s5  }
0xe: {  	[smem:$0x3FB0] =	sst s6  }
0xf: {  	[smem:$0x3FB1] =	sst s7  }
0x10: {  	[smem:$0x3FB2] =	sst s8  }
0x11: {  	[smem:$0x3FB3] =	sst s9;
	s0 =	simm.s32 @!p0 $0x0  }
0x12: {  	s1 =	sld [smem:$0x3F99];
	s0 =	simm.s32 @p0 $0x1  }
0x13: {  	[smem:$0x3FB4] =	sst s0;
	s0 =	simm.s32 @!p1 $0x0  }
0x14: {  	s2 =	sld [smem:$0x3F98];
	s0 =	simm.s32 @p1 $0x1  }
0x15: {  	[smem:$0x3FB5] =	sst s0;
	s0 =	simm.s32 @!p2 $0x0  }
0x16: {  	s3 =	sld [smem:$0x3FDB];
	s0 =	simm.s32 @p2 $0x1  }
0x17: {  	s4 =	simm.s32 $0x1BF5;
	[smem:$0x3FB7] =	sst s0  }
0x18: {  	s0 =	sld [smem:$0x3F9A];
	_ =	swait.ge [sflag:s4], $0x0  }
0x19: {  	s7 =	sld [smem:$0x3F9B]  }
0x1a: {  	s8 =	sadd.s32 $0xFFFFE003, lr  }
0x1b: {  	s9 =	sadd.s32 $0xFFFFFEF7, lr;
	s5 =	simm.s32 $0xFFFFFFFF;
	p2 =	slt.u32 s8, $0xFFFFF086  }
0x1c: {  	p1 =	slt.u32 s9, $0xF7A;
	s5 =	simm.s32 @!p2 $0x0  }
0x1d: {  	s5 =	simm.s32 @p1 $0x1;
	p0 =	seq.s32 s7, s2  }
0x1e: {  	s7 =	smul.u32 @!p0 $0xF7A, s2;
	p2 =	seq.s32 @!p0 s5, $0x0  }
0x1f: {  	s9 =	smul.u32 $0xF7A, s1;
	s8 =	simm.s32 @!p0 $0x1BF5;
	p2 =	por !p2, p0  }
0x20: {  	[sflag:s8] =	ssyncset.s32 @!p0 $0xFFFFF086;
	s6 =	sadd.s32 @!p0 s3, s7;
	s7 =	simm.s32 @!p0 $0x108  }
0x21: {  	s3 =	sadd.s32 s3, s9;
	s6 =	sadd.s32 @!p0 $0x88, s6;
	s7 =	simm.s32 @p2 $0x1082  }
0x22: {  	[simem:s7], [sflag:s8] =	dma.local @!p0 [hbm:s6], $0xF7A  }
0x23: {  	s9 =	sor.u32 $0xD0000000, s2;
	s6 =	simm.s32 $0x108;
	_ =	swait.ge @!p0 [sflag:s8], $0x0  }
0x24: {  	s3 =	sadd.s32 $0x88, s3;
	s6 =	simm.s32 @!p1 $0x1082;
	[sflag:s4] =	ssyncset.s32 $0xFFFFF086  }
0x25: {  	[simem:s6], [sflag:s4] =	dma.local [hbm:s3], $0xF7A  }
0x26: {  	[smem:$0x3F9B] =	sst s1;
	(tag) =	ssettag s2;
	_ =	strace s9  }
0x27: {  	s1 =	sld [smem:$0x3FAB]  }
0x28: {  	s2 =	sld [smem:$0x3FAC]  }
0x29: {  	s4 =	sld [smem:$0x3FAE]  }
0x2a: {  	p0 =	seq.s32 s5, $0x0;
	s5 =	sld [smem:$0x3FAF]  }
0x2b: {  	s6 =	sld [smem:$0x3FB0]  }
0x2c: {  	s7 =	sld [smem:$0x3FB1]  }
0x2d: {  	s3 =	simm.s32 $0x108;
	s8 =	sld [smem:$0x3FB2]  }
0x2e: {  	s3 =	simm.s32 @!p0 $0x1082;
	s9 =	sld [smem:$0x3FB3]  }
0x2f: {  	lr =	sadd.s32 s0, s3;
	s0 =	sld [smem:$0x3FAA]  }
0x30: {  	s3 =	sld [smem:$0x3FAD]  }
0x31: {  	[smem:$0x3FB6] =	sst s10  }
0x32: {  	s10 =	sld [smem:$0x3FB4];
	_ =	sdelay $0x3  }
0x33: {  	p0 =	seq.s32 s10, $0x1;
	s10 =	sld [smem:$0x3FB6];
	_ =	sdelay $0x3  }
0x34: {  	[smem:$0x3FB6] =	sst s10  }
0x35: {  	s10 =	sld [smem:$0x3FB5];
	_ =	sdelay $0x3  }
0x36: {  	p1 =	seq.s32 s10, $0x1;
	s10 =	sld [smem:$0x3FB6];
	_ =	sdelay $0x3  }
0x37: {  	[smem:$0x3FB6] =	sst s10  }
0x38: {  	s10 =	sld [smem:$0x3FB7]  }
0x39: {  	_ = 	snop;
	(pc) =	sbr.ind lr, $3  }
0x3a: {  	_ = 	snop  }
0x3b: {  	_ = 	snop  }
0x3c: {  	p2 =	seq.s32 s10, $0x1;
	s10 =	sld [smem:$0x3FB6]  }
0x3d: {  	_ =	shalt  }
0x3e: {  	_ =	shalt  }
0x3f: {  	_ =	shalt  }
0x40: {  	_ =	shalt  }
0x41: {  	_ =	shalt  }
0x42: {  	_ =	shalt  }
0x43: {  	_ =	shalt  }
0x44: {  	_ =	shalt  }
0x45: {  	_ =	shalt  }
0x46: {  	_ =	shalt  }
0x47: {  	_ =	shalt  }
0x48: {  	_ =	shalt  }
0x49: {  	_ =	shalt  }
0x4a: {  	_ =	shalt  }
0x4b: {  	_ =	shalt  }
0x4c: {  	_ =	shalt  }
0x4d: {  	_ =	shalt  }
0x4e: {  	_ =	shalt  }
0x4f: {  	_ =	shalt  }
0x50: {  	_ =	shalt  }
0x51: {  	_ =	shalt  }
0x52: {  	_ =	shalt  }
0x53: {  	_ =	shalt  }
0x54: {  	_ =	shalt  }
0x55: {  	_ =	shalt  }
0x56: {  	_ =	shalt  }
0x57: {  	_ =	shalt  }
0x58: {  	_ =	shalt  }
0x59: {  	_ =	shalt  }
0x5a: {  	_ =	shalt  }
0x5b: {  	_ =	shalt  }
0x5c: {  	_ =	shalt  }
0x5d: {  	_ =	shalt  }
0x5e: {  	_ =	shalt  }
0x5f: {  	_ =	shalt  }
0x60: {  	_ =	shalt  }
0x61: {  	_ =	shalt  }
0x62: {  	_ =	shalt  }
0x63: {  	_ =	shalt  }
0x64: {  	_ =	shalt  }
0x65: {  	_ =	shalt  }
0x66: {  	_ =	shalt  }
0x67: {  	_ =	shalt  }
0x68: {  	_ =	shalt  }
0x69: {  	_ =	shalt  }
0x6a: {  	_ =	shalt  }
0x6b: {  	_ =	shalt  }
0x6c: {  	_ =	shalt  }
0x6d: {  	_ =	shalt  }
0x6e: {  	_ =	shalt  }
0x6f: {  	_ =	shalt  }
0x70: {  	_ =	shalt  }
0x71: {  	_ =	shalt  }
0x72: {  	_ =	shalt  }
0x73: {  	_ =	shalt  }
0x74: {  	_ =	shalt  }
0x75: {  	_ =	shalt  }
0x76: {  	_ =	shalt  }
0x77: {  	_ =	shalt  }
0x78: {  	_ =	shalt  }
0x79: {  	_ =	shalt  }
0x7a: {  	_ =	shalt  }
0x7b: {  	_ =	shalt  }
0x7c: {  	_ =	shalt  }
0x7d: {  	_ =	shalt  }
0x7e: {  	_ =	shalt  }
0x7f: {  	_ =	shalt  }
0x80: {  	_ =	shalt  }
0x81: {  	_ =	shalt  }
0x82: {  	_ =	shalt  }
0x83: {  	_ =	shalt  }
0x84: {  	_ =	shalt  }
0x85: {  	_ =	shalt  }
0x86: {  	_ =	shalt  }
0x87: {  	_ =	shalt  }
.Lfunc_end0:
.L_simem_size_0:
called_computation_lowered:
.L_overlay_start_0:
0x88: {  	s2 =	sld [smem:$0x3FD9]  }
0x89: {  	s3 =	sld [smem:$0x3FFE];
	_ =	sdelay $0x1  }
0x8a: {  	s1 =	srdreg.scid  }
0x8b: {  	s0 =	sand.u32 $0x1, s1  }
0x8c: {  	s16 =	sshll.u32 s0, $0xA;
	s2 =	sadd.s32 s3, s2  }
0x8d: {  	s2 =	sadd.s32 s2, s16  }
0x8e: {  	[smem:$0x3FC2] =	sst s2  }
0x8f: {  	_ = 	snop  }
0x90: {  	(tm) =	ssettm $0x1  }
0x91: {  	s17 =	sld [smem:$0x3FFB];
	_ =	sdelay $0x3  }
0x92: {  	_ =	strace s17  }
0x93: {  	s2 =	sld [smem:$0x3FFC];
	_ =	sdelay $0x3  }
0x94: {  	_ =	strace s2  }
0x95: {  	s2 =	sld [smem:$0x3FFD];
	_ =	sdelay $0x3  }
0x96: {  	_ =	strace s2  }
0x97: {  	_ =	strace $0x8FFFFFFF  }
0x98: {  	s18 =	sld [smem:$0x3FDB];
	_ =	sdelay $0x1  }
0x99: {  	s19 =	simm.s32 $_scs_section_size  }
0x9a: {  	s4 =	simm.s32 $_size__tile_overlayer_lowered;
	s5 =	simm.s32 $_tile_overlayer_lowered  }
0x9b: {  	s22 =	simm.s32 $0x1BFF;
	s21 =	sshll.u32 s5, $0x1;
	s2 =	sadd.s32 s19, s18  }
0x9c: {  	s6 =	simm.s32 $0x0;
	s20 =	sshll.u32 s4, $0x1;
	s4 =	sadd.s32 s21, s2  }
0x9d: {  	[timem:s6], [sflag:s22] =	dma.local [hbm:s4], s20  }
0x9e: {  	_ =	swait.ge [sflag:s22], s20  }
0x9f: {  	s3 =	ssub.s32 $0x0, s20;
	[sflag:s22] =	ssyncset.done $0x0  }
0xa0: {  	[sflag:s22] =	ssyncadd.s32 s3;
	_ =	sdelay $0x1  }
0xa1: {  	s23 =	simm.s32 $0x1B8B  }
0xa2: {  	_ =	swait.ge [sflag:s23], $0x1  }
0xa3: {  	[sflag:s23] =	ssyncset.done $0x0  }
0xa4: {  	s25 =	simm.s32 $0x1B8E;
	s24 =	sld [smem:$0x3FFE];
	[sflag:s23] =	ssyncadd.s32 $0xFFFFFFFF  }
0xa5: {  	s26 =	simm.s32 $execute0_lowered;
	[smem:$0x3FD2] =	sst s25  }
0xa6: {  	s4 =	sshll.u32 s26, $0x1;
	_ =	strace $0x80000046;
	[dreg:$0x1] =	wrdreg $0xFFFFFFFF  }
0xa7: {  	s28 =	simm.s32 $_size_execute0_lowered;
	s2 =	sadd.s32 s2, s4;
	[dreg:$0x0] =	wrdreg $0x0  }
0xa8: {  	s4 =	sshll.u32 s28, $0x1;
	[dreg:$0x2] =	wrdreg s2  }
0xa9: {  	[dreg:$0x3] =	wrdreg s4  }
0xaa: {  	[dreg:$0x4] =	wrdreg $0xC0  }
0xab: {  	_ =	task [dreg:s6], $0x5FFFF  }
0xac: {  	[dreg:$0x1] =	wrdreg $0xFFFFFFFF  }
0xad: {  	[dreg:$0x0] =	wrdreg $0x60  }
0xae: {  	[dreg:$0x2] =	wrdreg s24  }
0xaf: {  	[dreg:$0x3] =	wrdreg $0x2B000  }
0xb0: {  	[dreg:$0x4] =	wrdreg $0x9  }
0xb1: {  	_ =	task.clear_ibuf [dreg:s6], $0x5FFFF;
	_ =	strace $0x90000046  }
0xb2: {  	s29 =	simm.s32 $0x9;
	_ =	strace $0x80000048  }
0xb3: {  	_ =	swait.ge [sflag:s29], $0x1  }
0xb4: {  	[sflag:s29] =	ssyncadd.s32 $0xFFFFFFFF  }
0xb5: {  	_ =	strace $0x90000048  }
0xb6: {  	_ =	sfence  }
0xb7: {  	s30 =	sld [smem:$0x0];
	_ =	sdelay $0x2  }
0xb8: {  	s31 =	sshll.u32 s1, $0xD;
	s1 =	sshrl.u32 s1, $0x2  }
0xb9: {  	s3 =	sand.u32 $0x4000, s31;
	s1 =	sadd.s32 s1, s30  }
0xba: {  	s0 =	sor.u32 s3, s0;
	s1 =	sshll.u32 s1, $0x11  }
0xbb: {  	s0 =	sor.u32 s1, s0  }
0xbc: {  	s0 =	sadd.s32 $0x8F2B, s0  }
0xbd: {  	[sflag:s0] =	ssyncadd.remote.s32 $0x1  }
0xbe: {  	_ =	sfence.sel $0xFFFF  }
0xbf: {  	[dreg:$0x0] =	wrdreg $0xFFFFFFFF;
	(pc) =	sbr.abs _section_cstart, $3  }
0xc0: {  	[dreg:$0x1] =	wrdreg $0xFFFFFFFF  }
0xc1: {  	_ =	task.clear_ibuf [dreg:s6], $0x2FFFF;
	_ =	strace $0x9FFFFFFF  }
0xc2: {  	(tm) =	ssettm $0x7FFFFFFF  }
0xc3: {  	_ =	shalt  }
tec
execute0_lowered:
.L_overlay_start_1:
0x0: {  	(tag) =	ssettag $0x1  }
0x1: {  	s4 =	rddreg [dreg:$0x0];
	s0 =	srdreg.scid  }
0x2: {  	s2 =	rddreg [dreg:$0x1];
	s1 =	stileid.u32;
	s3 =	simm.s32 $0x0  }
0x3: {  	s10 =	simm.s32 $0x80;
	s11 =	simm.s32 $0x2800;
	s14 =	simm.s32 $0x20  }
0x4: {  	s15 =	simm.s32 $0x10;
	s16 =	simm.s32 $0x0;
	s7 =	smul.u32 $0x2800, s1  }
0x5: {  	s5 =	sand.u32 $0x1, s0;
	s0 =	rddreg [dreg:$0x2];
	s8 =	smul.u32 $0x500, s1  }
0x6: {  	[smem:$0x7FF] =	sst s3;
	s30 =	smul.u32 $0xA00, s1;
	s12 =	sshll.u32 s1, $0x6  }
0x7: {  	s6 =	smul.u32 $0x28000, s5;
	s29 =	sshll.u32 s5, $0x7;
	s5 =	ssub.s32 $0x2, s5  }
0x8: {  	_ =	strace $0x80000047;
	s12 =	sor.u32 $0x1C01, s12;
	s31 =	sshrl.u32 s5, $0x1  }
0x9: {  	s6 =	sadd.s32 s7, s6;
	s7 =	sor.u32 s29, s8;
	s8 =	sshrl.u32 s30, $0x2  }
0xa: {  	s9 =	ssub.s32 s5, s31;
	s6 =	sshrl.u32 s6, $0x3;
	s7 =	sshrl.u32 s7, $0x3  }
0xb: {  	s5 =	sadd.s32 s8, s2;
	s8 =	simm.s32 $0x1;
	s6 =	sadd.s32 s6, s4  }
0xc: {  	s7 =	sadd.s32 s7, s4;
	s13 =	sshrl.u32 s5, $0x3;
	s4 =	sadd.s32 $0x2000, s6  }
0xd: {  	v0 =	vimm.f32 $1.000000000e+00;
	v1 =	vimm.f32 $0.0e+00;
	s6 =	sadd.s32 $0xC000, s7;
	s7 =	smax.u32 s9, $0x1;
	s9 =	simm.s32 $0x2880  }
.LBB2_1:
0xe: {  	[tilespmem:s3], [sflag:$0x1] =	stream.linear.gather [hbm4b:s4+s3], $0x2800, $0x38;
	[tilespmem:$0x2D80] =	vst v63  }
0xf: {  	_ =	swait.ge [sflag:s8], $0x2800  }
0x10: {  	[sflag:s8] =	ssyncset.done $0x0  }
0x11: {  	[sflag:s8] =	ssyncadd.s32 $0xFFFFD800  }
0x12: {  	[tilespmem:$0x2800] =	vst v0  }
0x13: {  	[tilespmem:$0x2810] =	vst v0  }
0x14: {  	[tilespmem:$0x2820] =	vst v0  }
0x15: {  	[tilespmem:$0x2830] =	vst v0  }
0x16: {  	[tilespmem:$0x2840] =	vst v0  }
0x17: {  	[tilespmem:$0x2850] =	vst v0  }
0x18: {  	[tilespmem:$0x2860] =	vst v0  }
0x19: {  	[tilespmem:$0x2870] =	vst v0  }
0x1a: {  	[tilespmem:$0x2880] =	vst v1  }
0x1b: {  	[tilespmem:$0x2890] =	vst v1  }
0x1c: {  	[tilespmem:$0x28A0] =	vst v1  }
0x1d: {  	[tilespmem:$0x28B0] =	vst v1  }
0x1e: {  	[tilespmem:$0x28C0] =	vst v1  }
0x1f: {  	[tilespmem:$0x28D0] =	vst v1  }
0x20: {  	[tilespmem:$0x28E0] =	vst v1  }
0x21: {  	[tilespmem:$0x28F0] =	vst v1  }
0x22: {  	[tilespmem:$0x2900] =	vst v1  }
0x23: {  	[tilespmem:$0x2910] =	vst v1  }
0x24: {  	[tilespmem:$0x2920] =	vst v1  }
0x25: {  	[tilespmem:$0x2930] =	vst v1  }
0x26: {  	[tilespmem:$0x2940] =	vst v1  }
0x27: {  	[tilespmem:$0x2950] =	vst v1  }
0x28: {  	[tilespmem:$0x2960] =	vst v1  }
0x29: {  	[tilespmem:$0x2970] =	vst v1  }
0x2a: {  	[tilespmem:$0x2980] =	vst v1  }
0x2b: {  	[tilespmem:$0x2990] =	vst v1  }
0x2c: {  	[tilespmem:$0x29A0] =	vst v1  }
0x2d: {  	[tilespmem:$0x29B0] =	vst v1  }
0x2e: {  	[tilespmem:$0x29C0] =	vst v1  }
0x2f: {  	[tilespmem:$0x29D0] =	vst v1  }
0x30: {  	[tilespmem:$0x29E0] =	vst v1  }
0x31: {  	[tilespmem:$0x29F0] =	vst v1  }
0x32: {  	[tilespmem:$0x2A00] =	vst v1  }
0x33: {  	[tilespmem:$0x2A10] =	vst v1  }
0x34: {  	[tilespmem:$0x2A20] =	vst v1  }
0x35: {  	[tilespmem:$0x2A30] =	vst v1  }
0x36: {  	[tilespmem:$0x2A40] =	vst v1  }
0x37: {  	[tilespmem:$0x2A50] =	vst v1  }
0x38: {  	[tilespmem:$0x2A60] =	vst v1  }
0x39: {  	[tilespmem:$0x2A70] =	vst v1  }
0x3a: {  	[tilespmem:$0x2A80] =	vst v1  }
0x3b: {  	[tilespmem:$0x2A90] =	vst v1  }
0x3c: {  	[tilespmem:$0x2AA0] =	vst v1  }
0x3d: {  	[tilespmem:$0x2AB0] =	vst v1  }
0x3e: {  	[tilespmem:$0x2AC0] =	vst v1  }
0x3f: {  	[tilespmem:$0x2AD0] =	vst v1  }
0x40: {  	[tilespmem:$0x2AE0] =	vst v1  }
0x41: {  	[tilespmem:$0x2AF0] =	vst v1  }
0x42: {  	[spmem:s5] =	stream.linear.scatter [tilespmem:s9], [sflag:$0x1], $0x280, $0x38;
	[tilespmem:$0x2D80] =	vst v63  }
0x43: {  	_ =	swait.ge [sflag:s8], $0x280  }
0x44: {  	[sflag:s8] =	ssyncset.done $0x0  }
0x45: {  	[sflag:s8] =	ssyncadd.s32 $0xFFFFFD80  }
0x46: {  	s17 =	simm.s32 $0x0;
	[bflag:$0x0] =	sbarrier.arrive $0xFFFF  }
0x47: {  	[spmem:s2] =	stream.indirect.scatter.add.f32 [tilespmem:s11], [sflag:$0x1], $0x1, s17, s10, $0xb8;
	[tilespmem:$0x2D80] =	vst v63  }
0x48: {  	_ =	swait.ge [sflag:s8], $0x80  }
0x49: {  	s17 =	simm.s32 $0x200;
	[sflag:s8] =	ssyncset.done $0x0  }
.LBB2_2:
0x4a: {  	s18 =	sshra.s32 s17, $0x2;
	[sflag:s8] =	ssyncadd.s32 $0xFFFFFF80;
	p0 =	sne.s32 s17, $0x9E00  }
0x4b: {  	[spmem:s2] =	stream.indirect.scatter.add.f32 [tilespmem:s11], [sflag:$0x1], $0x1, s18, s10, $0xb8;
	[tilespmem:$0x2D80] =	vst v63  }
.Ltmp0:
0x4c: {  	_ = 	snop;
	(pc) =	sbr.rel @p0 .LBB2_2-.Ltmp0, $4  }
0x4d: {  	_ = 	snop  }
0x4e: {  	s17 =	sadd.s32 $0x200, s17  }
0x4f: {  	_ =	swait.ge [sflag:s8], $0x80  }
0x50: {  	[sflag:s8] =	ssyncset.done $0x0  }
0x51: {  	s16 =	sadd.s32 $0x1, s16  }
0x52: {  	[sflag:s8] =	ssyncadd.s32 $0xFFFFFF80;
	p0 =	sne.s32 s16, s7  }
.Ltmp1:
0x53: {  	[bflag:$0x0] =	sbarrier.arrive $0xFFFF;
	(pc) =	sbr.rel @p0 .LBB2_1-.Ltmp1, $4  }
0x54: {  	[hbm:s6@s14], [sflag:s12] =	dma.strided [spmem:s13@s15], $0x50, s8, $0x10   }
0x55: {  	_ =	swait.ge [sflag:s8], $0x50  }
0x56: {  	[sflag:s8] =	ssyncset.done $0x0  }
0x57: {  	[sflag:s8] =	ssyncadd.s32 $0xFFFFFFB0  }
0x58: {  	_ =	sfence.sel $0x180000  }
0x59: {  	[bflag:$0x0] =	sbarrier.arrive $0xFFFF  }
0x5a: {  	p0 =	sne.s32 s1, $0x0;
	_ =	strace $0x90000047  }
0x5b: {  	s0 =	sadd.s32 @!p0 $0x100000, s0;
	[bflag:$0x2] =	sbarrier.arrive $0xFFFF  }
0x5c: {  	[sflag:s0] =	ssyncadd.tile.s32 @!p0 $0x1;
	_ =	shalt  }
.Lfunc_end2:
_tile_overlayer_lowered:
.L_overlay_start_2:
0x5d: {  	(tag) =	ssettag $0x2  }
0x5e: {  	s0 =	rddreg [dreg:$0x0];
	s2 =	stileid.u32  }
0x5f: {  	s1 =	rddreg [dreg:$0x1];
	p0 =	sne.s32 s2, $0x0  }
0x60: {  	s3 =	rddreg [dreg:$0x2];
	[bflag:$0x3] =	sbarrier.arrive $0xFFFF;
	s2 =	simm.s32 @!p0 $0x1C01  }
0x61: {  	[timem:s3], [sflag:s2] =	dma.local @!p0 [hbm:s0], s1  }
0x62: {  	s0 =	simm.s32 @!p0 $0x1  }
0x63: {  	_ =	swait.ge @!p0 [sflag:s0], s1  }
0x64: {  	s1 =	ssub.s32 @!p0 $0x0, s1;
	[sflag:s0] =	ssyncset.done @!p0 $0x0  }
0x65: {  	[sflag:s0] =	ssyncadd.s32 @!p0 s1  }
0x66: {  	[bflag:$0x3] =	sbarrier.arrive $0xFFFF  }
0x67: {  	_ =	shalt  }

</sc_bundles>
